<compile_context>
chip_gen: v7x
topology: tpu7x:2x2x1
jax: 0.10.2.dev20260603
libtpu: 0.0.44.dev20260713+nightly
codegen_flags: <defaults>
</compile_context>

<pallas_src>
import functools

import jax
import jax.numpy as jnp
from jax import lax
from jax.experimental import pallas as pl
from jax.experimental.pallas import tpu as pltpu
from jax.experimental.pallas import tpu_sc as plsc

N = 10000
NP = 10240
E = 320000
EPAD = 327680
F = 128
FH = 64
FE = 16
G = 64
NS = 16
NC = 2
ES = EPAD // NS
C = 128
CP = C // 2
NCH = ES // C
EPP = EPAD // 2
NROW = NP // NS
RB = 128
DUMP = N
BEP = 2048
BN = 1024


def _edge_lin_body(ea_ref, w1_ref, b1_ref, w2_ref, b2_ref, e1_ref, e2_ref):
    ea = ea_ref[...]
    e1_ref[...] = (jnp.dot(ea, w1_ref[0], preferred_element_type=jnp.float32)
                   + b1_ref[0])[None]
    e2_ref[...] = (jnp.dot(ea, w2_ref[0], preferred_element_type=jnp.float32)
                   + b2_ref[0])[None]


def _pack_w(We, be):
    z = jnp.zeros((FE, FH), jnp.float32)
    ws, bs = [], []
    for c in range(NC):
        wh = We[:, c * FH:(c + 1) * FH]
        bh = be[c * FH:(c + 1) * FH]
        top = jnp.concatenate([wh, z], axis=1)
        bot = jnp.concatenate([z, wh], axis=1)
        ws.append(jnp.concatenate([top, bot], axis=0))
        bs.append(jnp.concatenate([bh, bh]).reshape(1, F))
    return jnp.stack(ws), jnp.stack(bs)


def _edge_lin(edge_attr, We1, be1, We2, be2):
    w1p, b1p = _pack_w(We1, be1)
    w2p, b2p = _pack_w(We2, be2)
    ea2 = jnp.concatenate(
        [edge_attr.reshape(E // 2, 2 * FE),
         jnp.zeros((EPP - E // 2, 2 * FE), jnp.float32)])
    return pl.pallas_call(
        _edge_lin_body,
        grid=(EPP // BEP, NC),
        in_specs=[
            pl.BlockSpec((BEP, 2 * FE), lambda i, c: (i, 0)),
            pl.BlockSpec((1, 2 * FE, F), lambda i, c: (c, 0, 0)),
            pl.BlockSpec((1, 1, F), lambda i, c: (c, 0, 0)),
            pl.BlockSpec((1, 2 * FE, F), lambda i, c: (c, 0, 0)),
            pl.BlockSpec((1, 1, F), lambda i, c: (c, 0, 0)),
        ],
        out_specs=[
            pl.BlockSpec((1, BEP, F), lambda i, c: (c, i, 0)),
            pl.BlockSpec((1, BEP, F), lambda i, c: (c, i, 0)),
        ],
        out_shape=[
            jax.ShapeDtypeStruct((NC, EPP, F), jnp.float32),
            jax.ShapeDtypeStruct((NC, EPP, F), jnp.float32),
        ],
    )(ea2, w1p, b1p, w2p, b2p)


def _gine_agg_body(xs_hbm, e_hbm, src_hbm, dst_hbm, zer_hbm, out_hbm,
                   x_sh, agg_sh, src_v, dst_v, rows_v, e_v, bounce_v,
                   sem1, sem2, sem3):
    c = lax.axis_index("c")
    s = lax.axis_index("s")

    pltpu.sync_copy(zer_hbm, bounce_v)
    for k in range(NROW // RB):
        r0 = s * NROW + k * RB
        pltpu.sync_copy(bounce_v, agg_sh.at[pl.ds(r0, RB)])
    for k in range(NROW // RB):
        r0 = s * NROW + k * RB
        pltpu.sync_copy(xs_hbm.at[c, pl.ds(r0, RB)], bounce_v)
        pltpu.sync_copy(bounce_v, x_sh.at[pl.ds(r0, RB)])
    plsc.subcore_barrier()

    def chunk_body(j, carry):
        basep = s * (ES // 2) + j * CP
        cp_e = pltpu.async_copy(e_hbm.at[c, pl.ds(basep, CP)], e_v, sem1)
        cp_s = pltpu.async_copy(src_hbm.at[s, j], src_v, sem3)
        pltpu.sync_copy(dst_hbm.at[s, j], dst_v)
        cp_s.wait()
        cp_g = pltpu.async_copy(x_sh.at[src_v], rows_v, sem2)
        cp_e.wait()
        cp_g.wait()

        def row_body(r2, rcarry):
            for k2 in range(F // 16):
                r = 2 * r2 + (k2 // 4)
                sl = pl.ds((k2 % 4) * 16, 16)
                rows_v[r, sl] = jnp.maximum(
                    rows_v[r, sl] + e_v[r2, pl.ds(k2 * 16, 16)], 0.0)
            return rcarry

        lax.fori_loop(0, CP, row_body, 0, unroll=2)
        pltpu.sync_copy(rows_v, agg_sh.at[dst_v], add=True)
        return carry

    lax.fori_loop(0, NCH, chunk_body, 0)
    plsc.subcore_barrier()

    for k in range(NROW // RB):
        r0 = s * NROW + k * RB
        pltpu.sync_copy(agg_sh.at[pl.ds(r0, RB)], bounce_v)
        pltpu.sync_copy(bounce_v, out_hbm.at[c, pl.ds(r0, RB)])


@functools.lru_cache(maxsize=None)
def _gine_agg_kernel():
    return pl.kernel(
        _gine_agg_body,
        out_type=jax.ShapeDtypeStruct((NC, NP, FH), jnp.float32),
        mesh=plsc.VectorSubcoreMesh(core_axis_name="c", subcore_axis_name="s",
                                    num_cores=NC, num_subcores=NS),
        scratch_types=[
            pltpu.VMEM_SHARED((NP, FH), jnp.float32),
            pltpu.VMEM_SHARED((NP, FH), jnp.float32),
            pltpu.VMEM((C,), jnp.int32),
            pltpu.VMEM((C,), jnp.int32),
            pltpu.VMEM((C, FH), jnp.float32),
            pltpu.VMEM((CP, F), jnp.float32),
            pltpu.VMEM((RB, FH), jnp.float32),
            pltpu.SemaphoreType.DMA,
            pltpu.SemaphoreType.DMA,
            pltpu.SemaphoreType.DMA,
        ],
    )


def _gine_agg(xs, e, src3, dst3, zer):
    return _gine_agg_kernel()(xs, e, src3, dst3, zer)


def _elu(v):
    return jnp.where(v > 0, v, jnp.exp(v) - 1.0)


def _node_mlp_body(x_ref, agg_ref, wa_ref, ba_ref, wb_ref, bb_ref, out_ref):
    t = jnp.concatenate([x_ref[0] + agg_ref[0], x_ref[1] + agg_ref[1]],
                        axis=-1)
    u = _elu(jnp.dot(t, wa_ref[...], preferred_element_type=jnp.float32)
             + ba_ref[...])
    v = jnp.dot(u, wb_ref[...], preferred_element_type=jnp.float32) + bb_ref[...]
    w = _elu(v)
    out_ref[0] = w[:, :FH]
    out_ref[1] = w[:, FH:]


def _node_mlp(xs, agg, Wa, ba, Wb, bb):
    return pl.pallas_call(
        _node_mlp_body,
        grid=(NP // BN,),
        in_specs=[
            pl.BlockSpec((NC, BN, FH), lambda i: (0, i, 0)),
            pl.BlockSpec((NC, BN, FH), lambda i: (0, i, 0)),
            pl.BlockSpec((F, F), lambda i: (0, 0)),
            pl.BlockSpec((1, F), lambda i: (0, 0)),
            pl.BlockSpec((F, F), lambda i: (0, 0)),
            pl.BlockSpec((1, F), lambda i: (0, 0)),
        ],
        out_specs=pl.BlockSpec((NC, BN, FH), lambda i: (0, i, 0)),
        out_shape=jax.ShapeDtypeStruct((NC, NP, FH), jnp.float32),
    )(xs, agg, Wa, ba.reshape(1, F), Wb, bb.reshape(1, F))


def _pool_head_body(h_ref, batch_ref, wl1_ref, bl1_ref, wl2_ref, bl2_ref,
                    out_ref, hg_ref):
    i = pl.program_id(0)

    @pl.when(i == 0)
    def _():
        hg_ref[...] = jnp.zeros((G, F), jnp.float32)

    h_blk = jnp.concatenate([h_ref[0], h_ref[1]], axis=-1)
    iota_g = lax.broadcasted_iota(jnp.int32, (G, BN), 0)
    onehot = (iota_g == batch_ref[0]).astype(jnp.float32)
    hg_ref[...] += jnp.dot(onehot, h_blk, preferred_element_type=jnp.float32)

    @pl.when(i == NP // BN - 1)
    def _():
        hg2 = jnp.maximum(
            jnp.dot(hg_ref[...], wl1_ref[...],
                    preferred_element_type=jnp.float32) + bl1_ref[...], 0.0)
        out_ref[...] = (jnp.dot(hg2, wl2_ref[...],
                                preferred_element_type=jnp.float32)
                        + bl2_ref[...])


def _pool_head(hs, batch3, Wl1, bl1, Wl2, bl2):
    return pl.pallas_call(
        _pool_head_body,
        grid=(NP // BN,),
        in_specs=[
            pl.BlockSpec((NC, BN, FH), lambda i: (0, i, 0)),
            pl.BlockSpec((1, 1, BN), lambda i: (i, 0, 0)),
            pl.BlockSpec((F, F), lambda i: (0, 0)),
            pl.BlockSpec((1, F), lambda i: (0, 0)),
            pl.BlockSpec((F, 1), lambda i: (0, 0)),
            pl.BlockSpec((1, 1), lambda i: (0, 0)),
        ],
        out_specs=pl.BlockSpec((G, 1), lambda i: (0, 0)),
        out_shape=jax.ShapeDtypeStruct((G, 1), jnp.float32),
        scratch_shapes=[pltpu.VMEM((G, F), jnp.float32)],
    )(hs, batch3, Wl1, bl1.reshape(1, F), Wl2, bl2.reshape(1, 1))


def kernel(x, edge_index, edge_attr, batch,
           We1, be1, W1a, b1a, W1b, b1b,
           We2, be2, W2a, b2a, W2b, b2b,
           Wl1, bl1, Wl2, bl2):
    src3 = jnp.concatenate(
        [edge_index[0].astype(jnp.int32),
         jnp.zeros((EPAD - E,), jnp.int32)]).reshape(NS, NCH, C)
    dst3 = jnp.concatenate(
        [edge_index[1].astype(jnp.int32),
         jnp.full((EPAD - E,), DUMP, jnp.int32)]).reshape(NS, NCH, C)
    xs = jnp.stack([x[:, :FH], x[:, FH:]])
    xs = jnp.concatenate(
        [xs, jnp.zeros((NC, NP - N, FH), jnp.float32)], axis=1)
    zer = jnp.zeros((RB, FH), jnp.float32)
    batch3 = jnp.concatenate(
        [batch.astype(jnp.int32), jnp.full((NP - N,), G, jnp.int32)]
    ).reshape(NP // BN, 1, BN)

    e1, e2 = _edge_lin(edge_attr, We1, be1, We2, be2)

    agg1 = _gine_agg(xs, e1, src3, dst3, zer)
    hs = _node_mlp(xs, agg1, W1a, b1a, W1b, b1b)

    agg2 = _gine_agg(hs, e2, src3, dst3, zer)
    hs = _node_mlp(hs, agg2, W2a, b2a, W2b, b2b)

    return _pool_head(hs, batch3, Wl1, bl1, Wl2, bl2)

# --- scband reference (transcript-rebuilt; emitter-appended) ---
"""Pipeline reference for scband-gine-19301583028827 (READ-ONLY COPY).

The authoritative reference and input builder live on the scoring server;
editing this copy changes nothing except your own understanding.
"""

import jax, jax.numpy as jnp
import numpy as np

N = 10000
E = 320000
F_IN = 128
F_E = 16
H = 128
T = 1
G = 64


def _lin_params(key, fan_in, fan_out):
    kw, kb = jax.random.split(key)
    bound = 1.0 / np.sqrt(fan_in)
    W = jax.random.uniform(kw, (fan_in, fan_out), minval=-bound, maxval=bound, dtype=jnp.float32)
    b = jax.random.uniform(kb, (fan_out,), minval=-bound, maxval=bound, dtype=jnp.float32)
    return W, b


def setup_inputs(seed: int = 0) -> dict:
    key = jax.random.key(seed)
    ks = jax.random.split(key, 16)
    inp = {}
    inp["x"] = jax.random.normal(ks[0], (N, F_IN), dtype=jnp.float32)
    inp["edge_index"] = jax.random.randint(ks[1], (2, E), 0, N)
    inp["edge_attr"] = jax.random.normal(ks[2], (E, F_E), dtype=jnp.float32)
    inp["batch"] = jnp.sort(jax.random.randint(ks[3], (N,), 0, G))
    # conv1: edge linear (edge_dim -> in_channels), nn = Linear(F_IN,H), ELU, Linear(H,H)
    inp["We1"], inp["be1"] = _lin_params(ks[4], F_E, F_IN)
    inp["W1a"], inp["b1a"] = _lin_params(ks[5], F_IN, H)
    inp["W1b"], inp["b1b"] = _lin_params(ks[6], H, H)
    # conv2: edge linear (edge_dim -> H), nn = Linear(H,H), ELU, Linear(H,H)
    inp["We2"], inp["be2"] = _lin_params(ks[7], F_E, H)
    inp["W2a"], inp["b2a"] = _lin_params(ks[8], H, H)
    inp["W2b"], inp["b2b"] = _lin_params(ks[9], H, H)
    # heads
    inp["Wl1"], inp["bl1"] = _lin_params(ks[10], H, H)
    inp["Wl2"], inp["bl2"] = _lin_params(ks[11], H, T)
    return inp


def reference(x, edge_index, edge_attr, batch,
              We1, be1, W1a, b1a, W1b, b1b,
              We2, be2, W2a, b2a, W2b, b2b,
              Wl1, bl1, Wl2, bl2):
    src = edge_index[0]
    dst = edge_index[1]

    def gine_conv(h, We, be, Wa, ba, Wb, bb):
        # message: ReLU(x_j + lin(edge_attr)), sum-aggregated at dst, eps=0
        e = edge_attr @ We + be
        m = jax.nn.relu(h[src] + e)
        agg = jax.ops.segment_sum(m, dst, num_segments=N)
        out = h + agg
        out = jax.nn.elu(out @ Wa + ba)
        return out @ Wb + bb

    h = gine_conv(x, We1, be1, W1a, b1a, W1b, b1b)
    h = jax.nn.elu(h)
    # dropout is identity in eval mode
    h = gine_conv(h, We2, be2, W2a, b2a, W2b, b2b)
    h = jax.nn.elu(h)
    hg = jax.ops.segment_sum(h, batch, num_segments=G)  # global_add_pool
    hg = jax.nn.relu(hg @ Wl1 + bl1)
    out = hg @ Wl2 + bl2
    return out

if __name__ == "__main__":
    import jax
    _d = setup_inputs()
    print(jax.jit(kernel)(*tuple(_d.values())))

</pallas_src>

<mosaic_0001>
#map = affine_map<(d0, d1) -> (0, 0, 0)>
#map1 = affine_map<(d0, d1) -> (0, 0)>
module attributes {stable_mosaic.version = 14 : i64} {
  func.func @_gine_agg_body(%arg0: i32, %arg1: i32, %arg2: memref<2x10240x64xf32, #tpu.memory_space<hbm>>, %arg3: memref<2x163840x128xf32, #tpu.memory_space<hbm>>, %arg4: memref<16x160x128xi32, #tpu.memory_space<hbm>>, %arg5: memref<16x160x128xi32, #tpu.memory_space<hbm>>, %arg6: memref<128x64xf32, #tpu.memory_space<hbm>>, %arg7: memref<2x10240x64xf32, #tpu.memory_space<hbm>>, %arg8: memref<10240x64xf32, #tpu.memory_space<vmem_shared>>, %arg9: memref<10240x64xf32, #tpu.memory_space<vmem_shared>>, %arg10: memref<128xi32, #tpu.memory_space<vmem>>, %arg11: memref<128xi32, #tpu.memory_space<vmem>>, %arg12: memref<128x64xf32, #tpu.memory_space<vmem>>, %arg13: memref<64x128xf32, #tpu.memory_space<vmem>>, %arg14: memref<128x64xf32, #tpu.memory_space<vmem>>, %arg15: memref<!tpu.dma_semaphore, #tpu.memory_space<semaphore_mem>>, %arg16: memref<!tpu.dma_semaphore, #tpu.memory_space<semaphore_mem>>, %arg17: memref<!tpu.dma_semaphore, #tpu.memory_space<semaphore_mem>>) attributes {dimension_semantics = [#tpu.dimension_semantics<core_parallel>, #tpu.dimension_semantics<subcore_parallel>], iteration_bounds = array<i64: 2, 16>, scalar_prefetch = 0 : i64, scratch_operands = 10 : i64, tpu.core_type = #tpu.core_type<sc_vector_subcore>, window_params = [{transform_indices = #map}, {transform_indices = #map}, {transform_indices = #map}, {transform_indices = #map}, {transform_indices = #map1}, {transform_indices = #map}]} {
    "tpu.region"() ({
      %run_scoped3A = tpu.sem_alloc : memref<!tpu.dma_semaphore, #tpu.memory_space<semaphore_mem>>
      tpu.enqueue_dma source(%arg6 : memref<128x64xf32, #tpu.memory_space<hbm>>) target(%arg14 : memref<128x64xf32, #tpu.memory_space<vmem>>) target_semaphore(%run_scoped3A : memref<!tpu.dma_semaphore, #tpu.memory_space<semaphore_mem>>)
      tpu.wait_dma2 semaphore(%run_scoped3A : memref<!tpu.dma_semaphore, #tpu.memory_space<semaphore_mem>>) src(%arg6 : memref<128x64xf32, #tpu.memory_space<hbm>>) dst(%arg14 : memref<128x64xf32, #tpu.memory_space<vmem>>)
      tpu.yield
    }) : () -> ()
    %mul3A = arith.constant 640 : i32
    %mul3A_0 = arith.muli %arg1, %mul3A : i32
    %add3A = arith.constant 0 : i32
    %add3A_1 = arith.addi %mul3A_0, %add3A : i32
    "tpu.region"() ({
      %run_scoped3A = tpu.sem_alloc : memref<!tpu.dma_semaphore, #tpu.memory_space<semaphore_mem>>
      %dma_start3A = arith.constant 0 : i32
      %dma_start3A_64 = tpu.memref_slice %arg9[%add3A_1, %dma_start3A] : memref<10240x64xf32, #tpu.memory_space<vmem_shared>> -> memref<128x64xf32, #tpu.memory_space<vmem_shared>>
      %dma_start3A_65 = arith.constant 0 : i32
      %dma_start3A_66 = tpu.memref_slice %arg9[%add3A_1, %dma_start3A_65] : memref<10240x64xf32, #tpu.memory_space<vmem_shared>> -> memref<128x64xf32, #tpu.memory_space<vmem_shared>>
      tpu.enqueue_dma source(%arg14 : memref<128x64xf32, #tpu.memory_space<vmem>>) target(%dma_start3A_66 : memref<128x64xf32, #tpu.memory_space<vmem_shared>>) target_semaphore(%run_scoped3A : memref<!tpu.dma_semaphore, #tpu.memory_space<semaphore_mem>>)
      %dma_wait3A = arith.constant 0 : i32
      %dma_wait3A_67 = tpu.memref_slice %arg9[%add3A_1, %dma_wait3A] : memref<10240x64xf32, #tpu.memory_space<vmem_shared>> -> memref<128x64xf32, #tpu.memory_space<vmem_shared>>
      %dma_wait3A_68 = arith.constant 0 : i32
      %dma_wait3A_69 = tpu.memref_slice %arg9[%add3A_1, %dma_wait3A_68] : memref<10240x64xf32, #tpu.memory_space<vmem_shared>> -> memref<128x64xf32, #tpu.memory_space<vmem_shared>>
      tpu.wait_dma2 semaphore(%run_scoped3A : memref<!tpu.dma_semaphore, #tpu.memory_space<semaphore_mem>>) src(%arg14 : memref<128x64xf32, #tpu.memory_space<vmem>>) dst(%dma_wait3A_69 : memref<128x64xf32, #tpu.memory_space<vmem_shared>>)
      tpu.yield
    }) : () -> ()
    %mul3A_2 = arith.constant 640 : i32
    %mul3A_3 = arith.muli %arg1, %mul3A_2 : i32
    %add3A_4 = arith.constant 128 : i32
    %add3A_5 = arith.addi %mul3A_3, %add3A_4 : i32
    "tpu.region"() ({
      %run_scoped3A = tpu.sem_alloc : memref<!tpu.dma_semaphore, #tpu.memory_space<semaphore_mem>>
      %dma_start3A = arith.constant 0 : i32
      %dma_start3A_64 = tpu.memref_slice %arg9[%add3A_5, %dma_start3A] : memref<10240x64xf32, #tpu.memory_space<vmem_shared>> -> memref<128x64xf32, #tpu.memory_space<vmem_shared>>
      %dma_start3A_65 = arith.constant 0 : i32
      %dma_start3A_66 = tpu.memref_slice %arg9[%add3A_5, %dma_start3A_65] : memref<10240x64xf32, #tpu.memory_space<vmem_shared>> -> memref<128x64xf32, #tpu.memory_space<vmem_shared>>
      tpu.enqueue_dma source(%arg14 : memref<128x64xf32, #tpu.memory_space<vmem>>) target(%dma_start3A_66 : memref<128x64xf32, #tpu.memory_space<vmem_shared>>) target_semaphore(%run_scoped3A : memref<!tpu.dma_semaphore, #tpu.memory_space<semaphore_mem>>)
      %dma_wait3A = arith.constant 0 : i32
      %dma_wait3A_67 = tpu.memref_slice %arg9[%add3A_5, %dma_wait3A] : memref<10240x64xf32, #tpu.memory_space<vmem_shared>> -> memref<128x64xf32, #tpu.memory_space<vmem_shared>>
      %dma_wait3A_68 = arith.constant 0 : i32
      %dma_wait3A_69 = tpu.memref_slice %arg9[%add3A_5, %dma_wait3A_68] : memref<10240x64xf32, #tpu.memory_space<vmem_shared>> -> memref<128x64xf32, #tpu.memory_space<vmem_shared>>
      tpu.wait_dma2 semaphore(%run_scoped3A : memref<!tpu.dma_semaphore, #tpu.memory_space<semaphore_mem>>) src(%arg14 : memref<128x64xf32, #tpu.memory_space<vmem>>) dst(%dma_wait3A_69 : memref<128x64xf32, #tpu.memory_space<vmem_shared>>)
      tpu.yield
    }) : () -> ()
    %mul3A_6 = arith.constant 640 : i32
    %mul3A_7 = arith.muli %arg1, %mul3A_6 : i32
    %add3A_8 = arith.constant 256 : i32
    %add3A_9 = arith.addi %mul3A_7, %add3A_8 : i32
    "tpu.region"() ({
      %run_scoped3A = tpu.sem_alloc : memref<!tpu.dma_semaphore, #tpu.memory_space<semaphore_mem>>
      %dma_start3A = arith.constant 0 : i32
      %dma_start3A_64 = tpu.memref_slice %arg9[%add3A_9, %dma_start3A] : memref<10240x64xf32, #tpu.memory_space<vmem_shared>> -> memref<128x64xf32, #tpu.memory_space<vmem_shared>>
      %dma_start3A_65 = arith.constant 0 : i32
      %dma_start3A_66 = tpu.memref_slice %arg9[%add3A_9, %dma_start3A_65] : memref<10240x64xf32, #tpu.memory_space<vmem_shared>> -> memref<128x64xf32, #tpu.memory_space<vmem_shared>>
      tpu.enqueue_dma source(%arg14 : memref<128x64xf32, #tpu.memory_space<vmem>>) target(%dma_start3A_66 : memref<128x64xf32, #tpu.memory_space<vmem_shared>>) target_semaphore(%run_scoped3A : memref<!tpu.dma_semaphore, #tpu.memory_space<semaphore_mem>>)
      %dma_wait3A = arith.constant 0 : i32
      %dma_wait3A_67 = tpu.memref_slice %arg9[%add3A_9, %dma_wait3A] : memref<10240x64xf32, #tpu.memory_space<vmem_shared>> -> memref<128x64xf32, #tpu.memory_space<vmem_shared>>
      %dma_wait3A_68 = arith.constant 0 : i32
      %dma_wait3A_69 = tpu.memref_slice %arg9[%add3A_9, %dma_wait3A_68] : memref<10240x64xf32, #tpu.memory_space<vmem_shared>> -> memref<128x64xf32, #tpu.memory_space<vmem_shared>>
      tpu.wait_dma2 semaphore(%run_scoped3A : memref<!tpu.dma_semaphore, #tpu.memory_space<semaphore_mem>>) src(%arg14 : memref<128x64xf32, #tpu.memory_space<vmem>>) dst(%dma_wait3A_69 : memref<128x64xf32, #tpu.memory_space<vmem_shared>>)
      tpu.yield
    }) : () -> ()
    %mul3A_10 = arith.constant 640 : i32
    %mul3A_11 = arith.muli %arg1, %mul3A_10 : i32
    %add3A_12 = arith.constant 384 : i32
    %add3A_13 = arith.addi %mul3A_11, %add3A_12 : i32
    "tpu.region"() ({
      %run_scoped3A = tpu.sem_alloc : memref<!tpu.dma_semaphore, #tpu.memory_space<semaphore_mem>>
      %dma_start3A = arith.constant 0 : i32
      %dma_start3A_64 = tpu.memref_slice %arg9[%add3A_13, %dma_start3A] : memref<10240x64xf32, #tpu.memory_space<vmem_shared>> -> memref<128x64xf32, #tpu.memory_space<vmem_shared>>
      %dma_start3A_65 = arith.constant 0 : i32
      %dma_start3A_66 = tpu.memref_slice %arg9[%add3A_13, %dma_start3A_65] : memref<10240x64xf32, #tpu.memory_space<vmem_shared>> -> memref<128x64xf32, #tpu.memory_space<vmem_shared>>
      tpu.enqueue_dma source(%arg14 : memref<128x64xf32, #tpu.memory_space<vmem>>) target(%dma_start3A_66 : memref<128x64xf32, #tpu.memory_space<vmem_shared>>) target_semaphore(%run_scoped3A : memref<!tpu.dma_semaphore, #tpu.memory_space<semaphore_mem>>)
      %dma_wait3A = arith.constant 0 : i32
      %dma_wait3A_67 = tpu.memref_slice %arg9[%add3A_13, %dma_wait3A] : memref<10240x64xf32, #tpu.memory_space<vmem_shared>> -> memref<128x64xf32, #tpu.memory_space<vmem_shared>>
      %dma_wait3A_68 = arith.constant 0 : i32
      %dma_wait3A_69 = tpu.memref_slice %arg9[%add3A_13, %dma_wait3A_68] : memref<10240x64xf32, #tpu.memory_space<vmem_shared>> -> memref<128x64xf32, #tpu.memory_space<vmem_shared>>
      tpu.wait_dma2 semaphore(%run_scoped3A : memref<!tpu.dma_semaphore, #tpu.memory_space<semaphore_mem>>) src(%arg14 : memref<128x64xf32, #tpu.memory_space<vmem>>) dst(%dma_wait3A_69 : memref<128x64xf32, #tpu.memory_space<vmem_shared>>)
      tpu.yield
    }) : () -> ()
    %mul3A_14 = arith.constant 640 : i32
    %mul3A_15 = arith.muli %arg1, %mul3A_14 : i32
    %add3A_16 = arith.constant 512 : i32
    %add3A_17 = arith.addi %mul3A_15, %add3A_16 : i32
    "tpu.region"() ({
      %run_scoped3A = tpu.sem_alloc : memref<!tpu.dma_semaphore, #tpu.memory_space<semaphore_mem>>
      %dma_start3A = arith.constant 0 : i32
      %dma_start3A_64 = tpu.memref_slice %arg9[%add3A_17, %dma_start3A] : memref<10240x64xf32, #tpu.memory_space<vmem_shared>> -> memref<128x64xf32, #tpu.memory_space<vmem_shared>>
      %dma_start3A_65 = arith.constant 0 : i32
      %dma_start3A_66 = tpu.memref_slice %arg9[%add3A_17, %dma_start3A_65] : memref<10240x64xf32, #tpu.memory_space<vmem_shared>> -> memref<128x64xf32, #tpu.memory_space<vmem_shared>>
      tpu.enqueue_dma source(%arg14 : memref<128x64xf32, #tpu.memory_space<vmem>>) target(%dma_start3A_66 : memref<128x64xf32, #tpu.memory_space<vmem_shared>>) target_semaphore(%run_scoped3A : memref<!tpu.dma_semaphore, #tpu.memory_space<semaphore_mem>>)
      %dma_wait3A = arith.constant 0 : i32
      %dma_wait3A_67 = tpu.memref_slice %arg9[%add3A_17, %dma_wait3A] : memref<10240x64xf32, #tpu.memory_space<vmem_shared>> -> memref<128x64xf32, #tpu.memory_space<vmem_shared>>
      %dma_wait3A_68 = arith.constant 0 : i32
      %dma_wait3A_69 = tpu.memref_slice %arg9[%add3A_17, %dma_wait3A_68] : memref<10240x64xf32, #tpu.memory_space<vmem_shared>> -> memref<128x64xf32, #tpu.memory_space<vmem_shared>>
      tpu.wait_dma2 semaphore(%run_scoped3A : memref<!tpu.dma_semaphore, #tpu.memory_space<semaphore_mem>>) src(%arg14 : memref<128x64xf32, #tpu.memory_space<vmem>>) dst(%dma_wait3A_69 : memref<128x64xf32, #tpu.memory_space<vmem_shared>>)
      tpu.yield
    }) : () -> ()
    %mul3A_18 = arith.constant 640 : i32
    %mul3A_19 = arith.muli %arg1, %mul3A_18 : i32
    %add3A_20 = arith.constant 0 : i32
    %add3A_21 = arith.addi %mul3A_19, %add3A_20 : i32
    "tpu.region"() ({
      %run_scoped3A = tpu.sem_alloc : memref<!tpu.dma_semaphore, #tpu.memory_space<semaphore_mem>>
      %dma_start3A = arith.constant 0 : i32
      %dma_start3A_64 = tpu.memref_slice %arg2[%arg0, %add3A_21, %dma_start3A] : memref<2x10240x64xf32, #tpu.memory_space<hbm>> -> memref<1x128x64xf32, #tpu.memory_space<hbm>>
      %dma_start3A_65 = tpu.memref_squeeze %dma_start3A_64 : memref<1x128x64xf32, #tpu.memory_space<hbm>> -> memref<128x64xf32, #tpu.memory_space<hbm>>
      %dma_start3A_66 = arith.constant 0 : i32
      %dma_start3A_67 = tpu.memref_slice %arg2[%arg0, %add3A_21, %dma_start3A_66] : memref<2x10240x64xf32, #tpu.memory_space<hbm>> -> memref<1x128x64xf32, #tpu.memory_space<hbm>>
      %dma_start3A_68 = tpu.memref_squeeze %dma_start3A_67 : memref<1x128x64xf32, #tpu.memory_space<hbm>> -> memref<128x64xf32, #tpu.memory_space<hbm>>
      tpu.enqueue_dma source(%dma_start3A_68 : memref<128x64xf32, #tpu.memory_space<hbm>>) target(%arg14 : memref<128x64xf32, #tpu.memory_space<vmem>>) target_semaphore(%run_scoped3A : memref<!tpu.dma_semaphore, #tpu.memory_space<semaphore_mem>>)
      %dma_wait3A = arith.constant 0 : i32
      %dma_wait3A_69 = tpu.memref_slice %arg2[%arg0, %add3A_21, %dma_wait3A] : memref<2x10240x64xf32, #tpu.memory_space<hbm>> -> memref<1x128x64xf32, #tpu.memory_space<hbm>>
      %dma_wait3A_70 = tpu.memref_squeeze %dma_wait3A_69 : memref<1x128x64xf32, #tpu.memory_space<hbm>> -> memref<128x64xf32, #tpu.memory_space<hbm>>
      %dma_wait3A_71 = arith.constant 0 : i32
      %dma_wait3A_72 = tpu.memref_slice %arg2[%arg0, %add3A_21, %dma_wait3A_71] : memref<2x10240x64xf32, #tpu.memory_space<hbm>> -> memref<1x128x64xf32, #tpu.memory_space<hbm>>
      %dma_wait3A_73 = tpu.memref_squeeze %dma_wait3A_72 : memref<1x128x64xf32, #tpu.memory_space<hbm>> -> memref<128x64xf32, #tpu.memory_space<hbm>>
      tpu.wait_dma2 semaphore(%run_scoped3A : memref<!tpu.dma_semaphore, #tpu.memory_space<semaphore_mem>>) src(%dma_wait3A_73 : memref<128x64xf32, #tpu.memory_space<hbm>>) dst(%arg14 : memref<128x64xf32, #tpu.memory_space<vmem>>)
      tpu.yield
    }) : () -> ()
    "tpu.region"() ({
      %run_scoped3A = tpu.sem_alloc : memref<!tpu.dma_semaphore, #tpu.memory_space<semaphore_mem>>
      %dma_start3A = arith.constant 0 : i32
      %dma_start3A_64 = tpu.memref_slice %arg8[%add3A_21, %dma_start3A] : memref<10240x64xf32, #tpu.memory_space<vmem_shared>> -> memref<128x64xf32, #tpu.memory_space<vmem_shared>>
      %dma_start3A_65 = arith.constant 0 : i32
      %dma_start3A_66 = tpu.memref_slice %arg8[%add3A_21, %dma_start3A_65] : memref<10240x64xf32, #tpu.memory_space<vmem_shared>> -> memref<128x64xf32, #tpu.memory_space<vmem_shared>>
      tpu.enqueue_dma source(%arg14 : memref<128x64xf32, #tpu.memory_space<vmem>>) target(%dma_start3A_66 : memref<128x64xf32, #tpu.memory_space<vmem_shared>>) target_semaphore(%run_scoped3A : memref<!tpu.dma_semaphore, #tpu.memory_space<semaphore_mem>>)
      %dma_wait3A = arith.constant 0 : i32
      %dma_wait3A_67 = tpu.memref_slice %arg8[%add3A_21, %dma_wait3A] : memref<10240x64xf32, #tpu.memory_space<vmem_shared>> -> memref<128x64xf32, #tpu.memory_space<vmem_shared>>
      %dma_wait3A_68 = arith.constant 0 : i32
      %dma_wait3A_69 = tpu.memref_slice %arg8[%add3A_21, %dma_wait3A_68] : memref<10240x64xf32, #tpu.memory_space<vmem_shared>> -> memref<128x64xf32, #tpu.memory_space<vmem_shared>>
      tpu.wait_dma2 semaphore(%run_scoped3A : memref<!tpu.dma_semaphore, #tpu.memory_space<semaphore_mem>>) src(%arg14 : memref<128x64xf32, #tpu.memory_space<vmem>>) dst(%dma_wait3A_69 : memref<128x64xf32, #tpu.memory_space<vmem_shared>>)
      tpu.yield
    }) : () -> ()
    %mul3A_22 = arith.constant 640 : i32
    %mul3A_23 = arith.muli %arg1, %mul3A_22 : i32
    %add3A_24 = arith.constant 128 : i32
    %add3A_25 = arith.addi %mul3A_23, %add3A_24 : i32
    "tpu.region"() ({
      %run_scoped3A = tpu.sem_alloc : memref<!tpu.dma_semaphore, #tpu.memory_space<semaphore_mem>>
      %dma_start3A = arith.constant 0 : i32
      %dma_start3A_64 = tpu.memref_slice %arg2[%arg0, %add3A_25, %dma_start3A] : memref<2x10240x64xf32, #tpu.memory_space<hbm>> -> memref<1x128x64xf32, #tpu.memory_space<hbm>>
      %dma_start3A_65 = tpu.memref_squeeze %dma_start3A_64 : memref<1x128x64xf32, #tpu.memory_space<hbm>> -> memref<128x64xf32, #tpu.memory_space<hbm>>
      %dma_start3A_66 = arith.constant 0 : i32
      %dma_start3A_67 = tpu.memref_slice %arg2[%arg0, %add3A_25, %dma_start3A_66] : memref<2x10240x64xf32, #tpu.memory_space<hbm>> -> memref<1x128x64xf32, #tpu.memory_space<hbm>>
      %dma_start3A_68 = tpu.memref_squeeze %dma_start3A_67 : memref<1x128x64xf32, #tpu.memory_space<hbm>> -> memref<128x64xf32, #tpu.memory_space<hbm>>
      tpu.enqueue_dma source(%dma_start3A_68 : memref<128x64xf32, #tpu.memory_space<hbm>>) target(%arg14 : memref<128x64xf32, #tpu.memory_space<vmem>>) target_semaphore(%run_scoped3A : memref<!tpu.dma_semaphore, #tpu.memory_space<semaphore_mem>>)
      %dma_wait3A = arith.constant 0 : i32
      %dma_wait3A_69 = tpu.memref_slice %arg2[%arg0, %add3A_25, %dma_wait3A] : memref<2x10240x64xf32, #tpu.memory_space<hbm>> -> memref<1x128x64xf32, #tpu.memory_space<hbm>>
      %dma_wait3A_70 = tpu.memref_squeeze %dma_wait3A_69 : memref<1x128x64xf32, #tpu.memory_space<hbm>> -> memref<128x64xf32, #tpu.memory_space<hbm>>
      %dma_wait3A_71 = arith.constant 0 : i32
      %dma_wait3A_72 = tpu.memref_slice %arg2[%arg0, %add3A_25, %dma_wait3A_71] : memref<2x10240x64xf32, #tpu.memory_space<hbm>> -> memref<1x128x64xf32, #tpu.memory_space<hbm>>
      %dma_wait3A_73 = tpu.memref_squeeze %dma_wait3A_72 : memref<1x128x64xf32, #tpu.memory_space<hbm>> -> memref<128x64xf32, #tpu.memory_space<hbm>>
      tpu.wait_dma2 semaphore(%run_scoped3A : memref<!tpu.dma_semaphore, #tpu.memory_space<semaphore_mem>>) src(%dma_wait3A_73 : memref<128x64xf32, #tpu.memory_space<hbm>>) dst(%arg14 : memref<128x64xf32, #tpu.memory_space<vmem>>)
      tpu.yield
    }) : () -> ()
    "tpu.region"() ({
      %run_scoped3A = tpu.sem_alloc : memref<!tpu.dma_semaphore, #tpu.memory_space<semaphore_mem>>
      %dma_start3A = arith.constant 0 : i32
      %dma_start3A_64 = tpu.memref_slice %arg8[%add3A_25, %dma_start3A] : memref<10240x64xf32, #tpu.memory_space<vmem_shared>> -> memref<128x64xf32, #tpu.memory_space<vmem_shared>>
      %dma_start3A_65 = arith.constant 0 : i32
      %dma_start3A_66 = tpu.memref_slice %arg8[%add3A_25, %dma_start3A_65] : memref<10240x64xf32, #tpu.memory_space<vmem_shared>> -> memref<128x64xf32, #tpu.memory_space<vmem_shared>>
      tpu.enqueue_dma source(%arg14 : memref<128x64xf32, #tpu.memory_space<vmem>>) target(%dma_start3A_66 : memref<128x64xf32, #tpu.memory_space<vmem_shared>>) target_semaphore(%run_scoped3A : memref<!tpu.dma_semaphore, #tpu.memory_space<semaphore_mem>>)
      %dma_wait3A = arith.constant 0 : i32
      %dma_wait3A_67 = tpu.memref_slice %arg8[%add3A_25, %dma_wait3A] : memref<10240x64xf32, #tpu.memory_space<vmem_shared>> -> memref<128x64xf32, #tpu.memory_space<vmem_shared>>
      %dma_wait3A_68 = arith.constant 0 : i32
      %dma_wait3A_69 = tpu.memref_slice %arg8[%add3A_25, %dma_wait3A_68] : memref<10240x64xf32, #tpu.memory_space<vmem_shared>> -> memref<128x64xf32, #tpu.memory_space<vmem_shared>>
      tpu.wait_dma2 semaphore(%run_scoped3A : memref<!tpu.dma_semaphore, #tpu.memory_space<semaphore_mem>>) src(%arg14 : memref<128x64xf32, #tpu.memory_space<vmem>>) dst(%dma_wait3A_69 : memref<128x64xf32, #tpu.memory_space<vmem_shared>>)
      tpu.yield
    }) : () -> ()
    %mul3A_26 = arith.constant 640 : i32
    %mul3A_27 = arith.muli %arg1, %mul3A_26 : i32
    %add3A_28 = arith.constant 256 : i32
    %add3A_29 = arith.addi %mul3A_27, %add3A_28 : i32
    "tpu.region"() ({
      %run_scoped3A = tpu.sem_alloc : memref<!tpu.dma_semaphore, #tpu.memory_space<semaphore_mem>>
      %dma_start3A = arith.constant 0 : i32
      %dma_start3A_64 = tpu.memref_slice %arg2[%arg0, %add3A_29, %dma_start3A] : memref<2x10240x64xf32, #tpu.memory_space<hbm>> -> memref<1x128x64xf32, #tpu.memory_space<hbm>>
      %dma_start3A_65 = tpu.memref_squeeze %dma_start3A_64 : memref<1x128x64xf32, #tpu.memory_space<hbm>> -> memref<128x64xf32, #tpu.memory_space<hbm>>
      %dma_start3A_66 = arith.constant 0 : i32
      %dma_start3A_67 = tpu.memref_slice %arg2[%arg0, %add3A_29, %dma_start3A_66] : memref<2x10240x64xf32, #tpu.memory_space<hbm>> -> memref<1x128x64xf32, #tpu.memory_space<hbm>>
      %dma_start3A_68 = tpu.memref_squeeze %dma_start3A_67 : memref<1x128x64xf32, #tpu.memory_space<hbm>> -> memref<128x64xf32, #tpu.memory_space<hbm>>
      tpu.enqueue_dma source(%dma_start3A_68 : memref<128x64xf32, #tpu.memory_space<hbm>>) target(%arg14 : memref<128x64xf32, #tpu.memory_space<vmem>>) target_semaphore(%run_scoped3A : memref<!tpu.dma_semaphore, #tpu.memory_space<semaphore_mem>>)
      %dma_wait3A = arith.constant 0 : i32
      %dma_wait3A_69 = tpu.memref_slice %arg2[%arg0, %add3A_29, %dma_wait3A] : memref<2x10240x64xf32, #tpu.memory_space<hbm>> -> memref<1x128x64xf32, #tpu.memory_space<hbm>>
      %dma_wait3A_70 = tpu.memref_squeeze %dma_wait3A_69 : memref<1x128x64xf32, #tpu.memory_space<hbm>> -> memref<128x64xf32, #tpu.memory_space<hbm>>
      %dma_wait3A_71 = arith.constant 0 : i32
      %dma_wait3A_72 = tpu.memref_slice %arg2[%arg0, %add3A_29, %dma_wait3A_71] : memref<2x10240x64xf32, #tpu.memory_space<hbm>> -> memref<1x128x64xf32, #tpu.memory_space<hbm>>
      %dma_wait3A_73 = tpu.memref_squeeze %dma_wait3A_72 : memref<1x128x64xf32, #tpu.memory_space<hbm>> -> memref<128x64xf32, #tpu.memory_space<hbm>>
      tpu.wait_dma2 semaphore(%run_scoped3A : memref<!tpu.dma_semaphore, #tpu.memory_space<semaphore_mem>>) src(%dma_wait3A_73 : memref<128x64xf32, #tpu.memory_space<hbm>>) dst(%arg14 : memref<128x64xf32, #tpu.memory_space<vmem>>)
      tpu.yield
    }) : () -> ()
    "tpu.region"() ({
      %run_scoped3A = tpu.sem_alloc : memref<!tpu.dma_semaphore, #tpu.memory_space<semaphore_mem>>
      %dma_start3A = arith.constant 0 : i32
      %dma_start3A_64 = tpu.memref_slice %arg8[%add3A_29, %dma_start3A] : memref<10240x64xf32, #tpu.memory_space<vmem_shared>> -> memref<128x64xf32, #tpu.memory_space<vmem_shared>>
      %dma_start3A_65 = arith.constant 0 : i32
      %dma_start3A_66 = tpu.memref_slice %arg8[%add3A_29, %dma_start3A_65] : memref<10240x64xf32, #tpu.memory_space<vmem_shared>> -> memref<128x64xf32, #tpu.memory_space<vmem_shared>>
      tpu.enqueue_dma source(%arg14 : memref<128x64xf32, #tpu.memory_space<vmem>>) target(%dma_start3A_66 : memref<128x64xf32, #tpu.memory_space<vmem_shared>>) target_semaphore(%run_scoped3A : memref<!tpu.dma_semaphore, #tpu.memory_space<semaphore_mem>>)
      %dma_wait3A = arith.constant 0 : i32
      %dma_wait3A_67 = tpu.memref_slice %arg8[%add3A_29, %dma_wait3A] : memref<10240x64xf32, #tpu.memory_space<vmem_shared>> -> memref<128x64xf32, #tpu.memory_space<vmem_shared>>
      %dma_wait3A_68 = arith.constant 0 : i32
      %dma_wait3A_69 = tpu.memref_slice %arg8[%add3A_29, %dma_wait3A_68] : memref<10240x64xf32, #tpu.memory_space<vmem_shared>> -> memref<128x64xf32, #tpu.memory_space<vmem_shared>>
      tpu.wait_dma2 semaphore(%run_scoped3A : memref<!tpu.dma_semaphore, #tpu.memory_space<semaphore_mem>>) src(%arg14 : memref<128x64xf32, #tpu.memory_space<vmem>>) dst(%dma_wait3A_69 : memref<128x64xf32, #tpu.memory_space<vmem_shared>>)
      tpu.yield
    }) : () -> ()
    %mul3A_30 = arith.constant 640 : i32
    %mul3A_31 = arith.muli %arg1, %mul3A_30 : i32
    %add3A_32 = arith.constant 384 : i32
    %add3A_33 = arith.addi %mul3A_31, %add3A_32 : i32
    "tpu.region"() ({
      %run_scoped3A = tpu.sem_alloc : memref<!tpu.dma_semaphore, #tpu.memory_space<semaphore_mem>>
      %dma_start3A = arith.constant 0 : i32
      %dma_start3A_64 = tpu.memref_slice %arg2[%arg0, %add3A_33, %dma_start3A] : memref<2x10240x64xf32, #tpu.memory_space<hbm>> -> memref<1x128x64xf32, #tpu.memory_space<hbm>>
      %dma_start3A_65 = tpu.memref_squeeze %dma_start3A_64 : memref<1x128x64xf32, #tpu.memory_space<hbm>> -> memref<128x64xf32, #tpu.memory_space<hbm>>
      %dma_start3A_66 = arith.constant 0 : i32
      %dma_start3A_67 = tpu.memref_slice %arg2[%arg0, %add3A_33, %dma_start3A_66] : memref<2x10240x64xf32, #tpu.memory_space<hbm>> -> memref<1x128x64xf32, #tpu.memory_space<hbm>>
      %dma_start3A_68 = tpu.memref_squeeze %dma_start3A_67 : memref<1x128x64xf32, #tpu.memory_space<hbm>> -> memref<128x64xf32, #tpu.memory_space<hbm>>
      tpu.enqueue_dma source(%dma_start3A_68 : memref<128x64xf32, #tpu.memory_space<hbm>>) target(%arg14 : memref<128x64xf32, #tpu.memory_space<vmem>>) target_semaphore(%run_scoped3A : memref<!tpu.dma_semaphore, #tpu.memory_space<semaphore_mem>>)
      %dma_wait3A = arith.constant 0 : i32
      %dma_wait3A_69 = tpu.memref_slice %arg2[%arg0, %add3A_33, %dma_wait3A] : memref<2x10240x64xf32, #tpu.memory_space<hbm>> -> memref<1x128x64xf32, #tpu.memory_space<hbm>>
      %dma_wait3A_70 = tpu.memref_squeeze %dma_wait3A_69 : memref<1x128x64xf32, #tpu.memory_space<hbm>> -> memref<128x64xf32, #tpu.memory_space<hbm>>
      %dma_wait3A_71 = arith.constant 0 : i32
      %dma_wait3A_72 = tpu.memref_slice %arg2[%arg0, %add3A_33, %dma_wait3A_71] : memref<2x10240x64xf32, #tpu.memory_space<hbm>> -> memref<1x128x64xf32, #tpu.memory_space<hbm>>
      %dma_wait3A_73 = tpu.memref_squeeze %dma_wait3A_72 : memref<1x128x64xf32, #tpu.memory_space<hbm>> -> memref<128x64xf32, #tpu.memory_space<hbm>>
      tpu.wait_dma2 semaphore(%run_scoped3A : memref<!tpu.dma_semaphore, #tpu.memory_space<semaphore_mem>>) src(%dma_wait3A_73 : memref<128x64xf32, #tpu.memory_space<hbm>>) dst(%arg14 : memref<128x64xf32, #tpu.memory_space<vmem>>)
      tpu.yield
    }) : () -> ()
    "tpu.region"() ({
      %run_scoped3A = tpu.sem_alloc : memref<!tpu.dma_semaphore, #tpu.memory_space<semaphore_mem>>
      %dma_start3A = arith.constant 0 : i32
      %dma_start3A_64 = tpu.memref_slice %arg8[%add3A_33, %dma_start3A] : memref<10240x64xf32, #tpu.memory_space<vmem_shared>> -> memref<128x64xf32, #tpu.memory_space<vmem_shared>>
      %dma_start3A_65 = arith.constant 0 : i32
      %dma_start3A_66 = tpu.memref_slice %arg8[%add3A_33, %dma_start3A_65] : memref<10240x64xf32, #tpu.memory_space<vmem_shared>> -> memref<128x64xf32, #tpu.memory_space<vmem_shared>>
      tpu.enqueue_dma source(%arg14 : memref<128x64xf32, #tpu.memory_space<vmem>>) target(%dma_start3A_66 : memref<128x64xf32, #tpu.memory_space<vmem_shared>>) target_semaphore(%run_scoped3A : memref<!tpu.dma_semaphore, #tpu.memory_space<semaphore_mem>>)
      %dma_wait3A = arith.constant 0 : i32
      %dma_wait3A_67 = tpu.memref_slice %arg8[%add3A_33, %dma_wait3A] : memref<10240x64xf32, #tpu.memory_space<vmem_shared>> -> memref<128x64xf32, #tpu.memory_space<vmem_shared>>
      %dma_wait3A_68 = arith.constant 0 : i32
      %dma_wait3A_69 = tpu.memref_slice %arg8[%add3A_33, %dma_wait3A_68] : memref<10240x64xf32, #tpu.memory_space<vmem_shared>> -> memref<128x64xf32, #tpu.memory_space<vmem_shared>>
      tpu.wait_dma2 semaphore(%run_scoped3A : memref<!tpu.dma_semaphore, #tpu.memory_space<semaphore_mem>>) src(%arg14 : memref<128x64xf32, #tpu.memory_space<vmem>>) dst(%dma_wait3A_69 : memref<128x64xf32, #tpu.memory_space<vmem_shared>>)
      tpu.yield
    }) : () -> ()
    %mul3A_34 = arith.constant 640 : i32
    %mul3A_35 = arith.muli %arg1, %mul3A_34 : i32
    %add3A_36 = arith.constant 512 : i32
    %add3A_37 = arith.addi %mul3A_35, %add3A_36 : i32
    "tpu.region"() ({
      %run_scoped3A = tpu.sem_alloc : memref<!tpu.dma_semaphore, #tpu.memory_space<semaphore_mem>>
      %dma_start3A = arith.constant 0 : i32
      %dma_start3A_64 = tpu.memref_slice %arg2[%arg0, %add3A_37, %dma_start3A] : memref<2x10240x64xf32, #tpu.memory_space<hbm>> -> memref<1x128x64xf32, #tpu.memory_space<hbm>>
      %dma_start3A_65 = tpu.memref_squeeze %dma_start3A_64 : memref<1x128x64xf32, #tpu.memory_space<hbm>> -> memref<128x64xf32, #tpu.memory_space<hbm>>
      %dma_start3A_66 = arith.constant 0 : i32
      %dma_start3A_67 = tpu.memref_slice %arg2[%arg0, %add3A_37, %dma_start3A_66] : memref<2x10240x64xf32, #tpu.memory_space<hbm>> -> memref<1x128x64xf32, #tpu.memory_space<hbm>>
      %dma_start3A_68 = tpu.memref_squeeze %dma_start3A_67 : memref<1x128x64xf32, #tpu.memory_space<hbm>> -> memref<128x64xf32, #tpu.memory_space<hbm>>
      tpu.enqueue_dma source(%dma_start3A_68 : memref<128x64xf32, #tpu.memory_space<hbm>>) target(%arg14 : memref<128x64xf32, #tpu.memory_space<vmem>>) target_semaphore(%run_scoped3A : memref<!tpu.dma_semaphore, #tpu.memory_space<semaphore_mem>>)
      %dma_wait3A = arith.constant 0 : i32
      %dma_wait3A_69 = tpu.memref_slice %arg2[%arg0, %add3A_37, %dma_wait3A] : memref<2x10240x64xf32, #tpu.memory_space<hbm>> -> memref<1x128x64xf32, #tpu.memory_space<hbm>>
      %dma_wait3A_70 = tpu.memref_squeeze %dma_wait3A_69 : memref<1x128x64xf32, #tpu.memory_space<hbm>> -> memref<128x64xf32, #tpu.memory_space<hbm>>
      %dma_wait3A_71 = arith.constant 0 : i32
      %dma_wait3A_72 = tpu.memref_slice %arg2[%arg0, %add3A_37, %dma_wait3A_71] : memref<2x10240x64xf32, #tpu.memory_space<hbm>> -> memref<1x128x64xf32, #tpu.memory_space<hbm>>
      %dma_wait3A_73 = tpu.memref_squeeze %dma_wait3A_72 : memref<1x128x64xf32, #tpu.memory_space<hbm>> -> memref<128x64xf32, #tpu.memory_space<hbm>>
      tpu.wait_dma2 semaphore(%run_scoped3A : memref<!tpu.dma_semaphore, #tpu.memory_space<semaphore_mem>>) src(%dma_wait3A_73 : memref<128x64xf32, #tpu.memory_space<hbm>>) dst(%arg14 : memref<128x64xf32, #tpu.memory_space<vmem>>)
      tpu.yield
    }) : () -> ()
    "tpu.region"() ({
      %run_scoped3A = tpu.sem_alloc : memref<!tpu.dma_semaphore, #tpu.memory_space<semaphore_mem>>
      %dma_start3A = arith.constant 0 : i32
      %dma_start3A_64 = tpu.memref_slice %arg8[%add3A_37, %dma_start3A] : memref<10240x64xf32, #tpu.memory_space<vmem_shared>> -> memref<128x64xf32, #tpu.memory_space<vmem_shared>>
      %dma_start3A_65 = arith.constant 0 : i32
      %dma_start3A_66 = tpu.memref_slice %arg8[%add3A_37, %dma_start3A_65] : memref<10240x64xf32, #tpu.memory_space<vmem_shared>> -> memref<128x64xf32, #tpu.memory_space<vmem_shared>>
      tpu.enqueue_dma source(%arg14 : memref<128x64xf32, #tpu.memory_space<vmem>>) target(%dma_start3A_66 : memref<128x64xf32, #tpu.memory_space<vmem_shared>>) target_semaphore(%run_scoped3A : memref<!tpu.dma_semaphore, #tpu.memory_space<semaphore_mem>>)
      %dma_wait3A = arith.constant 0 : i32
      %dma_wait3A_67 = tpu.memref_slice %arg8[%add3A_37, %dma_wait3A] : memref<10240x64xf32, #tpu.memory_space<vmem_shared>> -> memref<128x64xf32, #tpu.memory_space<vmem_shared>>
      %dma_wait3A_68 = arith.constant 0 : i32
      %dma_wait3A_69 = tpu.memref_slice %arg8[%add3A_37, %dma_wait3A_68] : memref<10240x64xf32, #tpu.memory_space<vmem_shared>> -> memref<128x64xf32, #tpu.memory_space<vmem_shared>>
      tpu.wait_dma2 semaphore(%run_scoped3A : memref<!tpu.dma_semaphore, #tpu.memory_space<semaphore_mem>>) src(%arg14 : memref<128x64xf32, #tpu.memory_space<vmem>>) dst(%dma_wait3A_69 : memref<128x64xf32, #tpu.memory_space<vmem_shared>>)
      tpu.yield
    }) : () -> ()
    %barrier3A = arith.constant 0 : index
    tpu.barrier barrier_id(%barrier3A)
    %scan3A = arith.constant 0 : i32
    %scan3A_38 = arith.constant 0 : i32
    %scan3A_39 = arith.constant 160 : i32
    %scan3A_40 = arith.addi %scan3A_38, %scan3A_39 : i32
    %scan3A_41 = arith.constant 1 : i32
    scf.for %scan3A_64 = %scan3A_38 to %scan3A_40 step %scan3A_41  : i32 {
      %mul3A_65 = arith.constant 10240 : i32
      %mul3A_66 = arith.muli %arg1, %mul3A_65 : i32
      %mul3A_67 = arith.constant 64 : i32
      %mul3A_68 = arith.muli %scan3A_64, %mul3A_67 : i32
      %add3A_69 = arith.addi %mul3A_66, %mul3A_68 : i32
      %dma_start3A = arith.constant 0 : i32
      %dma_start3A_70 = tpu.memref_slice %arg3[%arg0, %add3A_69, %dma_start3A] : memref<2x163840x128xf32, #tpu.memory_space<hbm>> -> memref<1x64x128xf32, #tpu.memory_space<hbm>>
      %dma_start3A_71 = tpu.memref_squeeze %dma_start3A_70 : memref<1x64x128xf32, #tpu.memory_space<hbm>> -> memref<64x128xf32, #tpu.memory_space<hbm>>
      %dma_start3A_72 = arith.constant 0 : i32
      %dma_start3A_73 = tpu.memref_slice %arg3[%arg0, %add3A_69, %dma_start3A_72] : memref<2x163840x128xf32, #tpu.memory_space<hbm>> -> memref<1x64x128xf32, #tpu.memory_space<hbm>>
      %dma_start3A_74 = tpu.memref_squeeze %dma_start3A_73 : memref<1x64x128xf32, #tpu.memory_space<hbm>> -> memref<64x128xf32, #tpu.memory_space<hbm>>
      tpu.enqueue_dma source(%dma_start3A_74 : memref<64x128xf32, #tpu.memory_space<hbm>>) target(%arg13 : memref<64x128xf32, #tpu.memory_space<vmem>>) target_semaphore(%arg15 : memref<!tpu.dma_semaphore, #tpu.memory_space<semaphore_mem>>)
      %dma_start3A_75 = arith.constant 0 : i32
      %dma_start3A_76 = tpu.memref_slice %arg4[%arg1, %scan3A_64, %dma_start3A_75] : memref<16x160x128xi32, #tpu.memory_space<hbm>> -> memref<1x1x128xi32, #tpu.memory_space<hbm>>
      %dma_start3A_77 = tpu.memref_squeeze %dma_start3A_76 : memref<1x1x128xi32, #tpu.memory_space<hbm>> -> memref<128xi32, #tpu.memory_space<hbm>>
      %dma_start3A_78 = arith.constant 0 : i32
      %dma_start3A_79 = tpu.memref_slice %arg4[%arg1, %scan3A_64, %dma_start3A_78] : memref<16x160x128xi32, #tpu.memory_space<hbm>> -> memref<1x1x128xi32, #tpu.memory_space<hbm>>
      %dma_start3A_80 = tpu.memref_squeeze %dma_start3A_79 : memref<1x1x128xi32, #tpu.memory_space<hbm>> -> memref<128xi32, #tpu.memory_space<hbm>>
      tpu.enqueue_dma source(%dma_start3A_80 : memref<128xi32, #tpu.memory_space<hbm>>) target(%arg10 : memref<128xi32, #tpu.memory_space<vmem>>) target_semaphore(%arg17 : memref<!tpu.dma_semaphore, #tpu.memory_space<semaphore_mem>>)
      "tpu.region"() ({
        %run_scoped3A = tpu.sem_alloc : memref<!tpu.dma_semaphore, #tpu.memory_space<semaphore_mem>>
        %dma_start3A_104 = arith.constant 0 : i32
        %dma_start3A_105 = tpu.memref_slice %arg5[%arg1, %scan3A_64, %dma_start3A_104] : memref<16x160x128xi32, #tpu.memory_space<hbm>> -> memref<1x1x128xi32, #tpu.memory_space<hbm>>
        %dma_start3A_106 = tpu.memref_squeeze %dma_start3A_105 : memref<1x1x128xi32, #tpu.memory_space<hbm>> -> memref<128xi32, #tpu.memory_space<hbm>>
        %dma_start3A_107 = arith.constant 0 : i32
        %dma_start3A_108 = tpu.memref_slice %arg5[%arg1, %scan3A_64, %dma_start3A_107] : memref<16x160x128xi32, #tpu.memory_space<hbm>> -> memref<1x1x128xi32, #tpu.memory_space<hbm>>
        %dma_start3A_109 = tpu.memref_squeeze %dma_start3A_108 : memref<1x1x128xi32, #tpu.memory_space<hbm>> -> memref<128xi32, #tpu.memory_space<hbm>>
        tpu.enqueue_dma source(%dma_start3A_109 : memref<128xi32, #tpu.memory_space<hbm>>) target(%arg11 : memref<128xi32, #tpu.memory_space<vmem>>) target_semaphore(%run_scoped3A : memref<!tpu.dma_semaphore, #tpu.memory_space<semaphore_mem>>)
        %dma_wait3A_110 = arith.constant 0 : i32
        %dma_wait3A_111 = tpu.memref_slice %arg5[%arg1, %scan3A_64, %dma_wait3A_110] : memref<16x160x128xi32, #tpu.memory_space<hbm>> -> memref<1x1x128xi32, #tpu.memory_space<hbm>>
        %dma_wait3A_112 = tpu.memref_squeeze %dma_wait3A_111 : memref<1x1x128xi32, #tpu.memory_space<hbm>> -> memref<128xi32, #tpu.memory_space<hbm>>
        %dma_wait3A_113 = arith.constant 0 : i32
        %dma_wait3A_114 = tpu.memref_slice %arg5[%arg1, %scan3A_64, %dma_wait3A_113] : memref<16x160x128xi32, #tpu.memory_space<hbm>> -> memref<1x1x128xi32, #tpu.memory_space<hbm>>
        %dma_wait3A_115 = tpu.memref_squeeze %dma_wait3A_114 : memref<1x1x128xi32, #tpu.memory_space<hbm>> -> memref<128xi32, #tpu.memory_space<hbm>>
        tpu.wait_dma2 semaphore(%run_scoped3A : memref<!tpu.dma_semaphore, #tpu.memory_space<semaphore_mem>>) src(%dma_wait3A_115 : memref<128xi32, #tpu.memory_space<hbm>>) dst(%arg11 : memref<128xi32, #tpu.memory_space<vmem>>)
        tpu.yield
      }) : () -> ()
      %dma_wait3A = arith.constant 0 : i32
      %dma_wait3A_81 = tpu.memref_slice %arg4[%arg1, %scan3A_64, %dma_wait3A] : memref<16x160x128xi32, #tpu.memory_space<hbm>> -> memref<1x1x128xi32, #tpu.memory_space<hbm>>
      %dma_wait3A_82 = tpu.memref_squeeze %dma_wait3A_81 : memref<1x1x128xi32, #tpu.memory_space<hbm>> -> memref<128xi32, #tpu.memory_space<hbm>>
      %dma_wait3A_83 = arith.constant 0 : i32
      %dma_wait3A_84 = tpu.memref_slice %arg4[%arg1, %scan3A_64, %dma_wait3A_83] : memref<16x160x128xi32, #tpu.memory_space<hbm>> -> memref<1x1x128xi32, #tpu.memory_space<hbm>>
      %dma_wait3A_85 = tpu.memref_squeeze %dma_wait3A_84 : memref<1x1x128xi32, #tpu.memory_space<hbm>> -> memref<128xi32, #tpu.memory_space<hbm>>
      tpu.wait_dma2 semaphore(%arg17 : memref<!tpu.dma_semaphore, #tpu.memory_space<semaphore_mem>>) src(%dma_wait3A_85 : memref<128xi32, #tpu.memory_space<hbm>>) dst(%arg10 : memref<128xi32, #tpu.memory_space<vmem>>)
      %dma_start3A_86 = arith.constant 0 : i32
      %dma_start3A_87 = arith.constant 0 : i32
      %dma_start3A_88 = tpu.memref_slice %arg8[%dma_start3A_86, %dma_start3A_87] : memref<10240x64xf32, #tpu.memory_space<vmem_shared>> -> memref<10240x64xf32, #tpu.memory_space<vmem_shared>>
      tpu.enqueue_indirect_dma source(%dma_start3A_88 : memref<10240x64xf32, #tpu.memory_space<vmem_shared>>) target(%arg12 : memref<128x64xf32, #tpu.memory_space<vmem>>) offsets(%arg10 : memref<128xi32, #tpu.memory_space<vmem>>) semaphore(%arg16 : memref<!tpu.dma_semaphore, #tpu.memory_space<semaphore_mem>>)
      %dma_wait3A_89 = arith.constant 0 : i32
      %dma_wait3A_90 = tpu.memref_slice %arg3[%arg0, %add3A_69, %dma_wait3A_89] : memref<2x163840x128xf32, #tpu.memory_space<hbm>> -> memref<1x64x128xf32, #tpu.memory_space<hbm>>
      %dma_wait3A_91 = tpu.memref_squeeze %dma_wait3A_90 : memref<1x64x128xf32, #tpu.memory_space<hbm>> -> memref<64x128xf32, #tpu.memory_space<hbm>>
      %dma_wait3A_92 = arith.constant 0 : i32
      %dma_wait3A_93 = tpu.memref_slice %arg3[%arg0, %add3A_69, %dma_wait3A_92] : memref<2x163840x128xf32, #tpu.memory_space<hbm>> -> memref<1x64x128xf32, #tpu.memory_space<hbm>>
      %dma_wait3A_94 = tpu.memref_squeeze %dma_wait3A_93 : memref<1x64x128xf32, #tpu.memory_space<hbm>> -> memref<64x128xf32, #tpu.memory_space<hbm>>
      tpu.wait_dma2 semaphore(%arg15 : memref<!tpu.dma_semaphore, #tpu.memory_space<semaphore_mem>>) src(%dma_wait3A_94 : memref<64x128xf32, #tpu.memory_space<hbm>>) dst(%arg13 : memref<64x128xf32, #tpu.memory_space<vmem>>)
      %dma_wait3A_95 = arith.constant 0 : i32
      %dma_wait3A_96 = arith.constant 0 : i32
      %dma_wait3A_97 = tpu.memref_slice %arg8[%dma_wait3A_95, %dma_wait3A_96] : memref<10240x64xf32, #tpu.memory_space<vmem_shared>> -> memref<10240x64xf32, #tpu.memory_space<vmem_shared>>
      tpu.wait_indirect_dma semaphore(%arg16 : memref<!tpu.dma_semaphore, #tpu.memory_space<semaphore_mem>>) src(%dma_wait3A_97 : memref<10240x64xf32, #tpu.memory_space<vmem_shared>>) dst(%arg12 : memref<128x64xf32, #tpu.memory_space<vmem>>)
      %scan3A_98 = arith.constant 0 : i32
      %scan3A_99 = arith.constant 0 : i32
      %scan3A_100 = arith.constant 64 : i32
      %scan3A_101 = arith.addi %scan3A_99, %scan3A_100 : i32
      %scan3A_102 = arith.constant 2 : i32
      scf.for %scan3A_104 = %scan3A_99 to %scan3A_101 step %scan3A_102  : i32 {
        %mul3A_105 = arith.constant 2 : i32
        %mul3A_106 = arith.muli %mul3A_105, %scan3A_104 : i32
        %add3A_107 = arith.constant 0 : i32
        %add3A_108 = arith.addi %mul3A_106, %add3A_107 : i32
        %get3A = arith.index_cast %add3A_108 : i32 to index
        %get3A_109 = arith.constant 0 : index
        %get3A_110 = tpu.vector_load %arg12[%get3A, %get3A_109] {strides = array<i32>} : memref<128x64xf32, #tpu.memory_space<vmem>>, vector<1x16xf32>,
        %get3A_111 = vector.shape_cast %get3A_110 : vector<1x16xf32> to vector<16xf32>
        %get3A_112 = arith.index_cast %scan3A_104 : i32 to index
        %get3A_113 = arith.constant 0 : index
        %get3A_114 = tpu.vector_load %arg13[%get3A_112, %get3A_113] {strides = array<i32>} : memref<64x128xf32, #tpu.memory_space<vmem>>, vector<1x16xf32>,
        %get3A_115 = vector.shape_cast %get3A_114 : vector<1x16xf32> to vector<16xf32>
        %add3A_116 = arith.addf %get3A_111, %get3A_115 : vector<16xf32>
        %max3A = arith.constant 0.000000e+00 : f32
        %max3A_117 = vector.broadcast %max3A : f32 to vector<16xf32>
        %max3A_118 = arith.maximumf %add3A_116, %max3A_117 : vector<16xf32>
        %swap3A = arith.index_cast %add3A_108 : i32 to index
        %swap3A_119 = arith.constant 0 : index
        %swap3A_120 = tpu.vector_load %arg12[%swap3A, %swap3A_119] {strides = array<i32>} : memref<128x64xf32, #tpu.memory_space<vmem>>, vector<1x16xf32>,
        %swap3A_121 = vector.shape_cast %swap3A_120 : vector<1x16xf32> to vector<16xf32>
        %swap3A_122 = vector.shape_cast %max3A_118 : vector<16xf32> to vector<1x16xf32>
        tpu.vector_store %arg12[%swap3A, %swap3A_119], %swap3A_122 {strides = array<i32>} : memref<128x64xf32, #tpu.memory_space<vmem>>, vector<1x16xf32>,
        %mul3A_123 = arith.constant 2 : i32
        %mul3A_124 = arith.muli %mul3A_123, %scan3A_104 : i32
        %add3A_125 = arith.constant 0 : i32
        %add3A_126 = arith.addi %mul3A_124, %add3A_125 : i32
        %get3A_127 = arith.index_cast %add3A_126 : i32 to index
        %get3A_128 = arith.constant 16 : index
        %get3A_129 = tpu.vector_load %arg12[%get3A_127, %get3A_128] {strides = array<i32>} : memref<128x64xf32, #tpu.memory_space<vmem>>, vector<1x16xf32>,
        %get3A_130 = vector.shape_cast %get3A_129 : vector<1x16xf32> to vector<16xf32>
        %get3A_131 = arith.index_cast %scan3A_104 : i32 to index
        %get3A_132 = arith.constant 16 : index
        %get3A_133 = tpu.vector_load %arg13[%get3A_131, %get3A_132] {strides = array<i32>} : memref<64x128xf32, #tpu.memory_space<vmem>>, vector<1x16xf32>,
        %get3A_134 = vector.shape_cast %get3A_133 : vector<1x16xf32> to vector<16xf32>
        %add3A_135 = arith.addf %get3A_130, %get3A_134 : vector<16xf32>
        %max3A_136 = arith.constant 0.000000e+00 : f32
        %max3A_137 = vector.broadcast %max3A_136 : f32 to vector<16xf32>
        %max3A_138 = arith.maximumf %add3A_135, %max3A_137 : vector<16xf32>
        %swap3A_139 = arith.index_cast %add3A_126 : i32 to index
        %swap3A_140 = arith.constant 16 : index
        %swap3A_141 = tpu.vector_load %arg12[%swap3A_139, %swap3A_140] {strides = array<i32>} : memref<128x64xf32, #tpu.memory_space<vmem>>, vector<1x16xf32>,
        %swap3A_142 = vector.shape_cast %swap3A_141 : vector<1x16xf32> to vector<16xf32>
        %swap3A_143 = vector.shape_cast %max3A_138 : vector<16xf32> to vector<1x16xf32>
        tpu.vector_store %arg12[%swap3A_139, %swap3A_140], %swap3A_143 {strides = array<i32>} : memref<128x64xf32, #tpu.memory_space<vmem>>, vector<1x16xf32>,
        %mul3A_144 = arith.constant 2 : i32
        %mul3A_145 = arith.muli %mul3A_144, %scan3A_104 : i32
        %add3A_146 = arith.constant 0 : i32
        %add3A_147 = arith.addi %mul3A_145, %add3A_146 : i32
        %get3A_148 = arith.index_cast %add3A_147 : i32 to index
        %get3A_149 = arith.constant 32 : index
        %get3A_150 = tpu.vector_load %arg12[%get3A_148, %get3A_149] {strides = array<i32>} : memref<128x64xf32, #tpu.memory_space<vmem>>, vector<1x16xf32>,
        %get3A_151 = vector.shape_cast %get3A_150 : vector<1x16xf32> to vector<16xf32>
        %get3A_152 = arith.index_cast %scan3A_104 : i32 to index
        %get3A_153 = arith.constant 32 : index
        %get3A_154 = tpu.vector_load %arg13[%get3A_152, %get3A_153] {strides = array<i32>} : memref<64x128xf32, #tpu.memory_space<vmem>>, vector<1x16xf32>,
        %get3A_155 = vector.shape_cast %get3A_154 : vector<1x16xf32> to vector<16xf32>
        %add3A_156 = arith.addf %get3A_151, %get3A_155 : vector<16xf32>
        %max3A_157 = arith.constant 0.000000e+00 : f32
        %max3A_158 = vector.broadcast %max3A_157 : f32 to vector<16xf32>
        %max3A_159 = arith.maximumf %add3A_156, %max3A_158 : vector<16xf32>
        %swap3A_160 = arith.index_cast %add3A_147 : i32 to index
        %swap3A_161 = arith.constant 32 : index
        %swap3A_162 = tpu.vector_load %arg12[%swap3A_160, %swap3A_161] {strides = array<i32>} : memref<128x64xf32, #tpu.memory_space<vmem>>, vector<1x16xf32>,
        %swap3A_163 = vector.shape_cast %swap3A_162 : vector<1x16xf32> to vector<16xf32>
        %swap3A_164 = vector.shape_cast %max3A_159 : vector<16xf32> to vector<1x16xf32>
        tpu.vector_store %arg12[%swap3A_160, %swap3A_161], %swap3A_164 {strides = array<i32>} : memref<128x64xf32, #tpu.memory_space<vmem>>, vector<1x16xf32>,
        %mul3A_165 = arith.constant 2 : i32
        %mul3A_166 = arith.muli %mul3A_165, %scan3A_104 : i32
        %add3A_167 = arith.constant 0 : i32
        %add3A_168 = arith.addi %mul3A_166, %add3A_167 : i32
        %get3A_169 = arith.index_cast %add3A_168 : i32 to index
        %get3A_170 = arith.constant 48 : index
        %get3A_171 = tpu.vector_load %arg12[%get3A_169, %get3A_170] {strides = array<i32>} : memref<128x64xf32, #tpu.memory_space<vmem>>, vector<1x16xf32>,
        %get3A_172 = vector.shape_cast %get3A_171 : vector<1x16xf32> to vector<16xf32>
        %get3A_173 = arith.index_cast %scan3A_104 : i32 to index
        %get3A_174 = arith.constant 48 : index
        %get3A_175 = tpu.vector_load %arg13[%get3A_173, %get3A_174] {strides = array<i32>} : memref<64x128xf32, #tpu.memory_space<vmem>>, vector<1x16xf32>,
        %get3A_176 = vector.shape_cast %get3A_175 : vector<1x16xf32> to vector<16xf32>
        %add3A_177 = arith.addf %get3A_172, %get3A_176 : vector<16xf32>
        %max3A_178 = arith.constant 0.000000e+00 : f32
        %max3A_179 = vector.broadcast %max3A_178 : f32 to vector<16xf32>
        %max3A_180 = arith.maximumf %add3A_177, %max3A_179 : vector<16xf32>
        %swap3A_181 = arith.index_cast %add3A_168 : i32 to index
        %swap3A_182 = arith.constant 48 : index
        %swap3A_183 = tpu.vector_load %arg12[%swap3A_181, %swap3A_182] {strides = array<i32>} : memref<128x64xf32, #tpu.memory_space<vmem>>, vector<1x16xf32>,
        %swap3A_184 = vector.shape_cast %swap3A_183 : vector<1x16xf32> to vector<16xf32>
        %swap3A_185 = vector.shape_cast %max3A_180 : vector<16xf32> to vector<1x16xf32>
        tpu.vector_store %arg12[%swap3A_181, %swap3A_182], %swap3A_185 {strides = array<i32>} : memref<128x64xf32, #tpu.memory_space<vmem>>, vector<1x16xf32>,
        %mul3A_186 = arith.constant 2 : i32
        %mul3A_187 = arith.muli %mul3A_186, %scan3A_104 : i32
        %add3A_188 = arith.constant 1 : i32
        %add3A_189 = arith.addi %mul3A_187, %add3A_188 : i32
        %get3A_190 = arith.index_cast %add3A_189 : i32 to index
        %get3A_191 = arith.constant 0 : index
        %get3A_192 = tpu.vector_load %arg12[%get3A_190, %get3A_191] {strides = array<i32>} : memref<128x64xf32, #tpu.memory_space<vmem>>, vector<1x16xf32>,
        %get3A_193 = vector.shape_cast %get3A_192 : vector<1x16xf32> to vector<16xf32>
        %get3A_194 = arith.index_cast %scan3A_104 : i32 to index
        %get3A_195 = arith.constant 64 : index
        %get3A_196 = tpu.vector_load %arg13[%get3A_194, %get3A_195] {strides = array<i32>} : memref<64x128xf32, #tpu.memory_space<vmem>>, vector<1x16xf32>,
        %get3A_197 = vector.shape_cast %get3A_196 : vector<1x16xf32> to vector<16xf32>
        %add3A_198 = arith.addf %get3A_193, %get3A_197 : vector<16xf32>
        %max3A_199 = arith.constant 0.000000e+00 : f32
        %max3A_200 = vector.broadcast %max3A_199 : f32 to vector<16xf32>
        %max3A_201 = arith.maximumf %add3A_198, %max3A_200 : vector<16xf32>
        %swap3A_202 = arith.index_cast %add3A_189 : i32 to index
        %swap3A_203 = arith.constant 0 : index
        %swap3A_204 = tpu.vector_load %arg12[%swap3A_202, %swap3A_203] {strides = array<i32>} : memref<128x64xf32, #tpu.memory_space<vmem>>, vector<1x16xf32>,
        %swap3A_205 = vector.shape_cast %swap3A_204 : vector<1x16xf32> to vector<16xf32>
        %swap3A_206 = vector.shape_cast %max3A_201 : vector<16xf32> to vector<1x16xf32>
        tpu.vector_store %arg12[%swap3A_202, %swap3A_203], %swap3A_206 {strides = array<i32>} : memref<128x64xf32, #tpu.memory_space<vmem>>, vector<1x16xf32>,
        %mul3A_207 = arith.constant 2 : i32
        %mul3A_208 = arith.muli %mul3A_207, %scan3A_104 : i32
        %add3A_209 = arith.constant 1 : i32
        %add3A_210 = arith.addi %mul3A_208, %add3A_209 : i32
        %get3A_211 = arith.index_cast %add3A_210 : i32 to index
        %get3A_212 = arith.constant 16 : index
        %get3A_213 = tpu.vector_load %arg12[%get3A_211, %get3A_212] {strides = array<i32>} : memref<128x64xf32, #tpu.memory_space<vmem>>, vector<1x16xf32>,
        %get3A_214 = vector.shape_cast %get3A_213 : vector<1x16xf32> to vector<16xf32>
        %get3A_215 = arith.index_cast %scan3A_104 : i32 to index
        %get3A_216 = arith.constant 80 : index
        %get3A_217 = tpu.vector_load %arg13[%get3A_215, %get3A_216] {strides = array<i32>} : memref<64x128xf32, #tpu.memory_space<vmem>>, vector<1x16xf32>,
        %get3A_218 = vector.shape_cast %get3A_217 : vector<1x16xf32> to vector<16xf32>
        %add3A_219 = arith.addf %get3A_214, %get3A_218 : vector<16xf32>
        %max3A_220 = arith.constant 0.000000e+00 : f32
        %max3A_221 = vector.broadcast %max3A_220 : f32 to vector<16xf32>
        %max3A_222 = arith.maximumf %add3A_219, %max3A_221 : vector<16xf32>
        %swap3A_223 = arith.index_cast %add3A_210 : i32 to index
        %swap3A_224 = arith.constant 16 : index
        %swap3A_225 = tpu.vector_load %arg12[%swap3A_223, %swap3A_224] {strides = array<i32>} : memref<128x64xf32, #tpu.memory_space<vmem>>, vector<1x16xf32>,
        %swap3A_226 = vector.shape_cast %swap3A_225 : vector<1x16xf32> to vector<16xf32>
        %swap3A_227 = vector.shape_cast %max3A_222 : vector<16xf32> to vector<1x16xf32>
        tpu.vector_store %arg12[%swap3A_223, %swap3A_224], %swap3A_227 {strides = array<i32>} : memref<128x64xf32, #tpu.memory_space<vmem>>, vector<1x16xf32>,
        %mul3A_228 = arith.constant 2 : i32
        %mul3A_229 = arith.muli %mul3A_228, %scan3A_104 : i32
        %add3A_230 = arith.constant 1 : i32
        %add3A_231 = arith.addi %mul3A_229, %add3A_230 : i32
        %get3A_232 = arith.index_cast %add3A_231 : i32 to index
        %get3A_233 = arith.constant 32 : index
        %get3A_234 = tpu.vector_load %arg12[%get3A_232, %get3A_233] {strides = array<i32>} : memref<128x64xf32, #tpu.memory_space<vmem>>, vector<1x16xf32>,
        %get3A_235 = vector.shape_cast %get3A_234 : vector<1x16xf32> to vector<16xf32>
        %get3A_236 = arith.index_cast %scan3A_104 : i32 to index
        %get3A_237 = arith.constant 96 : index
        %get3A_238 = tpu.vector_load %arg13[%get3A_236, %get3A_237] {strides = array<i32>} : memref<64x128xf32, #tpu.memory_space<vmem>>, vector<1x16xf32>,
        %get3A_239 = vector.shape_cast %get3A_238 : vector<1x16xf32> to vector<16xf32>
        %add3A_240 = arith.addf %get3A_235, %get3A_239 : vector<16xf32>
        %max3A_241 = arith.constant 0.000000e+00 : f32
        %max3A_242 = vector.broadcast %max3A_241 : f32 to vector<16xf32>
        %max3A_243 = arith.maximumf %add3A_240, %max3A_242 : vector<16xf32>
        %swap3A_244 = arith.index_cast %add3A_231 : i32 to index
        %swap3A_245 = arith.constant 32 : index
        %swap3A_246 = tpu.vector_load %arg12[%swap3A_244, %swap3A_245] {strides = array<i32>} : memref<128x64xf32, #tpu.memory_space<vmem>>, vector<1x16xf32>,
        %swap3A_247 = vector.shape_cast %swap3A_246 : vector<1x16xf32> to vector<16xf32>
        %swap3A_248 = vector.shape_cast %max3A_243 : vector<16xf32> to vector<1x16xf32>
        tpu.vector_store %arg12[%swap3A_244, %swap3A_245], %swap3A_248 {strides = array<i32>} : memref<128x64xf32, #tpu.memory_space<vmem>>, vector<1x16xf32>,
        %mul3A_249 = arith.constant 2 : i32
        %mul3A_250 = arith.muli %mul3A_249, %scan3A_104 : i32
        %add3A_251 = arith.constant 1 : i32
        %add3A_252 = arith.addi %mul3A_250, %add3A_251 : i32
        %get3A_253 = arith.index_cast %add3A_252 : i32 to index
        %get3A_254 = arith.constant 48 : index
        %get3A_255 = tpu.vector_load %arg12[%get3A_253, %get3A_254] {strides = array<i32>} : memref<128x64xf32, #tpu.memory_space<vmem>>, vector<1x16xf32>,
        %get3A_256 = vector.shape_cast %get3A_255 : vector<1x16xf32> to vector<16xf32>
        %get3A_257 = arith.index_cast %scan3A_104 : i32 to index
        %get3A_258 = arith.constant 112 : index
        %get3A_259 = tpu.vector_load %arg13[%get3A_257, %get3A_258] {strides = array<i32>} : memref<64x128xf32, #tpu.memory_space<vmem>>, vector<1x16xf32>,
        %get3A_260 = vector.shape_cast %get3A_259 : vector<1x16xf32> to vector<16xf32>
        %add3A_261 = arith.addf %get3A_256, %get3A_260 : vector<16xf32>
        %max3A_262 = arith.constant 0.000000e+00 : f32
        %max3A_263 = vector.broadcast %max3A_262 : f32 to vector<16xf32>
        %max3A_264 = arith.maximumf %add3A_261, %max3A_263 : vector<16xf32>
        %swap3A_265 = arith.index_cast %add3A_252 : i32 to index
        %swap3A_266 = arith.constant 48 : index
        %swap3A_267 = tpu.vector_load %arg12[%swap3A_265, %swap3A_266] {strides = array<i32>} : memref<128x64xf32, #tpu.memory_space<vmem>>, vector<1x16xf32>,
        %swap3A_268 = vector.shape_cast %swap3A_267 : vector<1x16xf32> to vector<16xf32>
        %swap3A_269 = vector.shape_cast %max3A_264 : vector<16xf32> to vector<1x16xf32>
        tpu.vector_store %arg12[%swap3A_265, %swap3A_266], %swap3A_269 {strides = array<i32>} : memref<128x64xf32, #tpu.memory_space<vmem>>, vector<1x16xf32>,
        %scan3A_270 = arith.constant 1 : i32
        %scan3A_271 = arith.addi %scan3A_104, %scan3A_270 : i32
        %mul3A_272 = arith.constant 2 : i32
        %mul3A_273 = arith.muli %mul3A_272, %scan3A_271 : i32
        %add3A_274 = arith.constant 0 : i32
        %add3A_275 = arith.addi %mul3A_273, %add3A_274 : i32
        %get3A_276 = arith.index_cast %add3A_275 : i32 to index
        %get3A_277 = arith.constant 0 : index
        %get3A_278 = tpu.vector_load %arg12[%get3A_276, %get3A_277] {strides = array<i32>} : memref<128x64xf32, #tpu.memory_space<vmem>>, vector<1x16xf32>,
        %get3A_279 = vector.shape_cast %get3A_278 : vector<1x16xf32> to vector<16xf32>
        %get3A_280 = arith.index_cast %scan3A_271 : i32 to index
        %get3A_281 = arith.constant 0 : index
        %get3A_282 = tpu.vector_load %arg13[%get3A_280, %get3A_281] {strides = array<i32>} : memref<64x128xf32, #tpu.memory_space<vmem>>, vector<1x16xf32>,
        %get3A_283 = vector.shape_cast %get3A_282 : vector<1x16xf32> to vector<16xf32>
        %add3A_284 = arith.addf %get3A_279, %get3A_283 : vector<16xf32>
        %max3A_285 = arith.constant 0.000000e+00 : f32
        %max3A_286 = vector.broadcast %max3A_285 : f32 to vector<16xf32>
        %max3A_287 = arith.maximumf %add3A_284, %max3A_286 : vector<16xf32>
        %swap3A_288 = arith.index_cast %add3A_275 : i32 to index
        %swap3A_289 = arith.constant 0 : index
        %swap3A_290 = tpu.vector_load %arg12[%swap3A_288, %swap3A_289] {strides = array<i32>} : memref<128x64xf32, #tpu.memory_space<vmem>>, vector<1x16xf32>,
        %swap3A_291 = vector.shape_cast %swap3A_290 : vector<1x16xf32> to vector<16xf32>
        %swap3A_292 = vector.shape_cast %max3A_287 : vector<16xf32> to vector<1x16xf32>
        tpu.vector_store %arg12[%swap3A_288, %swap3A_289], %swap3A_292 {strides = array<i32>} : memref<128x64xf32, #tpu.memory_space<vmem>>, vector<1x16xf32>,
        %mul3A_293 = arith.constant 2 : i32
        %mul3A_294 = arith.muli %mul3A_293, %scan3A_271 : i32
        %add3A_295 = arith.constant 0 : i32
        %add3A_296 = arith.addi %mul3A_294, %add3A_295 : i32
        %get3A_297 = arith.index_cast %add3A_296 : i32 to index
        %get3A_298 = arith.constant 16 : index
        %get3A_299 = tpu.vector_load %arg12[%get3A_297, %get3A_298] {strides = array<i32>} : memref<128x64xf32, #tpu.memory_space<vmem>>, vector<1x16xf32>,
        %get3A_300 = vector.shape_cast %get3A_299 : vector<1x16xf32> to vector<16xf32>
        %get3A_301 = arith.index_cast %scan3A_271 : i32 to index
        %get3A_302 = arith.constant 16 : index
        %get3A_303 = tpu.vector_load %arg13[%get3A_301, %get3A_302] {strides = array<i32>} : memref<64x128xf32, #tpu.memory_space<vmem>>, vector<1x16xf32>,
        %get3A_304 = vector.shape_cast %get3A_303 : vector<1x16xf32> to vector<16xf32>
        %add3A_305 = arith.addf %get3A_300, %get3A_304 : vector<16xf32>
        %max3A_306 = arith.constant 0.000000e+00 : f32
        %max3A_307 = vector.broadcast %max3A_306 : f32 to vector<16xf32>
        %max3A_308 = arith.maximumf %add3A_305, %max3A_307 : vector<16xf32>
        %swap3A_309 = arith.index_cast %add3A_296 : i32 to index
        %swap3A_310 = arith.constant 16 : index
        %swap3A_311 = tpu.vector_load %arg12[%swap3A_309, %swap3A_310] {strides = array<i32>} : memref<128x64xf32, #tpu.memory_space<vmem>>, vector<1x16xf32>,
        %swap3A_312 = vector.shape_cast %swap3A_311 : vector<1x16xf32> to vector<16xf32>
        %swap3A_313 = vector.shape_cast %max3A_308 : vector<16xf32> to vector<1x16xf32>
        tpu.vector_store %arg12[%swap3A_309, %swap3A_310], %swap3A_313 {strides = array<i32>} : memref<128x64xf32, #tpu.memory_space<vmem>>, vector<1x16xf32>,
        %mul3A_314 = arith.constant 2 : i32
        %mul3A_315 = arith.muli %mul3A_314, %scan3A_271 : i32
        %add3A_316 = arith.constant 0 : i32
        %add3A_317 = arith.addi %mul3A_315, %add3A_316 : i32
        %get3A_318 = arith.index_cast %add3A_317 : i32 to index
        %get3A_319 = arith.constant 32 : index
        %get3A_320 = tpu.vector_load %arg12[%get3A_318, %get3A_319] {strides = array<i32>} : memref<128x64xf32, #tpu.memory_space<vmem>>, vector<1x16xf32>,
        %get3A_321 = vector.shape_cast %get3A_320 : vector<1x16xf32> to vector<16xf32>
        %get3A_322 = arith.index_cast %scan3A_271 : i32 to index
        %get3A_323 = arith.constant 32 : index
        %get3A_324 = tpu.vector_load %arg13[%get3A_322, %get3A_323] {strides = array<i32>} : memref<64x128xf32, #tpu.memory_space<vmem>>, vector<1x16xf32>,
        %get3A_325 = vector.shape_cast %get3A_324 : vector<1x16xf32> to vector<16xf32>
        %add3A_326 = arith.addf %get3A_321, %get3A_325 : vector<16xf32>
        %max3A_327 = arith.constant 0.000000e+00 : f32
        %max3A_328 = vector.broadcast %max3A_327 : f32 to vector<16xf32>
        %max3A_329 = arith.maximumf %add3A_326, %max3A_328 : vector<16xf32>
        %swap3A_330 = arith.index_cast %add3A_317 : i32 to index
        %swap3A_331 = arith.constant 32 : index
        %swap3A_332 = tpu.vector_load %arg12[%swap3A_330, %swap3A_331] {strides = array<i32>} : memref<128x64xf32, #tpu.memory_space<vmem>>, vector<1x16xf32>,
        %swap3A_333 = vector.shape_cast %swap3A_332 : vector<1x16xf32> to vector<16xf32>
        %swap3A_334 = vector.shape_cast %max3A_329 : vector<16xf32> to vector<1x16xf32>
        tpu.vector_store %arg12[%swap3A_330, %swap3A_331], %swap3A_334 {strides = array<i32>} : memref<128x64xf32, #tpu.memory_space<vmem>>, vector<1x16xf32>,
        %mul3A_335 = arith.constant 2 : i32
        %mul3A_336 = arith.muli %mul3A_335, %scan3A_271 : i32
        %add3A_337 = arith.constant 0 : i32
        %add3A_338 = arith.addi %mul3A_336, %add3A_337 : i32
        %get3A_339 = arith.index_cast %add3A_338 : i32 to index
        %get3A_340 = arith.constant 48 : index
        %get3A_341 = tpu.vector_load %arg12[%get3A_339, %get3A_340] {strides = array<i32>} : memref<128x64xf32, #tpu.memory_space<vmem>>, vector<1x16xf32>,
        %get3A_342 = vector.shape_cast %get3A_341 : vector<1x16xf32> to vector<16xf32>
        %get3A_343 = arith.index_cast %scan3A_271 : i32 to index
        %get3A_344 = arith.constant 48 : index
        %get3A_345 = tpu.vector_load %arg13[%get3A_343, %get3A_344] {strides = array<i32>} : memref<64x128xf32, #tpu.memory_space<vmem>>, vector<1x16xf32>,
        %get3A_346 = vector.shape_cast %get3A_345 : vector<1x16xf32> to vector<16xf32>
        %add3A_347 = arith.addf %get3A_342, %get3A_346 : vector<16xf32>
        %max3A_348 = arith.constant 0.000000e+00 : f32
        %max3A_349 = vector.broadcast %max3A_348 : f32 to vector<16xf32>
        %max3A_350 = arith.maximumf %add3A_347, %max3A_349 : vector<16xf32>
        %swap3A_351 = arith.index_cast %add3A_338 : i32 to index
        %swap3A_352 = arith.constant 48 : index
        %swap3A_353 = tpu.vector_load %arg12[%swap3A_351, %swap3A_352] {strides = array<i32>} : memref<128x64xf32, #tpu.memory_space<vmem>>, vector<1x16xf32>,
        %swap3A_354 = vector.shape_cast %swap3A_353 : vector<1x16xf32> to vector<16xf32>
        %swap3A_355 = vector.shape_cast %max3A_350 : vector<16xf32> to vector<1x16xf32>
        tpu.vector_store %arg12[%swap3A_351, %swap3A_352], %swap3A_355 {strides = array<i32>} : memref<128x64xf32, #tpu.memory_space<vmem>>, vector<1x16xf32>,
        %mul3A_356 = arith.constant 2 : i32
        %mul3A_357 = arith.muli %mul3A_356, %scan3A_271 : i32
        %add3A_358 = arith.constant 1 : i32
        %add3A_359 = arith.addi %mul3A_357, %add3A_358 : i32
        %get3A_360 = arith.index_cast %add3A_359 : i32 to index
        %get3A_361 = arith.constant 0 : index
        %get3A_362 = tpu.vector_load %arg12[%get3A_360, %get3A_361] {strides = array<i32>} : memref<128x64xf32, #tpu.memory_space<vmem>>, vector<1x16xf32>,
        %get3A_363 = vector.shape_cast %get3A_362 : vector<1x16xf32> to vector<16xf32>
        %get3A_364 = arith.index_cast %scan3A_271 : i32 to index
        %get3A_365 = arith.constant 64 : index
        %get3A_366 = tpu.vector_load %arg13[%get3A_364, %get3A_365] {strides = array<i32>} : memref<64x128xf32, #tpu.memory_space<vmem>>, vector<1x16xf32>,
        %get3A_367 = vector.shape_cast %get3A_366 : vector<1x16xf32> to vector<16xf32>
        %add3A_368 = arith.addf %get3A_363, %get3A_367 : vector<16xf32>
        %max3A_369 = arith.constant 0.000000e+00 : f32
        %max3A_370 = vector.broadcast %max3A_369 : f32 to vector<16xf32>
        %max3A_371 = arith.maximumf %add3A_368, %max3A_370 : vector<16xf32>
        %swap3A_372 = arith.index_cast %add3A_359 : i32 to index
        %swap3A_373 = arith.constant 0 : index
        %swap3A_374 = tpu.vector_load %arg12[%swap3A_372, %swap3A_373] {strides = array<i32>} : memref<128x64xf32, #tpu.memory_space<vmem>>, vector<1x16xf32>,
        %swap3A_375 = vector.shape_cast %swap3A_374 : vector<1x16xf32> to vector<16xf32>
        %swap3A_376 = vector.shape_cast %max3A_371 : vector<16xf32> to vector<1x16xf32>
        tpu.vector_store %arg12[%swap3A_372, %swap3A_373], %swap3A_376 {strides = array<i32>} : memref<128x64xf32, #tpu.memory_space<vmem>>, vector<1x16xf32>,
        %mul3A_377 = arith.constant 2 : i32
        %mul3A_378 = arith.muli %mul3A_377, %scan3A_271 : i32
        %add3A_379 = arith.constant 1 : i32
        %add3A_380 = arith.addi %mul3A_378, %add3A_379 : i32
        %get3A_381 = arith.index_cast %add3A_380 : i32 to index
        %get3A_382 = arith.constant 16 : index
        %get3A_383 = tpu.vector_load %arg12[%get3A_381, %get3A_382] {strides = array<i32>} : memref<128x64xf32, #tpu.memory_space<vmem>>, vector<1x16xf32>,
        %get3A_384 = vector.shape_cast %get3A_383 : vector<1x16xf32> to vector<16xf32>
        %get3A_385 = arith.index_cast %scan3A_271 : i32 to index
        %get3A_386 = arith.constant 80 : index
        %get3A_387 = tpu.vector_load %arg13[%get3A_385, %get3A_386] {strides = array<i32>} : memref<64x128xf32, #tpu.memory_space<vmem>>, vector<1x16xf32>,
        %get3A_388 = vector.shape_cast %get3A_387 : vector<1x16xf32> to vector<16xf32>
        %add3A_389 = arith.addf %get3A_384, %get3A_388 : vector<16xf32>
        %max3A_390 = arith.constant 0.000000e+00 : f32
        %max3A_391 = vector.broadcast %max3A_390 : f32 to vector<16xf32>
        %max3A_392 = arith.maximumf %add3A_389, %max3A_391 : vector<16xf32>
        %swap3A_393 = arith.index_cast %add3A_380 : i32 to index
        %swap3A_394 = arith.constant 16 : index
        %swap3A_395 = tpu.vector_load %arg12[%swap3A_393, %swap3A_394] {strides = array<i32>} : memref<128x64xf32, #tpu.memory_space<vmem>>, vector<1x16xf32>,
        %swap3A_396 = vector.shape_cast %swap3A_395 : vector<1x16xf32> to vector<16xf32>
        %swap3A_397 = vector.shape_cast %max3A_392 : vector<16xf32> to vector<1x16xf32>
        tpu.vector_store %arg12[%swap3A_393, %swap3A_394], %swap3A_397 {strides = array<i32>} : memref<128x64xf32, #tpu.memory_space<vmem>>, vector<1x16xf32>,
        %mul3A_398 = arith.constant 2 : i32
        %mul3A_399 = arith.muli %mul3A_398, %scan3A_271 : i32
        %add3A_400 = arith.constant 1 : i32
        %add3A_401 = arith.addi %mul3A_399, %add3A_400 : i32
        %get3A_402 = arith.index_cast %add3A_401 : i32 to index
        %get3A_403 = arith.constant 32 : index
        %get3A_404 = tpu.vector_load %arg12[%get3A_402, %get3A_403] {strides = array<i32>} : memref<128x64xf32, #tpu.memory_space<vmem>>, vector<1x16xf32>,
        %get3A_405 = vector.shape_cast %get3A_404 : vector<1x16xf32> to vector<16xf32>
        %get3A_406 = arith.index_cast %scan3A_271 : i32 to index
        %get3A_407 = arith.constant 96 : index
        %get3A_408 = tpu.vector_load %arg13[%get3A_406, %get3A_407] {strides = array<i32>} : memref<64x128xf32, #tpu.memory_space<vmem>>, vector<1x16xf32>,
        %get3A_409 = vector.shape_cast %get3A_408 : vector<1x16xf32> to vector<16xf32>
        %add3A_410 = arith.addf %get3A_405, %get3A_409 : vector<16xf32>
        %max3A_411 = arith.constant 0.000000e+00 : f32
        %max3A_412 = vector.broadcast %max3A_411 : f32 to vector<16xf32>
        %max3A_413 = arith.maximumf %add3A_410, %max3A_412 : vector<16xf32>
        %swap3A_414 = arith.index_cast %add3A_401 : i32 to index
        %swap3A_415 = arith.constant 32 : index
        %swap3A_416 = tpu.vector_load %arg12[%swap3A_414, %swap3A_415] {strides = array<i32>} : memref<128x64xf32, #tpu.memory_space<vmem>>, vector<1x16xf32>,
        %swap3A_417 = vector.shape_cast %swap3A_416 : vector<1x16xf32> to vector<16xf32>
        %swap3A_418 = vector.shape_cast %max3A_413 : vector<16xf32> to vector<1x16xf32>
        tpu.vector_store %arg12[%swap3A_414, %swap3A_415], %swap3A_418 {strides = array<i32>} : memref<128x64xf32, #tpu.memory_space<vmem>>, vector<1x16xf32>,
        %mul3A_419 = arith.constant 2 : i32
        %mul3A_420 = arith.muli %mul3A_419, %scan3A_271 : i32
        %add3A_421 = arith.constant 1 : i32
        %add3A_422 = arith.addi %mul3A_420, %add3A_421 : i32
        %get3A_423 = arith.index_cast %add3A_422 : i32 to index
        %get3A_424 = arith.constant 48 : index
        %get3A_425 = tpu.vector_load %arg12[%get3A_423, %get3A_424] {strides = array<i32>} : memref<128x64xf32, #tpu.memory_space<vmem>>, vector<1x16xf32>,
        %get3A_426 = vector.shape_cast %get3A_425 : vector<1x16xf32> to vector<16xf32>
        %get3A_427 = arith.index_cast %scan3A_271 : i32 to index
        %get3A_428 = arith.constant 112 : index
        %get3A_429 = tpu.vector_load %arg13[%get3A_427, %get3A_428] {strides = array<i32>} : memref<64x128xf32, #tpu.memory_space<vmem>>, vector<1x16xf32>,
        %get3A_430 = vector.shape_cast %get3A_429 : vector<1x16xf32> to vector<16xf32>
        %add3A_431 = arith.addf %get3A_426, %get3A_430 : vector<16xf32>
        %max3A_432 = arith.constant 0.000000e+00 : f32
        %max3A_433 = vector.broadcast %max3A_432 : f32 to vector<16xf32>
        %max3A_434 = arith.maximumf %add3A_431, %max3A_433 : vector<16xf32>
        %swap3A_435 = arith.index_cast %add3A_422 : i32 to index
        %swap3A_436 = arith.constant 48 : index
        %swap3A_437 = tpu.vector_load %arg12[%swap3A_435, %swap3A_436] {strides = array<i32>} : memref<128x64xf32, #tpu.memory_space<vmem>>, vector<1x16xf32>,
        %swap3A_438 = vector.shape_cast %swap3A_437 : vector<1x16xf32> to vector<16xf32>
        %swap3A_439 = vector.shape_cast %max3A_434 : vector<16xf32> to vector<1x16xf32>
        tpu.vector_store %arg12[%swap3A_435, %swap3A_436], %swap3A_439 {strides = array<i32>} : memref<128x64xf32, #tpu.memory_space<vmem>>, vector<1x16xf32>,
      }
      %scan3A_103 = arith.constant 64 : i32
      "tpu.region"() ({
        %run_scoped3A = tpu.sem_alloc : memref<!tpu.dma_semaphore, #tpu.memory_space<semaphore_mem>>
        %dma_start3A_104 = arith.constant 0 : i32
        %dma_start3A_105 = arith.constant 0 : i32
        %dma_start3A_106 = tpu.memref_slice %arg9[%dma_start3A_104, %dma_start3A_105] : memref<10240x64xf32, #tpu.memory_space<vmem_shared>> -> memref<10240x64xf32, #tpu.memory_space<vmem_shared>>
        tpu.enqueue_indirect_dma source(%arg12 : memref<128x64xf32, #tpu.memory_space<vmem>>) target(%dma_start3A_106 : memref<10240x64xf32, #tpu.memory_space<vmem_shared>>) offsets(%arg11 : memref<128xi32, #tpu.memory_space<vmem>>) semaphore(%run_scoped3A : memref<!tpu.dma_semaphore, #tpu.memory_space<semaphore_mem>>) {add = true}
        %dma_wait3A_107 = arith.constant 0 : i32
        %dma_wait3A_108 = arith.constant 0 : i32
        %dma_wait3A_109 = tpu.memref_slice %arg9[%dma_wait3A_107, %dma_wait3A_108] : memref<10240x64xf32, #tpu.memory_space<vmem_shared>> -> memref<10240x64xf32, #tpu.memory_space<vmem_shared>>
        tpu.wait_indirect_dma semaphore(%run_scoped3A : memref<!tpu.dma_semaphore, #tpu.memory_space<semaphore_mem>>) src(%arg12 : memref<128x64xf32, #tpu.memory_space<vmem>>) dst(%dma_wait3A_109 : memref<10240x64xf32, #tpu.memory_space<vmem_shared>>)
        tpu.yield
      }) : () -> ()
    }
    %scan3A_42 = arith.constant 160 : i32
    %barrier3A_43 = arith.constant 0 : index
    tpu.barrier barrier_id(%barrier3A_43)
    %mul3A_44 = arith.constant 640 : i32
    %mul3A_45 = arith.muli %arg1, %mul3A_44 : i32
    %add3A_46 = arith.constant 0 : i32
    %add3A_47 = arith.addi %mul3A_45, %add3A_46 : i32
    "tpu.region"() ({
      %run_scoped3A = tpu.sem_alloc : memref<!tpu.dma_semaphore, #tpu.memory_space<semaphore_mem>>
      %dma_start3A = arith.constant 0 : i32
      %dma_start3A_64 = tpu.memref_slice %arg9[%add3A_47, %dma_start3A] : memref<10240x64xf32, #tpu.memory_space<vmem_shared>> -> memref<128x64xf32, #tpu.memory_space<vmem_shared>>
      %dma_start3A_65 = arith.constant 0 : i32
      %dma_start3A_66 = tpu.memref_slice %arg9[%add3A_47, %dma_start3A_65] : memref<10240x64xf32, #tpu.memory_space<vmem_shared>> -> memref<128x64xf32, #tpu.memory_space<vmem_shared>>
      tpu.enqueue_dma source(%dma_start3A_66 : memref<128x64xf32, #tpu.memory_space<vmem_shared>>) target(%arg14 : memref<128x64xf32, #tpu.memory_space<vmem>>) target_semaphore(%run_scoped3A : memref<!tpu.dma_semaphore, #tpu.memory_space<semaphore_mem>>)
      %dma_wait3A = arith.constant 0 : i32
      %dma_wait3A_67 = tpu.memref_slice %arg9[%add3A_47, %dma_wait3A] : memref<10240x64xf32, #tpu.memory_space<vmem_shared>> -> memref<128x64xf32, #tpu.memory_space<vmem_shared>>
      %dma_wait3A_68 = arith.constant 0 : i32
      %dma_wait3A_69 = tpu.memref_slice %arg9[%add3A_47, %dma_wait3A_68] : memref<10240x64xf32, #tpu.memory_space<vmem_shared>> -> memref<128x64xf32, #tpu.memory_space<vmem_shared>>
      tpu.wait_dma2 semaphore(%run_scoped3A : memref<!tpu.dma_semaphore, #tpu.memory_space<semaphore_mem>>) src(%dma_wait3A_69 : memref<128x64xf32, #tpu.memory_space<vmem_shared>>) dst(%arg14 : memref<128x64xf32, #tpu.memory_space<vmem>>)
      tpu.yield
    }) : () -> ()
    "tpu.region"() ({
      %run_scoped3A = tpu.sem_alloc : memref<!tpu.dma_semaphore, #tpu.memory_space<semaphore_mem>>
      %dma_start3A = arith.constant 0 : i32
      %dma_start3A_64 = tpu.memref_slice %arg7[%arg0, %add3A_47, %dma_start3A] : memref<2x10240x64xf32, #tpu.memory_space<hbm>> -> memref<1x128x64xf32, #tpu.memory_space<hbm>>
      %dma_start3A_65 = tpu.memref_squeeze %dma_start3A_64 : memref<1x128x64xf32, #tpu.memory_space<hbm>> -> memref<128x64xf32, #tpu.memory_space<hbm>>
      %dma_start3A_66 = arith.constant 0 : i32
      %dma_start3A_67 = tpu.memref_slice %arg7[%arg0, %add3A_47, %dma_start3A_66] : memref<2x10240x64xf32, #tpu.memory_space<hbm>> -> memref<1x128x64xf32, #tpu.memory_space<hbm>>
      %dma_start3A_68 = tpu.memref_squeeze %dma_start3A_67 : memref<1x128x64xf32, #tpu.memory_space<hbm>> -> memref<128x64xf32, #tpu.memory_space<hbm>>
      tpu.enqueue_dma source(%arg14 : memref<128x64xf32, #tpu.memory_space<vmem>>) target(%dma_start3A_68 : memref<128x64xf32, #tpu.memory_space<hbm>>) target_semaphore(%run_scoped3A : memref<!tpu.dma_semaphore, #tpu.memory_space<semaphore_mem>>)
      %dma_wait3A = arith.constant 0 : i32
      %dma_wait3A_69 = tpu.memref_slice %arg7[%arg0, %add3A_47, %dma_wait3A] : memref<2x10240x64xf32, #tpu.memory_space<hbm>> -> memref<1x128x64xf32, #tpu.memory_space<hbm>>
      %dma_wait3A_70 = tpu.memref_squeeze %dma_wait3A_69 : memref<1x128x64xf32, #tpu.memory_space<hbm>> -> memref<128x64xf32, #tpu.memory_space<hbm>>
      %dma_wait3A_71 = arith.constant 0 : i32
      %dma_wait3A_72 = tpu.memref_slice %arg7[%arg0, %add3A_47, %dma_wait3A_71] : memref<2x10240x64xf32, #tpu.memory_space<hbm>> -> memref<1x128x64xf32, #tpu.memory_space<hbm>>
      %dma_wait3A_73 = tpu.memref_squeeze %dma_wait3A_72 : memref<1x128x64xf32, #tpu.memory_space<hbm>> -> memref<128x64xf32, #tpu.memory_space<hbm>>
      tpu.wait_dma2 semaphore(%run_scoped3A : memref<!tpu.dma_semaphore, #tpu.memory_space<semaphore_mem>>) src(%arg14 : memref<128x64xf32, #tpu.memory_space<vmem>>) dst(%dma_wait3A_73 : memref<128x64xf32, #tpu.memory_space<hbm>>)
      tpu.yield
    }) : () -> ()
    %mul3A_48 = arith.constant 640 : i32
    %mul3A_49 = arith.muli %arg1, %mul3A_48 : i32
    %add3A_50 = arith.constant 128 : i32
    %add3A_51 = arith.addi %mul3A_49, %add3A_50 : i32
    "tpu.region"() ({
      %run_scoped3A = tpu.sem_alloc : memref<!tpu.dma_semaphore, #tpu.memory_space<semaphore_mem>>
      %dma_start3A = arith.constant 0 : i32
      %dma_start3A_64 = tpu.memref_slice %arg9[%add3A_51, %dma_start3A] : memref<10240x64xf32, #tpu.memory_space<vmem_shared>> -> memref<128x64xf32, #tpu.memory_space<vmem_shared>>
      %dma_start3A_65 = arith.constant 0 : i32
      %dma_start3A_66 = tpu.memref_slice %arg9[%add3A_51, %dma_start3A_65] : memref<10240x64xf32, #tpu.memory_space<vmem_shared>> -> memref<128x64xf32, #tpu.memory_space<vmem_shared>>
      tpu.enqueue_dma source(%dma_start3A_66 : memref<128x64xf32, #tpu.memory_space<vmem_shared>>) target(%arg14 : memref<128x64xf32, #tpu.memory_space<vmem>>) target_semaphore(%run_scoped3A : memref<!tpu.dma_semaphore, #tpu.memory_space<semaphore_mem>>)
      %dma_wait3A = arith.constant 0 : i32
      %dma_wait3A_67 = tpu.memref_slice %arg9[%add3A_51, %dma_wait3A] : memref<10240x64xf32, #tpu.memory_space<vmem_shared>> -> memref<128x64xf32, #tpu.memory_space<vmem_shared>>
      %dma_wait3A_68 = arith.constant 0 : i32
      %dma_wait3A_69 = tpu.memref_slice %arg9[%add3A_51, %dma_wait3A_68] : memref<10240x64xf32, #tpu.memory_space<vmem_shared>> -> memref<128x64xf32, #tpu.memory_space<vmem_shared>>
      tpu.wait_dma2 semaphore(%run_scoped3A : memref<!tpu.dma_semaphore, #tpu.memory_space<semaphore_mem>>) src(%dma_wait3A_69 : memref<128x64xf32, #tpu.memory_space<vmem_shared>>) dst(%arg14 : memref<128x64xf32, #tpu.memory_space<vmem>>)
      tpu.yield
    }) : () -> ()
    "tpu.region"() ({
      %run_scoped3A = tpu.sem_alloc : memref<!tpu.dma_semaphore, #tpu.memory_space<semaphore_mem>>
      %dma_start3A = arith.constant 0 : i32
      %dma_start3A_64 = tpu.memref_slice %arg7[%arg0, %add3A_51, %dma_start3A] : memref<2x10240x64xf32, #tpu.memory_space<hbm>> -> memref<1x128x64xf32, #tpu.memory_space<hbm>>
      %dma_start3A_65 = tpu.memref_squeeze %dma_start3A_64 : memref<1x128x64xf32, #tpu.memory_space<hbm>> -> memref<128x64xf32, #tpu.memory_space<hbm>>
      %dma_start3A_66 = arith.constant 0 : i32
      %dma_start3A_67 = tpu.memref_slice %arg7[%arg0, %add3A_51, %dma_start3A_66] : memref<2x10240x64xf32, #tpu.memory_space<hbm>> -> memref<1x128x64xf32, #tpu.memory_space<hbm>>
      %dma_start3A_68 = tpu.memref_squeeze %dma_start3A_67 : memref<1x128x64xf32, #tpu.memory_space<hbm>> -> memref<128x64xf32, #tpu.memory_space<hbm>>
      tpu.enqueue_dma source(%arg14 : memref<128x64xf32, #tpu.memory_space<vmem>>) target(%dma_start3A_68 : memref<128x64xf32, #tpu.memory_space<hbm>>) target_semaphore(%run_scoped3A : memref<!tpu.dma_semaphore, #tpu.memory_space<semaphore_mem>>)
      %dma_wait3A = arith.constant 0 : i32
      %dma_wait3A_69 = tpu.memref_slice %arg7[%arg0, %add3A_51, %dma_wait3A] : memref<2x10240x64xf32, #tpu.memory_space<hbm>> -> memref<1x128x64xf32, #tpu.memory_space<hbm>>
      %dma_wait3A_70 = tpu.memref_squeeze %dma_wait3A_69 : memref<1x128x64xf32, #tpu.memory_space<hbm>> -> memref<128x64xf32, #tpu.memory_space<hbm>>
      %dma_wait3A_71 = arith.constant 0 : i32
      %dma_wait3A_72 = tpu.memref_slice %arg7[%arg0, %add3A_51, %dma_wait3A_71] : memref<2x10240x64xf32, #tpu.memory_space<hbm>> -> memref<1x128x64xf32, #tpu.memory_space<hbm>>
      %dma_wait3A_73 = tpu.memref_squeeze %dma_wait3A_72 : memref<1x128x64xf32, #tpu.memory_space<hbm>> -> memref<128x64xf32, #tpu.memory_space<hbm>>
      tpu.wait_dma2 semaphore(%run_scoped3A : memref<!tpu.dma_semaphore, #tpu.memory_space<semaphore_mem>>) src(%arg14 : memref<128x64xf32, #tpu.memory_space<vmem>>) dst(%dma_wait3A_73 : memref<128x64xf32, #tpu.memory_space<hbm>>)
      tpu.yield
    }) : () -> ()
    %mul3A_52 = arith.constant 640 : i32
    %mul3A_53 = arith.muli %arg1, %mul3A_52 : i32
    %add3A_54 = arith.constant 256 : i32
    %add3A_55 = arith.addi %mul3A_53, %add3A_54 : i32
    "tpu.region"() ({
      %run_scoped3A = tpu.sem_alloc : memref<!tpu.dma_semaphore, #tpu.memory_space<semaphore_mem>>
      %dma_start3A = arith.constant 0 : i32
      %dma_start3A_64 = tpu.memref_slice %arg9[%add3A_55, %dma_start3A] : memref<10240x64xf32, #tpu.memory_space<vmem_shared>> -> memref<128x64xf32, #tpu.memory_space<vmem_shared>>
      %dma_start3A_65 = arith.constant 0 : i32
      %dma_start3A_66 = tpu.memref_slice %arg9[%add3A_55, %dma_start3A_65] : memref<10240x64xf32, #tpu.memory_space<vmem_shared>> -> memref<128x64xf32, #tpu.memory_space<vmem_shared>>
      tpu.enqueue_dma source(%dma_start3A_66 : memref<128x64xf32, #tpu.memory_space<vmem_shared>>) target(%arg14 : memref<128x64xf32, #tpu.memory_space<vmem>>) target_semaphore(%run_scoped3A : memref<!tpu.dma_semaphore, #tpu.memory_space<semaphore_mem>>)
      %dma_wait3A = arith.constant 0 : i32
      %dma_wait3A_67 = tpu.memref_slice %arg9[%add3A_55, %dma_wait3A] : memref<10240x64xf32, #tpu.memory_space<vmem_shared>> -> memref<128x64xf32, #tpu.memory_space<vmem_shared>>
      %dma_wait3A_68 = arith.constant 0 : i32
      %dma_wait3A_69 = tpu.memref_slice %arg9[%add3A_55, %dma_wait3A_68] : memref<10240x64xf32, #tpu.memory_space<vmem_shared>> -> memref<128x64xf32, #tpu.memory_space<vmem_shared>>
      tpu.wait_dma2 semaphore(%run_scoped3A : memref<!tpu.dma_semaphore, #tpu.memory_space<semaphore_mem>>) src(%dma_wait3A_69 : memref<128x64xf32, #tpu.memory_space<vmem_shared>>) dst(%arg14 : memref<128x64xf32, #tpu.memory_space<vmem>>)
      tpu.yield
    }) : () -> ()
    "tpu.region"() ({
      %run_scoped3A = tpu.sem_alloc : memref<!tpu.dma_semaphore, #tpu.memory_space<semaphore_mem>>
      %dma_start3A = arith.constant 0 : i32
      %dma_start3A_64 = tpu.memref_slice %arg7[%arg0, %add3A_55, %dma_start3A] : memref<2x10240x64xf32, #tpu.memory_space<hbm>> -> memref<1x128x64xf32, #tpu.memory_space<hbm>>
      %dma_start3A_65 = tpu.memref_squeeze %dma_start3A_64 : memref<1x128x64xf32, #tpu.memory_space<hbm>> -> memref<128x64xf32, #tpu.memory_space<hbm>>
      %dma_start3A_66 = arith.constant 0 : i32
      %dma_start3A_67 = tpu.memref_slice %arg7[%arg0, %add3A_55, %dma_start3A_66] : memref<2x10240x64xf32, #tpu.memory_space<hbm>> -> memref<1x128x64xf32, #tpu.memory_space<hbm>>
      %dma_start3A_68 = tpu.memref_squeeze %dma_start3A_67 : memref<1x128x64xf32, #tpu.memory_space<hbm>> -> memref<128x64xf32, #tpu.memory_space<hbm>>
      tpu.enqueue_dma source(%arg14 : memref<128x64xf32, #tpu.memory_space<vmem>>) target(%dma_start3A_68 : memref<128x64xf32, #tpu.memory_space<hbm>>) target_semaphore(%run_scoped3A : memref<!tpu.dma_semaphore, #tpu.memory_space<semaphore_mem>>)
      %dma_wait3A = arith.constant 0 : i32
      %dma_wait3A_69 = tpu.memref_slice %arg7[%arg0, %add3A_55, %dma_wait3A] : memref<2x10240x64xf32, #tpu.memory_space<hbm>> -> memref<1x128x64xf32, #tpu.memory_space<hbm>>
      %dma_wait3A_70 = tpu.memref_squeeze %dma_wait3A_69 : memref<1x128x64xf32, #tpu.memory_space<hbm>> -> memref<128x64xf32, #tpu.memory_space<hbm>>
      %dma_wait3A_71 = arith.constant 0 : i32
      %dma_wait3A_72 = tpu.memref_slice %arg7[%arg0, %add3A_55, %dma_wait3A_71] : memref<2x10240x64xf32, #tpu.memory_space<hbm>> -> memref<1x128x64xf32, #tpu.memory_space<hbm>>
      %dma_wait3A_73 = tpu.memref_squeeze %dma_wait3A_72 : memref<1x128x64xf32, #tpu.memory_space<hbm>> -> memref<128x64xf32, #tpu.memory_space<hbm>>
      tpu.wait_dma2 semaphore(%run_scoped3A : memref<!tpu.dma_semaphore, #tpu.memory_space<semaphore_mem>>) src(%arg14 : memref<128x64xf32, #tpu.memory_space<vmem>>) dst(%dma_wait3A_73 : memref<128x64xf32, #tpu.memory_space<hbm>>)
      tpu.yield
    }) : () -> ()
    %mul3A_56 = arith.constant 640 : i32
    %mul3A_57 = arith.muli %arg1, %mul3A_56 : i32
    %add3A_58 = arith.constant 384 : i32
    %add3A_59 = arith.addi %mul3A_57, %add3A_58 : i32
    "tpu.region"() ({
      %run_scoped3A = tpu.sem_alloc : memref<!tpu.dma_semaphore, #tpu.memory_space<semaphore_mem>>
      %dma_start3A = arith.constant 0 : i32
      %dma_start3A_64 = tpu.memref_slice %arg9[%add3A_59, %dma_start3A] : memref<10240x64xf32, #tpu.memory_space<vmem_shared>> -> memref<128x64xf32, #tpu.memory_space<vmem_shared>>
      %dma_start3A_65 = arith.constant 0 : i32
      %dma_start3A_66 = tpu.memref_slice %arg9[%add3A_59, %dma_start3A_65] : memref<10240x64xf32, #tpu.memory_space<vmem_shared>> -> memref<128x64xf32, #tpu.memory_space<vmem_shared>>
      tpu.enqueue_dma source(%dma_start3A_66 : memref<128x64xf32, #tpu.memory_space<vmem_shared>>) target(%arg14 : memref<128x64xf32, #tpu.memory_space<vmem>>) target_semaphore(%run_scoped3A : memref<!tpu.dma_semaphore, #tpu.memory_space<semaphore_mem>>)
      %dma_wait3A = arith.constant 0 : i32
      %dma_wait3A_67 = tpu.memref_slice %arg9[%add3A_59, %dma_wait3A] : memref<10240x64xf32, #tpu.memory_space<vmem_shared>> -> memref<128x64xf32, #tpu.memory_space<vmem_shared>>
      %dma_wait3A_68 = arith.constant 0 : i32
      %dma_wait3A_69 = tpu.memref_slice %arg9[%add3A_59, %dma_wait3A_68] : memref<10240x64xf32, #tpu.memory_space<vmem_shared>> -> memref<128x64xf32, #tpu.memory_space<vmem_shared>>
      tpu.wait_dma2 semaphore(%run_scoped3A : memref<!tpu.dma_semaphore, #tpu.memory_space<semaphore_mem>>) src(%dma_wait3A_69 : memref<128x64xf32, #tpu.memory_space<vmem_shared>>) dst(%arg14 : memref<128x64xf32, #tpu.memory_space<vmem>>)
      tpu.yield
    }) : () -> ()
    "tpu.region"() ({
      %run_scoped3A = tpu.sem_alloc : memref<!tpu.dma_semaphore, #tpu.memory_space<semaphore_mem>>
      %dma_start3A = arith.constant 0 : i32
      %dma_start3A_64 = tpu.memref_slice %arg7[%arg0, %add3A_59, %dma_start3A] : memref<2x10240x64xf32, #tpu.memory_space<hbm>> -> memref<1x128x64xf32, #tpu.memory_space<hbm>>
      %dma_start3A_65 = tpu.memref_squeeze %dma_start3A_64 : memref<1x128x64xf32, #tpu.memory_space<hbm>> -> memref<128x64xf32, #tpu.memory_space<hbm>>
      %dma_start3A_66 = arith.constant 0 : i32
      %dma_start3A_67 = tpu.memref_slice %arg7[%arg0, %add3A_59, %dma_start3A_66] : memref<2x10240x64xf32, #tpu.memory_space<hbm>> -> memref<1x128x64xf32, #tpu.memory_space<hbm>>
      %dma_start3A_68 = tpu.memref_squeeze %dma_start3A_67 : memref<1x128x64xf32, #tpu.memory_space<hbm>> -> memref<128x64xf32, #tpu.memory_space<hbm>>
      tpu.enqueue_dma source(%arg14 : memref<128x64xf32, #tpu.memory_space<vmem>>) target(%dma_start3A_68 : memref<128x64xf32, #tpu.memory_space<hbm>>) target_semaphore(%run_scoped3A : memref<!tpu.dma_semaphore, #tpu.memory_space<semaphore_mem>>)
      %dma_wait3A = arith.constant 0 : i32
      %dma_wait3A_69 = tpu.memref_slice %arg7[%arg0, %add3A_59, %dma_wait3A] : memref<2x10240x64xf32, #tpu.memory_space<hbm>> -> memref<1x128x64xf32, #tpu.memory_space<hbm>>
      %dma_wait3A_70 = tpu.memref_squeeze %dma_wait3A_69 : memref<1x128x64xf32, #tpu.memory_space<hbm>> -> memref<128x64xf32, #tpu.memory_space<hbm>>
      %dma_wait3A_71 = arith.constant 0 : i32
      %dma_wait3A_72 = tpu.memref_slice %arg7[%arg0, %add3A_59, %dma_wait3A_71] : memref<2x10240x64xf32, #tpu.memory_space<hbm>> -> memref<1x128x64xf32, #tpu.memory_space<hbm>>
      %dma_wait3A_73 = tpu.memref_squeeze %dma_wait3A_72 : memref<1x128x64xf32, #tpu.memory_space<hbm>> -> memref<128x64xf32, #tpu.memory_space<hbm>>
      tpu.wait_dma2 semaphore(%run_scoped3A : memref<!tpu.dma_semaphore, #tpu.memory_space<semaphore_mem>>) src(%arg14 : memref<128x64xf32, #tpu.memory_space<vmem>>) dst(%dma_wait3A_73 : memref<128x64xf32, #tpu.memory_space<hbm>>)
      tpu.yield
    }) : () -> ()
    %mul3A_60 = arith.constant 640 : i32
    %mul3A_61 = arith.muli %arg1, %mul3A_60 : i32
    %add3A_62 = arith.constant 512 : i32
    %add3A_63 = arith.addi %mul3A_61, %add3A_62 : i32
    "tpu.region"() ({
      %run_scoped3A = tpu.sem_alloc : memref<!tpu.dma_semaphore, #tpu.memory_space<semaphore_mem>>
      %dma_start3A = arith.constant 0 : i32
      %dma_start3A_64 = tpu.memref_slice %arg9[%add3A_63, %dma_start3A] : memref<10240x64xf32, #tpu.memory_space<vmem_shared>> -> memref<128x64xf32, #tpu.memory_space<vmem_shared>>
      %dma_start3A_65 = arith.constant 0 : i32
      %dma_start3A_66 = tpu.memref_slice %arg9[%add3A_63, %dma_start3A_65] : memref<10240x64xf32, #tpu.memory_space<vmem_shared>> -> memref<128x64xf32, #tpu.memory_space<vmem_shared>>
      tpu.enqueue_dma source(%dma_start3A_66 : memref<128x64xf32, #tpu.memory_space<vmem_shared>>) target(%arg14 : memref<128x64xf32, #tpu.memory_space<vmem>>) target_semaphore(%run_scoped3A : memref<!tpu.dma_semaphore, #tpu.memory_space<semaphore_mem>>)
      %dma_wait3A = arith.constant 0 : i32
      %dma_wait3A_67 = tpu.memref_slice %arg9[%add3A_63, %dma_wait3A] : memref<10240x64xf32, #tpu.memory_space<vmem_shared>> -> memref<128x64xf32, #tpu.memory_space<vmem_shared>>
      %dma_wait3A_68 = arith.constant 0 : i32
      %dma_wait3A_69 = tpu.memref_slice %arg9[%add3A_63, %dma_wait3A_68] : memref<10240x64xf32, #tpu.memory_space<vmem_shared>> -> memref<128x64xf32, #tpu.memory_space<vmem_shared>>
      tpu.wait_dma2 semaphore(%run_scoped3A : memref<!tpu.dma_semaphore, #tpu.memory_space<semaphore_mem>>) src(%dma_wait3A_69 : memref<128x64xf32, #tpu.memory_space<vmem_shared>>) dst(%arg14 : memref<128x64xf32, #tpu.memory_space<vmem>>)
      tpu.yield
    }) : () -> ()
    "tpu.region"() ({
      %run_scoped3A = tpu.sem_alloc : memref<!tpu.dma_semaphore, #tpu.memory_space<semaphore_mem>>
      %dma_start3A = arith.constant 0 : i32
      %dma_start3A_64 = tpu.memref_slice %arg7[%arg0, %add3A_63, %dma_start3A] : memref<2x10240x64xf32, #tpu.memory_space<hbm>> -> memref<1x128x64xf32, #tpu.memory_space<hbm>>
      %dma_start3A_65 = tpu.memref_squeeze %dma_start3A_64 : memref<1x128x64xf32, #tpu.memory_space<hbm>> -> memref<128x64xf32, #tpu.memory_space<hbm>>
      %dma_start3A_66 = arith.constant 0 : i32
      %dma_start3A_67 = tpu.memref_slice %arg7[%arg0, %add3A_63, %dma_start3A_66] : memref<2x10240x64xf32, #tpu.memory_space<hbm>> -> memref<1x128x64xf32, #tpu.memory_space<hbm>>
      %dma_start3A_68 = tpu.memref_squeeze %dma_start3A_67 : memref<1x128x64xf32, #tpu.memory_space<hbm>> -> memref<128x64xf32, #tpu.memory_space<hbm>>
      tpu.enqueue_dma source(%arg14 : memref<128x64xf32, #tpu.memory_space<vmem>>) target(%dma_start3A_68 : memref<128x64xf32, #tpu.memory_space<hbm>>) target_semaphore(%run_scoped3A : memref<!tpu.dma_semaphore, #tpu.memory_space<semaphore_mem>>)
      %dma_wait3A = arith.constant 0 : i32
      %dma_wait3A_69 = tpu.memref_slice %arg7[%arg0, %add3A_63, %dma_wait3A] : memref<2x10240x64xf32, #tpu.memory_space<hbm>> -> memref<1x128x64xf32, #tpu.memory_space<hbm>>
      %dma_wait3A_70 = tpu.memref_squeeze %dma_wait3A_69 : memref<1x128x64xf32, #tpu.memory_space<hbm>> -> memref<128x64xf32, #tpu.memory_space<hbm>>
      %dma_wait3A_71 = arith.constant 0 : i32
      %dma_wait3A_72 = tpu.memref_slice %arg7[%arg0, %add3A_63, %dma_wait3A_71] : memref<2x10240x64xf32, #tpu.memory_space<hbm>> -> memref<1x128x64xf32, #tpu.memory_space<hbm>>
      %dma_wait3A_73 = tpu.memref_squeeze %dma_wait3A_72 : memref<1x128x64xf32, #tpu.memory_space<hbm>> -> memref<128x64xf32, #tpu.memory_space<hbm>>
      tpu.wait_dma2 semaphore(%run_scoped3A : memref<!tpu.dma_semaphore, #tpu.memory_space<semaphore_mem>>) src(%arg14 : memref<128x64xf32, #tpu.memory_space<vmem>>) dst(%dma_wait3A_73 : memref<128x64xf32, #tpu.memory_space<hbm>>)
      tpu.yield
    }) : () -> ()
    return
  }
}

#map = affine_map<(d0, d1) -> (0, 0, 0)>
#map1 = affine_map<(d0, d1) -> (0, 0)>
module attributes {stable_mosaic.version = 14 : i64} {
  func.func @_gine_agg_body(%arg0: i32, %arg1: i32, %arg2: memref<2x10240x64xf32, #tpu.memory_space<hbm>>, %arg3: memref<2x163840x128xf32, #tpu.memory_space<hbm>>, %arg4: memref<16x160x128xi32, #tpu.memory_space<hbm>>, %arg5: memref<16x160x128xi32, #tpu.memory_space<hbm>>, %arg6: memref<128x64xf32, #tpu.memory_space<hbm>>, %arg7: memref<2x10240x64xf32, #tpu.memory_space<hbm>>, %arg8: memref<10240x64xf32, #tpu.memory_space<vmem_shared>>, %arg9: memref<10240x64xf32, #tpu.memory_space<vmem_shared>>, %arg10: memref<128xi32, #tpu.memory_space<vmem>>, %arg11: memref<128xi32, #tpu.memory_space<vmem>>, %arg12: memref<128x64xf32, #tpu.memory_space<vmem>>, %arg13: memref<64x128xf32, #tpu.memory_space<vmem>>, %arg14: memref<128x64xf32, #tpu.memory_space<vmem>>, %arg15: memref<!tpu.dma_semaphore, #tpu.memory_space<semaphore_mem>>, %arg16: memref<!tpu.dma_semaphore, #tpu.memory_space<semaphore_mem>>, %arg17: memref<!tpu.dma_semaphore, #tpu.memory_space<semaphore_mem>>) attributes {dimension_semantics = [#tpu.dimension_semantics<core_parallel>, #tpu.dimension_semantics<subcore_parallel>], iteration_bounds = array<i64: 2, 16>, scalar_prefetch = 0 : i64, scratch_operands = 10 : i64, tpu.core_type = #tpu.core_type<sc_vector_subcore>, window_params = [{transform_indices = #map}, {transform_indices = #map}, {transform_indices = #map}, {transform_indices = #map}, {transform_indices = #map1}, {transform_indices = #map}]} {
    "tpu.region"() ({
      %run_scoped3A = tpu.sem_alloc : memref<!tpu.dma_semaphore, #tpu.memory_space<semaphore_mem>>
      tpu.enqueue_dma source(%arg6 : memref<128x64xf32, #tpu.memory_space<hbm>>) target(%arg14 : memref<128x64xf32, #tpu.memory_space<vmem>>) target_semaphore(%run_scoped3A : memref<!tpu.dma_semaphore, #tpu.memory_space<semaphore_mem>>)
      tpu.wait_dma2 semaphore(%run_scoped3A : memref<!tpu.dma_semaphore, #tpu.memory_space<semaphore_mem>>) src(%arg6 : memref<128x64xf32, #tpu.memory_space<hbm>>) dst(%arg14 : memref<128x64xf32, #tpu.memory_space<vmem>>)
      tpu.yield
    }) : () -> ()
    %mul3A = arith.constant 640 : i32
    %mul3A_0 = arith.muli %arg1, %mul3A : i32
    %add3A = arith.constant 0 : i32
    %add3A_1 = arith.addi %mul3A_0, %add3A : i32
    "tpu.region"() ({
      %run_scoped3A = tpu.sem_alloc : memref<!tpu.dma_semaphore, #tpu.memory_space<semaphore_mem>>
      %dma_start3A = arith.constant 0 : i32
      %dma_start3A_64 = tpu.memref_slice %arg9[%add3A_1, %dma_start3A] : memref<10240x64xf32, #tpu.memory_space<vmem_shared>> -> memref<128x64xf32, #tpu.memory_space<vmem_shared>>
      %dma_start3A_65 = arith.constant 0 : i32
      %dma_start3A_66 = tpu.memref_slice %arg9[%add3A_1, %dma_start3A_65] : memref<10240x64xf32, #tpu.memory_space<vmem_shared>> -> memref<128x64xf32, #tpu.memory_space<vmem_shared>>
      tpu.enqueue_dma source(%arg14 : memref<128x64xf32, #tpu.memory_space<vmem>>) target(%dma_start3A_66 : memref<128x64xf32, #tpu.memory_space<vmem_shared>>) target_semaphore(%run_scoped3A : memref<!tpu.dma_semaphore, #tpu.memory_space<semaphore_mem>>)
      %dma_wait3A = arith.constant 0 : i32
      %dma_wait3A_67 = tpu.memref_slice %arg9[%add3A_1, %dma_wait3A] : memref<10240x64xf32, #tpu.memory_space<vmem_shared>> -> memref<128x64xf32, #tpu.memory_space<vmem_shared>>
      %dma_wait3A_68 = arith.constant 0 : i32
      %dma_wait3A_69 = tpu.memref_slice %arg9[%add3A_1, %dma_wait3A_68] : memref<10240x64xf32, #tpu.memory_space<vmem_shared>> -> memref<128x64xf32, #tpu.memory_space<vmem_shared>>
      tpu.wait_dma2 semaphore(%run_scoped3A : memref<!tpu.dma_semaphore, #tpu.memory_space<semaphore_mem>>) src(%arg14 : memref<128x64xf32, #tpu.memory_space<vmem>>) dst(%dma_wait3A_69 : memref<128x64xf32, #tpu.memory_space<vmem_shared>>)
      tpu.yield
    }) : () -> ()
    %mul3A_2 = arith.constant 640 : i32
    %mul3A_3 = arith.muli %arg1, %mul3A_2 : i32
    %add3A_4 = arith.constant 128 : i32
    %add3A_5 = arith.addi %mul3A_3, %add3A_4 : i32
    "tpu.region"() ({
      %run_scoped3A = tpu.sem_alloc : memref<!tpu.dma_semaphore, #tpu.memory_space<semaphore_mem>>
      %dma_start3A = arith.constant 0 : i32
      %dma_start3A_64 = tpu.memref_slice %arg9[%add3A_5, %dma_start3A] : memref<10240x64xf32, #tpu.memory_space<vmem_shared>> -> memref<128x64xf32, #tpu.memory_space<vmem_shared>>
      %dma_start3A_65 = arith.constant 0 : i32
      %dma_start3A_66 = tpu.memref_slice %arg9[%add3A_5, %dma_start3A_65] : memref<10240x64xf32, #tpu.memory_space<vmem_shared>> -> memref<128x64xf32, #tpu.memory_space<vmem_shared>>
      tpu.enqueue_dma source(%arg14 : memref<128x64xf32, #tpu.memory_space<vmem>>) target(%dma_start3A_66 : memref<128x64xf32, #tpu.memory_space<vmem_shared>>) target_semaphore(%run_scoped3A : memref<!tpu.dma_semaphore, #tpu.memory_space<semaphore_mem>>)
      %dma_wait3A = arith.constant 0 : i32
      %dma_wait3A_67 = tpu.memref_slice %arg9[%add3A_5, %dma_wait3A] : memref<10240x64xf32, #tpu.memory_space<vmem_shared>> -> memref<128x64xf32, #tpu.memory_space<vmem_shared>>
      %dma_wait3A_68 = arith.constant 0 : i32
      %dma_wait3A_69 = tpu.memref_slice %arg9[%add3A_5, %dma_wait3A_68] : memref<10240x64xf32, #tpu.memory_space<vmem_shared>> -> memref<128x64xf32, #tpu.memory_space<vmem_shared>>
      tpu.wait_dma2 semaphore(%run_scoped3A : memref<!tpu.dma_semaphore, #tpu.memory_space<semaphore_mem>>) src(%arg14 : memref<128x64xf32, #tpu.memory_space<vmem>>) dst(%dma_wait3A_69 : memref<128x64xf32, #tpu.memory_space<vmem_shared>>)
      tpu.yield
    }) : () -> ()
    %mul3A_6 = arith.constant 640 : i32
    %mul3A_7 = arith.muli %arg1, %mul3A_6 : i32
    %add3A_8 = arith.constant 256 : i32
    %add3A_9 = arith.addi %mul3A_7, %add3A_8 : i32
    "tpu.region"() ({
      %run_scoped3A = tpu.sem_alloc : memref<!tpu.dma_semaphore, #tpu.memory_space<semaphore_mem>>
      %dma_start3A = arith.constant 0 : i32
      %dma_start3A_64 = tpu.memref_slice %arg9[%add3A_9, %dma_start3A] : memref<10240x64xf32, #tpu.memory_space<vmem_shared>> -> memref<128x64xf32, #tpu.memory_space<vmem_shared>>
      %dma_start3A_65 = arith.constant 0 : i32
      %dma_start3A_66 = tpu.memref_slice %arg9[%add3A_9, %dma_start3A_65] : memref<10240x64xf32, #tpu.memory_space<vmem_shared>> -> memref<128x64xf32, #tpu.memory_space<vmem_shared>>
      tpu.enqueue_dma source(%arg14 : memref<128x64xf32, #tpu.memory_space<vmem>>) target(%dma_start3A_66 : memref<128x64xf32, #tpu.memory_space<vmem_shared>>) target_semaphore(%run_scoped3A : memref<!tpu.dma_semaphore, #tpu.memory_space<semaphore_mem>>)
      %dma_wait3A = arith.constant 0 : i32
      %dma_wait3A_67 = tpu.memref_slice %arg9[%add3A_9, %dma_wait3A] : memref<10240x64xf32, #tpu.memory_space<vmem_shared>> -> memref<128x64xf32, #tpu.memory_space<vmem_shared>>
      %dma_wait3A_68 = arith.constant 0 : i32
      %dma_wait3A_69 = tpu.memref_slice %arg9[%add3A_9, %dma_wait3A_68] : memref<10240x64xf32, #tpu.memory_space<vmem_shared>> -> memref<128x64xf32, #tpu.memory_space<vmem_shared>>
      tpu.wait_dma2 semaphore(%run_scoped3A : memref<!tpu.dma_semaphore, #tpu.memory_space<semaphore_mem>>) src(%arg14 : memref<128x64xf32, #tpu.memory_space<vmem>>) dst(%dma_wait3A_69 : memref<128x64xf32, #tpu.memory_space<vmem_shared>>)
      tpu.yield
    }) : () -> ()
    %mul3A_10 = arith.constant 640 : i32
    %mul3A_11 = arith.muli %arg1, %mul3A_10 : i32
    %add3A_12 = arith.constant 384 : i32
    %add3A_13 = arith.addi %mul3A_11, %add3A_12 : i32
    "tpu.region"() ({
      %run_scoped3A = tpu.sem_alloc : memref<!tpu.dma_semaphore, #tpu.memory_space<semaphore_mem>>
      %dma_start3A = arith.constant 0 : i32
      %dma_start3A_64 = tpu.memref_slice %arg9[%add3A_13, %dma_start3A] : memref<10240x64xf32, #tpu.memory_space<vmem_shared>> -> memref<128x64xf32, #tpu.memory_space<vmem_shared>>
      %dma_start3A_65 = arith.constant 0 : i32
      %dma_start3A_66 = tpu.memref_slice %arg9[%add3A_13, %dma_start3A_65] : memref<10240x64xf32, #tpu.memory_space<vmem_shared>> -> memref<128x64xf32, #tpu.memory_space<vmem_shared>>
      tpu.enqueue_dma source(%arg14 : memref<128x64xf32, #tpu.memory_space<vmem>>) target(%dma_start3A_66 : memref<128x64xf32, #tpu.memory_space<vmem_shared>>) target_semaphore(%run_scoped3A : memref<!tpu.dma_semaphore, #tpu.memory_space<semaphore_mem>>)
      %dma_wait3A = arith.constant 0 : i32
      %dma_wait3A_67 = tpu.memref_slice %arg9[%add3A_13, %dma_wait3A] : memref<10240x64xf32, #tpu.memory_space<vmem_shared>> -> memref<128x64xf32, #tpu.memory_space<vmem_shared>>
      %dma_wait3A_68 = arith.constant 0 : i32
      %dma_wait3A_69 = tpu.memref_slice %arg9[%add3A_13, %dma_wait3A_68] : memref<10240x64xf32, #tpu.memory_space<vmem_shared>> -> memref<128x64xf32, #tpu.memory_space<vmem_shared>>
      tpu.wait_dma2 semaphore(%run_scoped3A : memref<!tpu.dma_semaphore, #tpu.memory_space<semaphore_mem>>) src(%arg14 : memref<128x64xf32, #tpu.memory_space<vmem>>) dst(%dma_wait3A_69 : memref<128x64xf32, #tpu.memory_space<vmem_shared>>)
      tpu.yield
    }) : () -> ()
    %mul3A_14 = arith.constant 640 : i32
    %mul3A_15 = arith.muli %arg1, %mul3A_14 : i32
    %add3A_16 = arith.constant 512 : i32
    %add3A_17 = arith.addi %mul3A_15, %add3A_16 : i32
    "tpu.region"() ({
      %run_scoped3A = tpu.sem_alloc : memref<!tpu.dma_semaphore, #tpu.memory_space<semaphore_mem>>
      %dma_start3A = arith.constant 0 : i32
      %dma_start3A_64 = tpu.memref_slice %arg9[%add3A_17, %dma_start3A] : memref<10240x64xf32, #tpu.memory_space<vmem_shared>> -> memref<128x64xf32, #tpu.memory_space<vmem_shared>>
      %dma_start3A_65 = arith.constant 0 : i32
      %dma_start3A_66 = tpu.memref_slice %arg9[%add3A_17, %dma_start3A_65] : memref<10240x64xf32, #tpu.memory_space<vmem_shared>> -> memref<128x64xf32, #tpu.memory_space<vmem_shared>>
      tpu.enqueue_dma source(%arg14 : memref<128x64xf32, #tpu.memory_space<vmem>>) target(%dma_start3A_66 : memref<128x64xf32, #tpu.memory_space<vmem_shared>>) target_semaphore(%run_scoped3A : memref<!tpu.dma_semaphore, #tpu.memory_space<semaphore_mem>>)
      %dma_wait3A = arith.constant 0 : i32
      %dma_wait3A_67 = tpu.memref_slice %arg9[%add3A_17, %dma_wait3A] : memref<10240x64xf32, #tpu.memory_space<vmem_shared>> -> memref<128x64xf32, #tpu.memory_space<vmem_shared>>
      %dma_wait3A_68 = arith.constant 0 : i32
      %dma_wait3A_69 = tpu.memref_slice %arg9[%add3A_17, %dma_wait3A_68] : memref<10240x64xf32, #tpu.memory_space<vmem_shared>> -> memref<128x64xf32, #tpu.memory_space<vmem_shared>>
      tpu.wait_dma2 semaphore(%run_scoped3A : memref<!tpu.dma_semaphore, #tpu.memory_space<semaphore_mem>>) src(%arg14 : memref<128x64xf32, #tpu.memory_space<vmem>>) dst(%dma_wait3A_69 : memref<128x64xf32, #tpu.memory_space<vmem_shared>>)
      tpu.yield
    }) : () -> ()
    %mul3A_18 = arith.constant 640 : i32
    %mul3A_19 = arith.muli %arg1, %mul3A_18 : i32
    %add3A_20 = arith.constant 0 : i32
    %add3A_21 = arith.addi %mul3A_19, %add3A_20 : i32
    "tpu.region"() ({
      %run_scoped3A = tpu.sem_alloc : memref<!tpu.dma_semaphore, #tpu.memory_space<semaphore_mem>>
      %dma_start3A = arith.constant 0 : i32
      %dma_start3A_64 = tpu.memref_slice %arg2[%arg0, %add3A_21, %dma_start3A] : memref<2x10240x64xf32, #tpu.memory_space<hbm>> -> memref<1x128x64xf32, #tpu.memory_space<hbm>>
      %dma_start3A_65 = tpu.memref_squeeze %dma_start3A_64 : memref<1x128x64xf32, #tpu.memory_space<hbm>> -> memref<128x64xf32, #tpu.memory_space<hbm>>
      %dma_start3A_66 = arith.constant 0 : i32
      %dma_start3A_67 = tpu.memref_slice %arg2[%arg0, %add3A_21, %dma_start3A_66] : memref<2x10240x64xf32, #tpu.memory_space<hbm>> -> memref<1x128x64xf32, #tpu.memory_space<hbm>>
      %dma_start3A_68 = tpu.memref_squeeze %dma_start3A_67 : memref<1x128x64xf32, #tpu.memory_space<hbm>> -> memref<128x64xf32, #tpu.memory_space<hbm>>
      tpu.enqueue_dma source(%dma_start3A_68 : memref<128x64xf32, #tpu.memory_space<hbm>>) target(%arg14 : memref<128x64xf32, #tpu.memory_space<vmem>>) target_semaphore(%run_scoped3A : memref<!tpu.dma_semaphore, #tpu.memory_space<semaphore_mem>>)
      %dma_wait3A = arith.constant 0 : i32
      %dma_wait3A_69 = tpu.memref_slice %arg2[%arg0, %add3A_21, %dma_wait3A] : memref<2x10240x64xf32, #tpu.memory_space<hbm>> -> memref<1x128x64xf32, #tpu.memory_space<hbm>>
      %dma_wait3A_70 = tpu.memref_squeeze %dma_wait3A_69 : memref<1x128x64xf32, #tpu.memory_space<hbm>> -> memref<128x64xf32, #tpu.memory_space<hbm>>
      %dma_wait3A_71 = arith.constant 0 : i32
      %dma_wait3A_72 = tpu.memref_slice %arg2[%arg0, %add3A_21, %dma_wait3A_71] : memref<2x10240x64xf32, #tpu.memory_space<hbm>> -> memref<1x128x64xf32, #tpu.memory_space<hbm>>
      %dma_wait3A_73 = tpu.memref_squeeze %dma_wait3A_72 : memref<1x128x64xf32, #tpu.memory_space<hbm>> -> memref<128x64xf32, #tpu.memory_space<hbm>>
      tpu.wait_dma2 semaphore(%run_scoped3A : memref<!tpu.dma_semaphore, #tpu.memory_space<semaphore_mem>>) src(%dma_wait3A_73 : memref<128x64xf32, #tpu.memory_space<hbm>>) dst(%arg14 : memref<128x64xf32, #tpu.memory_space<vmem>>)
      tpu.yield
    }) : () -> ()
    "tpu.region"() ({
      %run_scoped3A = tpu.sem_alloc : memref<!tpu.dma_semaphore, #tpu.memory_space<semaphore_mem>>
      %dma_start3A = arith.constant 0 : i32
      %dma_start3A_64 = tpu.memref_slice %arg8[%add3A_21, %dma_start3A] : memref<10240x64xf32, #tpu.memory_space<vmem_shared>> -> memref<128x64xf32, #tpu.memory_space<vmem_shared>>
      %dma_start3A_65 = arith.constant 0 : i32
      %dma_start3A_66 = tpu.memref_slice %arg8[%add3A_21, %dma_start3A_65] : memref<10240x64xf32, #tpu.memory_space<vmem_shared>> -> memref<128x64xf32, #tpu.memory_space<vmem_shared>>
      tpu.enqueue_dma source(%arg14 : memref<128x64xf32, #tpu.memory_space<vmem>>) target(%dma_start3A_66 : memref<128x64xf32, #tpu.memory_space<vmem_shared>>) target_semaphore(%run_scoped3A : memref<!tpu.dma_semaphore, #tpu.memory_space<semaphore_mem>>)
      %dma_wait3A = arith.constant 0 : i32
      %dma_wait3A_67 = tpu.memref_slice %arg8[%add3A_21, %dma_wait3A] : memref<10240x64xf32, #tpu.memory_space<vmem_shared>> -> memref<128x64xf32, #tpu.memory_space<vmem_shared>>
      %dma_wait3A_68 = arith.constant 0 : i32
      %dma_wait3A_69 = tpu.memref_slice %arg8[%add3A_21, %dma_wait3A_68] : memref<10240x64xf32, #tpu.memory_space<vmem_shared>> -> memref<128x64xf32, #tpu.memory_space<vmem_shared>>
      tpu.wait_dma2 semaphore(%run_scoped3A : memref<!tpu.dma_semaphore, #tpu.memory_space<semaphore_mem>>) src(%arg14 : memref<128x64xf32, #tpu.memory_space<vmem>>) dst(%dma_wait3A_69 : memref<128x64xf32, #tpu.memory_space<vmem_shared>>)
      tpu.yield
    }) : () -> ()
    %mul3A_22 = arith.constant 640 : i32
    %mul3A_23 = arith.muli %arg1, %mul3A_22 : i32
    %add3A_24 = arith.constant 128 : i32
    %add3A_25 = arith.addi %mul3A_23, %add3A_24 : i32
    "tpu.region"() ({
      %run_scoped3A = tpu.sem_alloc : memref<!tpu.dma_semaphore, #tpu.memory_space<semaphore_mem>>
      %dma_start3A = arith.constant 0 : i32
      %dma_start3A_64 = tpu.memref_slice %arg2[%arg0, %add3A_25, %dma_start3A] : memref<2x10240x64xf32, #tpu.memory_space<hbm>> -> memref<1x128x64xf32, #tpu.memory_space<hbm>>
      %dma_start3A_65 = tpu.memref_squeeze %dma_start3A_64 : memref<1x128x64xf32, #tpu.memory_space<hbm>> -> memref<128x64xf32, #tpu.memory_space<hbm>>
      %dma_start3A_66 = arith.constant 0 : i32
      %dma_start3A_67 = tpu.memref_slice %arg2[%arg0, %add3A_25, %dma_start3A_66] : memref<2x10240x64xf32, #tpu.memory_space<hbm>> -> memref<1x128x64xf32, #tpu.memory_space<hbm>>
      %dma_start3A_68 = tpu.memref_squeeze %dma_start3A_67 : memref<1x128x64xf32, #tpu.memory_space<hbm>> -> memref<128x64xf32, #tpu.memory_space<hbm>>
      tpu.enqueue_dma source(%dma_start3A_68 : memref<128x64xf32, #tpu.memory_space<hbm>>) target(%arg14 : memref<128x64xf32, #tpu.memory_space<vmem>>) target_semaphore(%run_scoped3A : memref<!tpu.dma_semaphore, #tpu.memory_space<semaphore_mem>>)
      %dma_wait3A = arith.constant 0 : i32
      %dma_wait3A_69 = tpu.memref_slice %arg2[%arg0, %add3A_25, %dma_wait3A] : memref<2x10240x64xf32, #tpu.memory_space<hbm>> -> memref<1x128x64xf32, #tpu.memory_space<hbm>>
      %dma_wait3A_70 = tpu.memref_squeeze %dma_wait3A_69 : memref<1x128x64xf32, #tpu.memory_space<hbm>> -> memref<128x64xf32, #tpu.memory_space<hbm>>
      %dma_wait3A_71 = arith.constant 0 : i32
      %dma_wait3A_72 = tpu.memref_slice %arg2[%arg0, %add3A_25, %dma_wait3A_71] : memref<2x10240x64xf32, #tpu.memory_space<hbm>> -> memref<1x128x64xf32, #tpu.memory_space<hbm>>
      %dma_wait3A_73 = tpu.memref_squeeze %dma_wait3A_72 : memref<1x128x64xf32, #tpu.memory_space<hbm>> -> memref<128x64xf32, #tpu.memory_space<hbm>>
      tpu.wait_dma2 semaphore(%run_scoped3A : memref<!tpu.dma_semaphore, #tpu.memory_space<semaphore_mem>>) src(%dma_wait3A_73 : memref<128x64xf32, #tpu.memory_space<hbm>>) dst(%arg14 : memref<128x64xf32, #tpu.memory_space<vmem>>)
      tpu.yield
    }) : () -> ()
    "tpu.region"() ({
      %run_scoped3A = tpu.sem_alloc : memref<!tpu.dma_semaphore, #tpu.memory_space<semaphore_mem>>
      %dma_start3A = arith.constant 0 : i32
      %dma_start3A_64 = tpu.memref_slice %arg8[%add3A_25, %dma_start3A] : memref<10240x64xf32, #tpu.memory_space<vmem_shared>> -> memref<128x64xf32, #tpu.memory_space<vmem_shared>>
      %dma_start3A_65 = arith.constant 0 : i32
      %dma_start3A_66 = tpu.memref_slice %arg8[%add3A_25, %dma_start3A_65] : memref<10240x64xf32, #tpu.memory_space<vmem_shared>> -> memref<128x64xf32, #tpu.memory_space<vmem_shared>>
      tpu.enqueue_dma source(%arg14 : memref<128x64xf32, #tpu.memory_space<vmem>>) target(%dma_start3A_66 : memref<128x64xf32, #tpu.memory_space<vmem_shared>>) target_semaphore(%run_scoped3A : memref<!tpu.dma_semaphore, #tpu.memory_space<semaphore_mem>>)
      %dma_wait3A = arith.constant 0 : i32
      %dma_wait3A_67 = tpu.memref_slice %arg8[%add3A_25, %dma_wait3A] : memref<10240x64xf32, #tpu.memory_space<vmem_shared>> -> memref<128x64xf32, #tpu.memory_space<vmem_shared>>
      %dma_wait3A_68 = arith.constant 0 : i32
      %dma_wait3A_69 = tpu.memref_slice %arg8[%add3A_25, %dma_wait3A_68] : memref<10240x64xf32, #tpu.memory_space<vmem_shared>> -> memref<128x64xf32, #tpu.memory_space<vmem_shared>>
      tpu.wait_dma2 semaphore(%run_scoped3A : memref<!tpu.dma_semaphore, #tpu.memory_space<semaphore_mem>>) src(%arg14 : memref<128x64xf32, #tpu.memory_space<vmem>>) dst(%dma_wait3A_69 : memref<128x64xf32, #tpu.memory_space<vmem_shared>>)
      tpu.yield
    }) : () -> ()
    %mul3A_26 = arith.constant 640 : i32
    %mul3A_27 = arith.muli %arg1, %mul3A_26 : i32
    %add3A_28 = arith.constant 256 : i32
    %add3A_29 = arith.addi %mul3A_27, %add3A_28 : i32
    "tpu.region"() ({
      %run_scoped3A = tpu.sem_alloc : memref<!tpu.dma_semaphore, #tpu.memory_space<semaphore_mem>>
      %dma_start3A = arith.constant 0 : i32
      %dma_start3A_64 = tpu.memref_slice %arg2[%arg0, %add3A_29, %dma_start3A] : memref<2x10240x64xf32, #tpu.memory_space<hbm>> -> memref<1x128x64xf32, #tpu.memory_space<hbm>>
      %dma_start3A_65 = tpu.memref_squeeze %dma_start3A_64 : memref<1x128x64xf32, #tpu.memory_space<hbm>> -> memref<128x64xf32, #tpu.memory_space<hbm>>
      %dma_start3A_66 = arith.constant 0 : i32
      %dma_start3A_67 = tpu.memref_slice %arg2[%arg0, %add3A_29, %dma_start3A_66] : memref<2x10240x64xf32, #tpu.memory_space<hbm>> -> memref<1x128x64xf32, #tpu.memory_space<hbm>>
      %dma_start3A_68 = tpu.memref_squeeze %dma_start3A_67 : memref<1x128x64xf32, #tpu.memory_space<hbm>> -> memref<128x64xf32, #tpu.memory_space<hbm>>
      tpu.enqueue_dma source(%dma_start3A_68 : memref<128x64xf32, #tpu.memory_space<hbm>>) target(%arg14 : memref<128x64xf32, #tpu.memory_space<vmem>>) target_semaphore(%run_scoped3A : memref<!tpu.dma_semaphore, #tpu.memory_space<semaphore_mem>>)
      %dma_wait3A = arith.constant 0 : i32
      %dma_wait3A_69 = tpu.memref_slice %arg2[%arg0, %add3A_29, %dma_wait3A] : memref<2x10240x64xf32, #tpu.memory_space<hbm>> -> memref<1x128x64xf32, #tpu.memory_space<hbm>>
      %dma_wait3A_70 = tpu.memref_squeeze %dma_wait3A_69 : memref<1x128x64xf32, #tpu.memory_space<hbm>> -> memref<128x64xf32, #tpu.memory_space<hbm>>
      %dma_wait3A_71 = arith.constant 0 : i32
      %dma_wait3A_72 = tpu.memref_slice %arg2[%arg0, %add3A_29, %dma_wait3A_71] : memref<2x10240x64xf32, #tpu.memory_space<hbm>> -> memref<1x128x64xf32, #tpu.memory_space<hbm>>
      %dma_wait3A_73 = tpu.memref_squeeze %dma_wait3A_72 : memref<1x128x64xf32, #tpu.memory_space<hbm>> -> memref<128x64xf32, #tpu.memory_space<hbm>>
      tpu.wait_dma2 semaphore(%run_scoped3A : memref<!tpu.dma_semaphore, #tpu.memory_space<semaphore_mem>>) src(%dma_wait3A_73 : memref<128x64xf32, #tpu.memory_space<hbm>>) dst(%arg14 : memref<128x64xf32, #tpu.memory_space<vmem>>)
      tpu.yield
    }) : () -> ()
    "tpu.region"() ({
      %run_scoped3A = tpu.sem_alloc : memref<!tpu.dma_semaphore, #tpu.memory_space<semaphore_mem>>
      %dma_start3A = arith.constant 0 : i32
      %dma_start3A_64 = tpu.memref_slice %arg8[%add3A_29, %dma_start3A] : memref<10240x64xf32, #tpu.memory_space<vmem_shared>> -> memref<128x64xf32, #tpu.memory_space<vmem_shared>>
      %dma_start3A_65 = arith.constant 0 : i32
      %dma_start3A_66 = tpu.memref_slice %arg8[%add3A_29, %dma_start3A_65] : memref<10240x64xf32, #tpu.memory_space<vmem_shared>> -> memref<128x64xf32, #tpu.memory_space<vmem_shared>>
      tpu.enqueue_dma source(%arg14 : memref<128x64xf32, #tpu.memory_space<vmem>>) target(%dma_start3A_66 : memref<128x64xf32, #tpu.memory_space<vmem_shared>>) target_semaphore(%run_scoped3A : memref<!tpu.dma_semaphore, #tpu.memory_space<semaphore_mem>>)
      %dma_wait3A = arith.constant 0 : i32
      %dma_wait3A_67 = tpu.memref_slice %arg8[%add3A_29, %dma_wait3A] : memref<10240x64xf32, #tpu.memory_space<vmem_shared>> -> memref<128x64xf32, #tpu.memory_space<vmem_shared>>
      %dma_wait3A_68 = arith.constant 0 : i32
      %dma_wait3A_69 = tpu.memref_slice %arg8[%add3A_29, %dma_wait3A_68] : memref<10240x64xf32, #tpu.memory_space<vmem_shared>> -> memref<128x64xf32, #tpu.memory_space<vmem_shared>>
      tpu.wait_dma2 semaphore(%run_scoped3A : memref<!tpu.dma_semaphore, #tpu.memory_space<semaphore_mem>>) src(%arg14 : memref<128x64xf32, #tpu.memory_space<vmem>>) dst(%dma_wait3A_69 : memref<128x64xf32, #tpu.memory_space<vmem_shared>>)
      tpu.yield
    }) : () -> ()
    %mul3A_30 = arith.constant 640 : i32
    %mul3A_31 = arith.muli %arg1, %mul3A_30 : i32
    %add3A_32 = arith.constant 384 : i32
    %add3A_33 = arith.addi %mul3A_31, %add3A_32 : i32
    "tpu.region"() ({
      %run_scoped3A = tpu.sem_alloc : memref<!tpu.dma_semaphore, #tpu.memory_space<semaphore_mem>>
      %dma_start3A = arith.constant 0 : i32
      %dma_start3A_64 = tpu.memref_slice %arg2[%arg0, %add3A_33, %dma_start3A] : memref<2x10240x64xf32, #tpu.memory_space<hbm>> -> memref<1x128x64xf32, #tpu.memory_space<hbm>>
      %dma_start3A_65 = tpu.memref_squeeze %dma_start3A_64 : memref<1x128x64xf32, #tpu.memory_space<hbm>> -> memref<128x64xf32, #tpu.memory_space<hbm>>
      %dma_start3A_66 = arith.constant 0 : i32
      %dma_start3A_67 = tpu.memref_slice %arg2[%arg0, %add3A_33, %dma_start3A_66] : memref<2x10240x64xf32, #tpu.memory_space<hbm>> -> memref<1x128x64xf32, #tpu.memory_space<hbm>>
      %dma_start3A_68 = tpu.memref_squeeze %dma_start3A_67 : memref<1x128x64xf32, #tpu.memory_space<hbm>> -> memref<128x64xf32, #tpu.memory_space<hbm>>
      tpu.enqueue_dma source(%dma_start3A_68 : memref<128x64xf32, #tpu.memory_space<hbm>>) target(%arg14 : memref<128x64xf32, #tpu.memory_space<vmem>>) target_semaphore(%run_scoped3A : memref<!tpu.dma_semaphore, #tpu.memory_space<semaphore_mem>>)
      %dma_wait3A = arith.constant 0 : i32
      %dma_wait3A_69 = tpu.memref_slice %arg2[%arg0, %add3A_33, %dma_wait3A] : memref<2x10240x64xf32, #tpu.memory_space<hbm>> -> memref<1x128x64xf32, #tpu.memory_space<hbm>>
      %dma_wait3A_70 = tpu.memref_squeeze %dma_wait3A_69 : memref<1x128x64xf32, #tpu.memory_space<hbm>> -> memref<128x64xf32, #tpu.memory_space<hbm>>
      %dma_wait3A_71 = arith.constant 0 : i32
      %dma_wait3A_72 = tpu.memref_slice %arg2[%arg0, %add3A_33, %dma_wait3A_71] : memref<2x10240x64xf32, #tpu.memory_space<hbm>> -> memref<1x128x64xf32, #tpu.memory_space<hbm>>
      %dma_wait3A_73 = tpu.memref_squeeze %dma_wait3A_72 : memref<1x128x64xf32, #tpu.memory_space<hbm>> -> memref<128x64xf32, #tpu.memory_space<hbm>>
      tpu.wait_dma2 semaphore(%run_scoped3A : memref<!tpu.dma_semaphore, #tpu.memory_space<semaphore_mem>>) src(%dma_wait3A_73 : memref<128x64xf32, #tpu.memory_space<hbm>>) dst(%arg14 : memref<128x64xf32, #tpu.memory_space<vmem>>)
      tpu.yield
    }) : () -> ()
    "tpu.region"() ({
      %run_scoped3A = tpu.sem_alloc : memref<!tpu.dma_semaphore, #tpu.memory_space<semaphore_mem>>
      %dma_start3A = arith.constant 0 : i32
      %dma_start3A_64 = tpu.memref_slice %arg8[%add3A_33, %dma_start3A] : memref<10240x64xf32, #tpu.memory_space<vmem_shared>> -> memref<128x64xf32, #tpu.memory_space<vmem_shared>>
      %dma_start3A_65 = arith.constant 0 : i32
      %dma_start3A_66 = tpu.memref_slice %arg8[%add3A_33, %dma_start3A_65] : memref<10240x64xf32, #tpu.memory_space<vmem_shared>> -> memref<128x64xf32, #tpu.memory_space<vmem_shared>>
      tpu.enqueue_dma source(%arg14 : memref<128x64xf32, #tpu.memory_space<vmem>>) target(%dma_start3A_66 : memref<128x64xf32, #tpu.memory_space<vmem_shared>>) target_semaphore(%run_scoped3A : memref<!tpu.dma_semaphore, #tpu.memory_space<semaphore_mem>>)
      %dma_wait3A = arith.constant 0 : i32
      %dma_wait3A_67 = tpu.memref_slice %arg8[%add3A_33, %dma_wait3A] : memref<10240x64xf32, #tpu.memory_space<vmem_shared>> -> memref<128x64xf32, #tpu.memory_space<vmem_shared>>
      %dma_wait3A_68 = arith.constant 0 : i32
      %dma_wait3A_69 = tpu.memref_slice %arg8[%add3A_33, %dma_wait3A_68] : memref<10240x64xf32, #tpu.memory_space<vmem_shared>> -> memref<128x64xf32, #tpu.memory_space<vmem_shared>>
      tpu.wait_dma2 semaphore(%run_scoped3A : memref<!tpu.dma_semaphore, #tpu.memory_space<semaphore_mem>>) src(%arg14 : memref<128x64xf32, #tpu.memory_space<vmem>>) dst(%dma_wait3A_69 : memref<128x64xf32, #tpu.memory_space<vmem_shared>>)
      tpu.yield
    }) : () -> ()
    %mul3A_34 = arith.constant 640 : i32
    %mul3A_35 = arith.muli %arg1, %mul3A_34 : i32
    %add3A_36 = arith.constant 512 : i32
    %add3A_37 = arith.addi %mul3A_35, %add3A_36 : i32
    "tpu.region"() ({
      %run_scoped3A = tpu.sem_alloc : memref<!tpu.dma_semaphore, #tpu.memory_space<semaphore_mem>>
      %dma_start3A = arith.constant 0 : i32
      %dma_start3A_64 = tpu.memref_slice %arg2[%arg0, %add3A_37, %dma_start3A] : memref<2x10240x64xf32, #tpu.memory_space<hbm>> -> memref<1x128x64xf32, #tpu.memory_space<hbm>>
      %dma_start3A_65 = tpu.memref_squeeze %dma_start3A_64 : memref<1x128x64xf32, #tpu.memory_space<hbm>> -> memref<128x64xf32, #tpu.memory_space<hbm>>
      %dma_start3A_66 = arith.constant 0 : i32
      %dma_start3A_67 = tpu.memref_slice %arg2[%arg0, %add3A_37, %dma_start3A_66] : memref<2x10240x64xf32, #tpu.memory_space<hbm>> -> memref<1x128x64xf32, #tpu.memory_space<hbm>>
      %dma_start3A_68 = tpu.memref_squeeze %dma_start3A_67 : memref<1x128x64xf32, #tpu.memory_space<hbm>> -> memref<128x64xf32, #tpu.memory_space<hbm>>
      tpu.enqueue_dma source(%dma_start3A_68 : memref<128x64xf32, #tpu.memory_space<hbm>>) target(%arg14 : memref<128x64xf32, #tpu.memory_space<vmem>>) target_semaphore(%run_scoped3A : memref<!tpu.dma_semaphore, #tpu.memory_space<semaphore_mem>>)
      %dma_wait3A = arith.constant 0 : i32
      %dma_wait3A_69 = tpu.memref_slice %arg2[%arg0, %add3A_37, %dma_wait3A] : memref<2x10240x64xf32, #tpu.memory_space<hbm>> -> memref<1x128x64xf32, #tpu.memory_space<hbm>>
      %dma_wait3A_70 = tpu.memref_squeeze %dma_wait3A_69 : memref<1x128x64xf32, #tpu.memory_space<hbm>> -> memref<128x64xf32, #tpu.memory_space<hbm>>
      %dma_wait3A_71 = arith.constant 0 : i32
      %dma_wait3A_72 = tpu.memref_slice %arg2[%arg0, %add3A_37, %dma_wait3A_71] : memref<2x10240x64xf32, #tpu.memory_space<hbm>> -> memref<1x128x64xf32, #tpu.memory_space<hbm>>
      %dma_wait3A_73 = tpu.memref_squeeze %dma_wait3A_72 : memref<1x128x64xf32, #tpu.memory_space<hbm>> -> memref<128x64xf32, #tpu.memory_space<hbm>>
      tpu.wait_dma2 semaphore(%run_scoped3A : memref<!tpu.dma_semaphore, #tpu.memory_space<semaphore_mem>>) src(%dma_wait3A_73 : memref<128x64xf32, #tpu.memory_space<hbm>>) dst(%arg14 : memref<128x64xf32, #tpu.memory_space<vmem>>)
      tpu.yield
    }) : () -> ()
    "tpu.region"() ({
      %run_scoped3A = tpu.sem_alloc : memref<!tpu.dma_semaphore, #tpu.memory_space<semaphore_mem>>
      %dma_start3A = arith.constant 0 : i32
      %dma_start3A_64 = tpu.memref_slice %arg8[%add3A_37, %dma_start3A] : memref<10240x64xf32, #tpu.memory_space<vmem_shared>> -> memref<128x64xf32, #tpu.memory_space<vmem_shared>>
      %dma_start3A_65 = arith.constant 0 : i32
      %dma_start3A_66 = tpu.memref_slice %arg8[%add3A_37, %dma_start3A_65] : memref<10240x64xf32, #tpu.memory_space<vmem_shared>> -> memref<128x64xf32, #tpu.memory_space<vmem_shared>>
      tpu.enqueue_dma source(%arg14 : memref<128x64xf32, #tpu.memory_space<vmem>>) target(%dma_start3A_66 : memref<128x64xf32, #tpu.memory_space<vmem_shared>>) target_semaphore(%run_scoped3A : memref<!tpu.dma_semaphore, #tpu.memory_space<semaphore_mem>>)
      %dma_wait3A = arith.constant 0 : i32
      %dma_wait3A_67 = tpu.memref_slice %arg8[%add3A_37, %dma_wait3A] : memref<10240x64xf32, #tpu.memory_space<vmem_shared>> -> memref<128x64xf32, #tpu.memory_space<vmem_shared>>
      %dma_wait3A_68 = arith.constant 0 : i32
      %dma_wait3A_69 = tpu.memref_slice %arg8[%add3A_37, %dma_wait3A_68] : memref<10240x64xf32, #tpu.memory_space<vmem_shared>> -> memref<128x64xf32, #tpu.memory_space<vmem_shared>>
      tpu.wait_dma2 semaphore(%run_scoped3A : memref<!tpu.dma_semaphore, #tpu.memory_space<semaphore_mem>>) src(%arg14 : memref<128x64xf32, #tpu.memory_space<vmem>>) dst(%dma_wait3A_69 : memref<128x64xf32, #tpu.memory_space<vmem_shared>>)
      tpu.yield
    }) : () -> ()
    %barrier3A = arith.constant 0 : index
    tpu.barrier barrier_id(%barrier3A)
    %scan3A = arith.constant 0 : i32
    %scan3A_38 = arith.constant 0 : i32
    %scan3A_39 = arith.constant 160 : i32
    %scan3A_40 = arith.addi %scan3A_38, %scan3A_39 : i32
    %scan3A_41 = arith.constant 1 : i32
    scf.for %scan3A_64 = %scan3A_38 to %scan3A_40 step %scan3A_41  : i32 {
      %mul3A_65 = arith.constant 10240 : i32
      %mul3A_66 = arith.muli %arg1, %mul3A_65 : i32
      %mul3A_67 = arith.constant 64 : i32
      %mul3A_68 = arith.muli %scan3A_64, %mul3A_67 : i32
      %add3A_69 = arith.addi %mul3A_66, %mul3A_68 : i32
      %dma_start3A = arith.constant 0 : i32
      %dma_start3A_70 = tpu.memref_slice %arg3[%arg0, %add3A_69, %dma_start3A] : memref<2x163840x128xf32, #tpu.memory_space<hbm>> -> memref<1x64x128xf32, #tpu.memory_space<hbm>>
      %dma_start3A_71 = tpu.memref_squeeze %dma_start3A_70 : memref<1x64x128xf32, #tpu.memory_space<hbm>> -> memref<64x128xf32, #tpu.memory_space<hbm>>
      %dma_start3A_72 = arith.constant 0 : i32
      %dma_start3A_73 = tpu.memref_slice %arg3[%arg0, %add3A_69, %dma_start3A_72] : memref<2x163840x128xf32, #tpu.memory_space<hbm>> -> memref<1x64x128xf32, #tpu.memory_space<hbm>>
      %dma_start3A_74 = tpu.memref_squeeze %dma_start3A_73 : memref<1x64x128xf32, #tpu.memory_space<hbm>> -> memref<64x128xf32, #tpu.memory_space<hbm>>
      tpu.enqueue_dma source(%dma_start3A_74 : memref<64x128xf32, #tpu.memory_space<hbm>>) target(%arg13 : memref<64x128xf32, #tpu.memory_space<vmem>>) target_semaphore(%arg15 : memref<!tpu.dma_semaphore, #tpu.memory_space<semaphore_mem>>)
      %dma_start3A_75 = arith.constant 0 : i32
      %dma_start3A_76 = tpu.memref_slice %arg4[%arg1, %scan3A_64, %dma_start3A_75] : memref<16x160x128xi32, #tpu.memory_space<hbm>> -> memref<1x1x128xi32, #tpu.memory_space<hbm>>
      %dma_start3A_77 = tpu.memref_squeeze %dma_start3A_76 : memref<1x1x128xi32, #tpu.memory_space<hbm>> -> memref<128xi32, #tpu.memory_space<hbm>>
      %dma_start3A_78 = arith.constant 0 : i32
      %dma_start3A_79 = tpu.memref_slice %arg4[%arg1, %scan3A_64, %dma_start3A_78] : memref<16x160x128xi32, #tpu.memory_space<hbm>> -> memref<1x1x128xi32, #tpu.memory_space<hbm>>
      %dma_start3A_80 = tpu.memref_squeeze %dma_start3A_79 : memref<1x1x128xi32, #tpu.memory_space<hbm>> -> memref<128xi32, #tpu.memory_space<hbm>>
      tpu.enqueue_dma source(%dma_start3A_80 : memref<128xi32, #tpu.memory_space<hbm>>) target(%arg10 : memref<128xi32, #tpu.memory_space<vmem>>) target_semaphore(%arg17 : memref<!tpu.dma_semaphore, #tpu.memory_space<semaphore_mem>>)
      "tpu.region"() ({
        %run_scoped3A = tpu.sem_alloc : memref<!tpu.dma_semaphore, #tpu.memory_space<semaphore_mem>>
        %dma_start3A_104 = arith.constant 0 : i32
        %dma_start3A_105 = tpu.memref_slice %arg5[%arg1, %scan3A_64, %dma_start3A_104] : memref<16x160x128xi32, #tpu.memory_space<hbm>> -> memref<1x1x128xi32, #tpu.memory_space<hbm>>
        %dma_start3A_106 = tpu.memref_squeeze %dma_start3A_105 : memref<1x1x128xi32, #tpu.memory_space<hbm>> -> memref<128xi32, #tpu.memory_space<hbm>>
        %dma_start3A_107 = arith.constant 0 : i32
        %dma_start3A_108 = tpu.memref_slice %arg5[%arg1, %scan3A_64, %dma_start3A_107] : memref<16x160x128xi32, #tpu.memory_space<hbm>> -> memref<1x1x128xi32, #tpu.memory_space<hbm>>
        %dma_start3A_109 = tpu.memref_squeeze %dma_start3A_108 : memref<1x1x128xi32, #tpu.memory_space<hbm>> -> memref<128xi32, #tpu.memory_space<hbm>>
        tpu.enqueue_dma source(%dma_start3A_109 : memref<128xi32, #tpu.memory_space<hbm>>) target(%arg11 : memref<128xi32, #tpu.memory_space<vmem>>) target_semaphore(%run_scoped3A : memref<!tpu.dma_semaphore, #tpu.memory_space<semaphore_mem>>)
        %dma_wait3A_110 = arith.constant 0 : i32
        %dma_wait3A_111 = tpu.memref_slice %arg5[%arg1, %scan3A_64, %dma_wait3A_110] : memref<16x160x128xi32, #tpu.memory_space<hbm>> -> memref<1x1x128xi32, #tpu.memory_space<hbm>>
        %dma_wait3A_112 = tpu.memref_squeeze %dma_wait3A_111 : memref<1x1x128xi32, #tpu.memory_space<hbm>> -> memref<128xi32, #tpu.memory_space<hbm>>
        %dma_wait3A_113 = arith.constant 0 : i32
        %dma_wait3A_114 = tpu.memref_slice %arg5[%arg1, %scan3A_64, %dma_wait3A_113] : memref<16x160x128xi32, #tpu.memory_space<hbm>> -> memref<1x1x128xi32, #tpu.memory_space<hbm>>
        %dma_wait3A_115 = tpu.memref_squeeze %dma_wait3A_114 : memref<1x1x128xi32, #tpu.memory_space<hbm>> -> memref<128xi32, #tpu.memory_space<hbm>>
        tpu.wait_dma2 semaphore(%run_scoped3A : memref<!tpu.dma_semaphore, #tpu.memory_space<semaphore_mem>>) src(%dma_wait3A_115 : memref<128xi32, #tpu.memory_space<hbm>>) dst(%arg11 : memref<128xi32, #tpu.memory_space<vmem>>)
        tpu.yield
      }) : () -> ()
      %dma_wait3A = arith.constant 0 : i32
      %dma_wait3A_81 = tpu.memref_slice %arg4[%arg1, %scan3A_64, %dma_wait3A] : memref<16x160x128xi32, #tpu.memory_space<hbm>> -> memref<1x1x128xi32, #tpu.memory_space<hbm>>
      %dma_wait3A_82 = tpu.memref_squeeze %dma_wait3A_81 : memref<1x1x128xi32, #tpu.memory_space<hbm>> -> memref<128xi32, #tpu.memory_space<hbm>>
      %dma_wait3A_83 = arith.constant 0 : i32
      %dma_wait3A_84 = tpu.memref_slice %arg4[%arg1, %scan3A_64, %dma_wait3A_83] : memref<16x160x128xi32, #tpu.memory_space<hbm>> -> memref<1x1x128xi32, #tpu.memory_space<hbm>>
      %dma_wait3A_85 = tpu.memref_squeeze %dma_wait3A_84 : memref<1x1x128xi32, #tpu.memory_space<hbm>> -> memref<128xi32, #tpu.memory_space<hbm>>
      tpu.wait_dma2 semaphore(%arg17 : memref<!tpu.dma_semaphore, #tpu.memory_space<semaphore_mem>>) src(%dma_wait3A_85 : memref<128xi32, #tpu.memory_space<hbm>>) dst(%arg10 : memref<128xi32, #tpu.memory_space<vmem>>)
      %dma_start3A_86 = arith.constant 0 : i32
      %dma_start3A_87 = arith.constant 0 : i32
      %dma_start3A_88 = tpu.memref_slice %arg8[%dma_start3A_86, %dma_start3A_87] : memref<10240x64xf32, #tpu.memory_space<vmem_shared>> -> memref<10240x64xf32, #tpu.memory_space<vmem_shared>>
      tpu.enqueue_indirect_dma source(%dma_start3A_88 : memref<10240x64xf32, #tpu.memory_space<vmem_shared>>) target(%arg12 : memref<128x64xf32, #tpu.memory_space<vmem>>) offsets(%arg10 : memref<128xi32, #tpu.memory_space<vmem>>) semaphore(%arg16 : memref<!tpu.dma_semaphore, #tpu.memory_space<semaphore_mem>>)
      %dma_wait3A_89 = arith.constant 0 : i32
      %dma_wait3A_90 = tpu.memref_slice %arg3[%arg0, %add3A_69, %dma_wait3A_89] : memref<2x163840x128xf32, #tpu.memory_space<hbm>> -> memref<1x64x128xf32, #tpu.memory_space<hbm>>
      %dma_wait3A_91 = tpu.memref_squeeze %dma_wait3A_90 : memref<1x64x128xf32, #tpu.memory_space<hbm>> -> memref<64x128xf32, #tpu.memory_space<hbm>>
      %dma_wait3A_92 = arith.constant 0 : i32
      %dma_wait3A_93 = tpu.memref_slice %arg3[%arg0, %add3A_69, %dma_wait3A_92] : memref<2x163840x128xf32, #tpu.memory_space<hbm>> -> memref<1x64x128xf32, #tpu.memory_space<hbm>>
      %dma_wait3A_94 = tpu.memref_squeeze %dma_wait3A_93 : memref<1x64x128xf32, #tpu.memory_space<hbm>> -> memref<64x128xf32, #tpu.memory_space<hbm>>
      tpu.wait_dma2 semaphore(%arg15 : memref<!tpu.dma_semaphore, #tpu.memory_space<semaphore_mem>>) src(%dma_wait3A_94 : memref<64x128xf32, #tpu.memory_space<hbm>>) dst(%arg13 : memref<64x128xf32, #tpu.memory_space<vmem>>)
      %dma_wait3A_95 = arith.constant 0 : i32
      %dma_wait3A_96 = arith.constant 0 : i32
      %dma_wait3A_97 = tpu.memref_slice %arg8[%dma_wait3A_95, %dma_wait3A_96] : memref<10240x64xf32, #tpu.memory_space<vmem_shared>> -> memref<10240x64xf32, #tpu.memory_space<vmem_shared>>
      tpu.wait_indirect_dma semaphore(%arg16 : memref<!tpu.dma_semaphore, #tpu.memory_space<semaphore_mem>>) src(%dma_wait3A_97 : memref<10240x64xf32, #tpu.memory_space<vmem_shared>>) dst(%arg12 : memref<128x64xf32, #tpu.memory_space<vmem>>)
      %scan3A_98 = arith.constant 0 : i32
      %scan3A_99 = arith.constant 0 : i32
      %scan3A_100 = arith.constant 64 : i32
      %scan3A_101 = arith.addi %scan3A_99, %scan3A_100 : i32
      %scan3A_102 = arith.constant 2 : i32
      scf.for %scan3A_104 = %scan3A_99 to %scan3A_101 step %scan3A_102  : i32 {
        %mul3A_105 = arith.constant 2 : i32
        %mul3A_106 = arith.muli %mul3A_105, %scan3A_104 : i32
        %add3A_107 = arith.constant 0 : i32
        %add3A_108 = arith.addi %mul3A_106, %add3A_107 : i32
        %get3A = arith.index_cast %add3A_108 : i32 to index
        %get3A_109 = arith.constant 0 : index
        %get3A_110 = tpu.vector_load %arg12[%get3A, %get3A_109] {strides = array<i32>} : memref<128x64xf32, #tpu.memory_space<vmem>>, vector<1x16xf32>,
        %get3A_111 = vector.shape_cast %get3A_110 : vector<1x16xf32> to vector<16xf32>
        %get3A_112 = arith.index_cast %scan3A_104 : i32 to index
        %get3A_113 = arith.constant 0 : index
        %get3A_114 = tpu.vector_load %arg13[%get3A_112, %get3A_113] {strides = array<i32>} : memref<64x128xf32, #tpu.memory_space<vmem>>, vector<1x16xf32>,
        %get3A_115 = vector.shape_cast %get3A_114 : vector<1x16xf32> to vector<16xf32>
        %add3A_116 = arith.addf %get3A_111, %get3A_115 : vector<16xf32>
        %max3A = arith.constant 0.000000e+00 : f32
        %max3A_117 = vector.broadcast %max3A : f32 to vector<16xf32>
        %max3A_118 = arith.maximumf %add3A_116, %max3A_117 : vector<16xf32>
        %swap3A = arith.index_cast %add3A_108 : i32 to index
        %swap3A_119 = arith.constant 0 : index
        %swap3A_120 = tpu.vector_load %arg12[%swap3A, %swap3A_119] {strides = array<i32>} : memref<128x64xf32, #tpu.memory_space<vmem>>, vector<1x16xf32>,
        %swap3A_121 = vector.shape_cast %swap3A_120 : vector<1x16xf32> to vector<16xf32>
        %swap3A_122 = vector.shape_cast %max3A_118 : vector<16xf32> to vector<1x16xf32>
        tpu.vector_store %arg12[%swap3A, %swap3A_119], %swap3A_122 {strides = array<i32>} : memref<128x64xf32, #tpu.memory_space<vmem>>, vector<1x16xf32>,
        %mul3A_123 = arith.constant 2 : i32
        %mul3A_124 = arith.muli %mul3A_123, %scan3A_104 : i32
        %add3A_125 = arith.constant 0 : i32
        %add3A_126 = arith.addi %mul3A_124, %add3A_125 : i32
        %get3A_127 = arith.index_cast %add3A_126 : i32 to index
        %get3A_128 = arith.constant 16 : index
        %get3A_129 = tpu.vector_load %arg12[%get3A_127, %get3A_128] {strides = array<i32>} : memref<128x64xf32, #tpu.memory_space<vmem>>, vector<1x16xf32>,
        %get3A_130 = vector.shape_cast %get3A_129 : vector<1x16xf32> to vector<16xf32>
        %get3A_131 = arith.index_cast %scan3A_104 : i32 to index
        %get3A_132 = arith.constant 16 : index
        %get3A_133 = tpu.vector_load %arg13[%get3A_131, %get3A_132] {strides = array<i32>} : memref<64x128xf32, #tpu.memory_space<vmem>>, vector<1x16xf32>,
        %get3A_134 = vector.shape_cast %get3A_133 : vector<1x16xf32> to vector<16xf32>
        %add3A_135 = arith.addf %get3A_130, %get3A_134 : vector<16xf32>
        %max3A_136 = arith.constant 0.000000e+00 : f32
        %max3A_137 = vector.broadcast %max3A_136 : f32 to vector<16xf32>
        %max3A_138 = arith.maximumf %add3A_135, %max3A_137 : vector<16xf32>
        %swap3A_139 = arith.index_cast %add3A_126 : i32 to index
        %swap3A_140 = arith.constant 16 : index
        %swap3A_141 = tpu.vector_load %arg12[%swap3A_139, %swap3A_140] {strides = array<i32>} : memref<128x64xf32, #tpu.memory_space<vmem>>, vector<1x16xf32>,
        %swap3A_142 = vector.shape_cast %swap3A_141 : vector<1x16xf32> to vector<16xf32>
        %swap3A_143 = vector.shape_cast %max3A_138 : vector<16xf32> to vector<1x16xf32>
        tpu.vector_store %arg12[%swap3A_139, %swap3A_140], %swap3A_143 {strides = array<i32>} : memref<128x64xf32, #tpu.memory_space<vmem>>, vector<1x16xf32>,
        %mul3A_144 = arith.constant 2 : i32
        %mul3A_145 = arith.muli %mul3A_144, %scan3A_104 : i32
        %add3A_146 = arith.constant 0 : i32
        %add3A_147 = arith.addi %mul3A_145, %add3A_146 : i32
        %get3A_148 = arith.index_cast %add3A_147 : i32 to index
        %get3A_149 = arith.constant 32 : index
        %get3A_150 = tpu.vector_load %arg12[%get3A_148, %get3A_149] {strides = array<i32>} : memref<128x64xf32, #tpu.memory_space<vmem>>, vector<1x16xf32>,
        %get3A_151 = vector.shape_cast %get3A_150 : vector<1x16xf32> to vector<16xf32>
        %get3A_152 = arith.index_cast %scan3A_104 : i32 to index
        %get3A_153 = arith.constant 32 : index
        %get3A_154 = tpu.vector_load %arg13[%get3A_152, %get3A_153] {strides = array<i32>} : memref<64x128xf32, #tpu.memory_space<vmem>>, vector<1x16xf32>,
        %get3A_155 = vector.shape_cast %get3A_154 : vector<1x16xf32> to vector<16xf32>
        %add3A_156 = arith.addf %get3A_151, %get3A_155 : vector<16xf32>
        %max3A_157 = arith.constant 0.000000e+00 : f32
        %max3A_158 = vector.broadcast %max3A_157 : f32 to vector<16xf32>
        %max3A_159 = arith.maximumf %add3A_156, %max3A_158 : vector<16xf32>
        %swap3A_160 = arith.index_cast %add3A_147 : i32 to index
        %swap3A_161 = arith.constant 32 : index
        %swap3A_162 = tpu.vector_load %arg12[%swap3A_160, %swap3A_161] {strides = array<i32>} : memref<128x64xf32, #tpu.memory_space<vmem>>, vector<1x16xf32>,
        %swap3A_163 = vector.shape_cast %swap3A_162 : vector<1x16xf32> to vector<16xf32>
        %swap3A_164 = vector.shape_cast %max3A_159 : vector<16xf32> to vector<1x16xf32>
        tpu.vector_store %arg12[%swap3A_160, %swap3A_161], %swap3A_164 {strides = array<i32>} : memref<128x64xf32, #tpu.memory_space<vmem>>, vector<1x16xf32>,
        %mul3A_165 = arith.constant 2 : i32
        %mul3A_166 = arith.muli %mul3A_165, %scan3A_104 : i32
        %add3A_167 = arith.constant 0 : i32
        %add3A_168 = arith.addi %mul3A_166, %add3A_167 : i32
        %get3A_169 = arith.index_cast %add3A_168 : i32 to index
        %get3A_170 = arith.constant 48 : index
        %get3A_171 = tpu.vector_load %arg12[%get3A_169, %get3A_170] {strides = array<i32>} : memref<128x64xf32, #tpu.memory_space<vmem>>, vector<1x16xf32>,
        %get3A_172 = vector.shape_cast %get3A_171 : vector<1x16xf32> to vector<16xf32>
        %get3A_173 = arith.index_cast %scan3A_104 : i32 to index
        %get3A_174 = arith.constant 48 : index
        %get3A_175 = tpu.vector_load %arg13[%get3A_173, %get3A_174] {strides = array<i32>} : memref<64x128xf32, #tpu.memory_space<vmem>>, vector<1x16xf32>,
        %get3A_176 = vector.shape_cast %get3A_175 : vector<1x16xf32> to vector<16xf32>
        %add3A_177 = arith.addf %get3A_172, %get3A_176 : vector<16xf32>
        %max3A_178 = arith.constant 0.000000e+00 : f32
        %max3A_179 = vector.broadcast %max3A_178 : f32 to vector<16xf32>
        %max3A_180 = arith.maximumf %add3A_177, %max3A_179 : vector<16xf32>
        %swap3A_181 = arith.index_cast %add3A_168 : i32 to index
        %swap3A_182 = arith.constant 48 : index
        %swap3A_183 = tpu.vector_load %arg12[%swap3A_181, %swap3A_182] {strides = array<i32>} : memref<128x64xf32, #tpu.memory_space<vmem>>, vector<1x16xf32>,
        %swap3A_184 = vector.shape_cast %swap3A_183 : vector<1x16xf32> to vector<16xf32>
        %swap3A_185 = vector.shape_cast %max3A_180 : vector<16xf32> to vector<1x16xf32>
        tpu.vector_store %arg12[%swap3A_181, %swap3A_182], %swap3A_185 {strides = array<i32>} : memref<128x64xf32, #tpu.memory_space<vmem>>, vector<1x16xf32>,
        %mul3A_186 = arith.constant 2 : i32
        %mul3A_187 = arith.muli %mul3A_186, %scan3A_104 : i32
        %add3A_188 = arith.constant 1 : i32
        %add3A_189 = arith.addi %mul3A_187, %add3A_188 : i32
        %get3A_190 = arith.index_cast %add3A_189 : i32 to index
        %get3A_191 = arith.constant 0 : index
        %get3A_192 = tpu.vector_load %arg12[%get3A_190, %get3A_191] {strides = array<i32>} : memref<128x64xf32, #tpu.memory_space<vmem>>, vector<1x16xf32>,
        %get3A_193 = vector.shape_cast %get3A_192 : vector<1x16xf32> to vector<16xf32>
        %get3A_194 = arith.index_cast %scan3A_104 : i32 to index
        %get3A_195 = arith.constant 64 : index
        %get3A_196 = tpu.vector_load %arg13[%get3A_194, %get3A_195] {strides = array<i32>} : memref<64x128xf32, #tpu.memory_space<vmem>>, vector<1x16xf32>,
        %get3A_197 = vector.shape_cast %get3A_196 : vector<1x16xf32> to vector<16xf32>
        %add3A_198 = arith.addf %get3A_193, %get3A_197 : vector<16xf32>
        %max3A_199 = arith.constant 0.000000e+00 : f32
        %max3A_200 = vector.broadcast %max3A_199 : f32 to vector<16xf32>
        %max3A_201 = arith.maximumf %add3A_198, %max3A_200 : vector<16xf32>
        %swap3A_202 = arith.index_cast %add3A_189 : i32 to index
        %swap3A_203 = arith.constant 0 : index
        %swap3A_204 = tpu.vector_load %arg12[%swap3A_202, %swap3A_203] {strides = array<i32>} : memref<128x64xf32, #tpu.memory_space<vmem>>, vector<1x16xf32>,
        %swap3A_205 = vector.shape_cast %swap3A_204 : vector<1x16xf32> to vector<16xf32>
        %swap3A_206 = vector.shape_cast %max3A_201 : vector<16xf32> to vector<1x16xf32>
        tpu.vector_store %arg12[%swap3A_202, %swap3A_203], %swap3A_206 {strides = array<i32>} : memref<128x64xf32, #tpu.memory_space<vmem>>, vector<1x16xf32>,
        %mul3A_207 = arith.constant 2 : i32
        %mul3A_208 = arith.muli %mul3A_207, %scan3A_104 : i32
        %add3A_209 = arith.constant 1 : i32
        %add3A_210 = arith.addi %mul3A_208, %add3A_209 : i32
        %get3A_211 = arith.index_cast %add3A_210 : i32 to index
        %get3A_212 = arith.constant 16 : index
        %get3A_213 = tpu.vector_load %arg12[%get3A_211, %get3A_212] {strides = array<i32>} : memref<128x64xf32, #tpu.memory_space<vmem>>, vector<1x16xf32>,
        %get3A_214 = vector.shape_cast %get3A_213 : vector<1x16xf32> to vector<16xf32>
        %get3A_215 = arith.index_cast %scan3A_104 : i32 to index
        %get3A_216 = arith.constant 80 : index
        %get3A_217 = tpu.vector_load %arg13[%get3A_215, %get3A_216] {strides = array<i32>} : memref<64x128xf32, #tpu.memory_space<vmem>>, vector<1x16xf32>,
        %get3A_218 = vector.shape_cast %get3A_217 : vector<1x16xf32> to vector<16xf32>
        %add3A_219 = arith.addf %get3A_214, %get3A_218 : vector<16xf32>
        %max3A_220 = arith.constant 0.000000e+00 : f32
        %max3A_221 = vector.broadcast %max3A_220 : f32 to vector<16xf32>
        %max3A_222 = arith.maximumf %add3A_219, %max3A_221 : vector<16xf32>
        %swap3A_223 = arith.index_cast %add3A_210 : i32 to index
        %swap3A_224 = arith.constant 16 : index
        %swap3A_225 = tpu.vector_load %arg12[%swap3A_223, %swap3A_224] {strides = array<i32>} : memref<128x64xf32, #tpu.memory_space<vmem>>, vector<1x16xf32>,
        %swap3A_226 = vector.shape_cast %swap3A_225 : vector<1x16xf32> to vector<16xf32>
        %swap3A_227 = vector.shape_cast %max3A_222 : vector<16xf32> to vector<1x16xf32>
        tpu.vector_store %arg12[%swap3A_223, %swap3A_224], %swap3A_227 {strides = array<i32>} : memref<128x64xf32, #tpu.memory_space<vmem>>, vector<1x16xf32>,
        %mul3A_228 = arith.constant 2 : i32
        %mul3A_229 = arith.muli %mul3A_228, %scan3A_104 : i32
        %add3A_230 = arith.constant 1 : i32
        %add3A_231 = arith.addi %mul3A_229, %add3A_230 : i32
        %get3A_232 = arith.index_cast %add3A_231 : i32 to index
        %get3A_233 = arith.constant 32 : index
        %get3A_234 = tpu.vector_load %arg12[%get3A_232, %get3A_233] {strides = array<i32>} : memref<128x64xf32, #tpu.memory_space<vmem>>, vector<1x16xf32>,
        %get3A_235 = vector.shape_cast %get3A_234 : vector<1x16xf32> to vector<16xf32>
        %get3A_236 = arith.index_cast %scan3A_104 : i32 to index
        %get3A_237 = arith.constant 96 : index
        %get3A_238 = tpu.vector_load %arg13[%get3A_236, %get3A_237] {strides = array<i32>} : memref<64x128xf32, #tpu.memory_space<vmem>>, vector<1x16xf32>,
        %get3A_239 = vector.shape_cast %get3A_238 : vector<1x16xf32> to vector<16xf32>
        %add3A_240 = arith.addf %get3A_235, %get3A_239 : vector<16xf32>
        %max3A_241 = arith.constant 0.000000e+00 : f32
        %max3A_242 = vector.broadcast %max3A_241 : f32 to vector<16xf32>
        %max3A_243 = arith.maximumf %add3A_240, %max3A_242 : vector<16xf32>
        %swap3A_244 = arith.index_cast %add3A_231 : i32 to index
        %swap3A_245 = arith.constant 32 : index
        %swap3A_246 = tpu.vector_load %arg12[%swap3A_244, %swap3A_245] {strides = array<i32>} : memref<128x64xf32, #tpu.memory_space<vmem>>, vector<1x16xf32>,
        %swap3A_247 = vector.shape_cast %swap3A_246 : vector<1x16xf32> to vector<16xf32>
        %swap3A_248 = vector.shape_cast %max3A_243 : vector<16xf32> to vector<1x16xf32>
        tpu.vector_store %arg12[%swap3A_244, %swap3A_245], %swap3A_248 {strides = array<i32>} : memref<128x64xf32, #tpu.memory_space<vmem>>, vector<1x16xf32>,
        %mul3A_249 = arith.constant 2 : i32
        %mul3A_250 = arith.muli %mul3A_249, %scan3A_104 : i32
        %add3A_251 = arith.constant 1 : i32
        %add3A_252 = arith.addi %mul3A_250, %add3A_251 : i32
        %get3A_253 = arith.index_cast %add3A_252 : i32 to index
        %get3A_254 = arith.constant 48 : index
        %get3A_255 = tpu.vector_load %arg12[%get3A_253, %get3A_254] {strides = array<i32>} : memref<128x64xf32, #tpu.memory_space<vmem>>, vector<1x16xf32>,
        %get3A_256 = vector.shape_cast %get3A_255 : vector<1x16xf32> to vector<16xf32>
        %get3A_257 = arith.index_cast %scan3A_104 : i32 to index
        %get3A_258 = arith.constant 112 : index
        %get3A_259 = tpu.vector_load %arg13[%get3A_257, %get3A_258] {strides = array<i32>} : memref<64x128xf32, #tpu.memory_space<vmem>>, vector<1x16xf32>,
        %get3A_260 = vector.shape_cast %get3A_259 : vector<1x16xf32> to vector<16xf32>
        %add3A_261 = arith.addf %get3A_256, %get3A_260 : vector<16xf32>
        %max3A_262 = arith.constant 0.000000e+00 : f32
        %max3A_263 = vector.broadcast %max3A_262 : f32 to vector<16xf32>
        %max3A_264 = arith.maximumf %add3A_261, %max3A_263 : vector<16xf32>
        %swap3A_265 = arith.index_cast %add3A_252 : i32 to index
        %swap3A_266 = arith.constant 48 : index
        %swap3A_267 = tpu.vector_load %arg12[%swap3A_265, %swap3A_266] {strides = array<i32>} : memref<128x64xf32, #tpu.memory_space<vmem>>, vector<1x16xf32>,
        %swap3A_268 = vector.shape_cast %swap3A_267 : vector<1x16xf32> to vector<16xf32>
        %swap3A_269 = vector.shape_cast %max3A_264 : vector<16xf32> to vector<1x16xf32>
        tpu.vector_store %arg12[%swap3A_265, %swap3A_266], %swap3A_269 {strides = array<i32>} : memref<128x64xf32, #tpu.memory_space<vmem>>, vector<1x16xf32>,
        %scan3A_270 = arith.constant 1 : i32
        %scan3A_271 = arith.addi %scan3A_104, %scan3A_270 : i32
        %mul3A_272 = arith.constant 2 : i32
        %mul3A_273 = arith.muli %mul3A_272, %scan3A_271 : i32
        %add3A_274 = arith.constant 0 : i32
        %add3A_275 = arith.addi %mul3A_273, %add3A_274 : i32
        %get3A_276 = arith.index_cast %add3A_275 : i32 to index
        %get3A_277 = arith.constant 0 : index
        %get3A_278 = tpu.vector_load %arg12[%get3A_276, %get3A_277] {strides = array<i32>} : memref<128x64xf32, #tpu.memory_space<vmem>>, vector<1x16xf32>,
        %get3A_279 = vector.shape_cast %get3A_278 : vector<1x16xf32> to vector<16xf32>
        %get3A_280 = arith.index_cast %scan3A_271 : i32 to index
        %get3A_281 = arith.constant 0 : index
        %get3A_282 = tpu.vector_load %arg13[%get3A_280, %get3A_281] {strides = array<i32>} : memref<64x128xf32, #tpu.memory_space<vmem>>, vector<1x16xf32>,
        %get3A_283 = vector.shape_cast %get3A_282 : vector<1x16xf32> to vector<16xf32>
        %add3A_284 = arith.addf %get3A_279, %get3A_283 : vector<16xf32>
        %max3A_285 = arith.constant 0.000000e+00 : f32
        %max3A_286 = vector.broadcast %max3A_285 : f32 to vector<16xf32>
        %max3A_287 = arith.maximumf %add3A_284, %max3A_286 : vector<16xf32>
        %swap3A_288 = arith.index_cast %add3A_275 : i32 to index
        %swap3A_289 = arith.constant 0 : index
        %swap3A_290 = tpu.vector_load %arg12[%swap3A_288, %swap3A_289] {strides = array<i32>} : memref<128x64xf32, #tpu.memory_space<vmem>>, vector<1x16xf32>,
        %swap3A_291 = vector.shape_cast %swap3A_290 : vector<1x16xf32> to vector<16xf32>
        %swap3A_292 = vector.shape_cast %max3A_287 : vector<16xf32> to vector<1x16xf32>
        tpu.vector_store %arg12[%swap3A_288, %swap3A_289], %swap3A_292 {strides = array<i32>} : memref<128x64xf32, #tpu.memory_space<vmem>>, vector<1x16xf32>,
        %mul3A_293 = arith.constant 2 : i32
        %mul3A_294 = arith.muli %mul3A_293, %scan3A_271 : i32
        %add3A_295 = arith.constant 0 : i32
        %add3A_296 = arith.addi %mul3A_294, %add3A_295 : i32
        %get3A_297 = arith.index_cast %add3A_296 : i32 to index
        %get3A_298 = arith.constant 16 : index
        %get3A_299 = tpu.vector_load %arg12[%get3A_297, %get3A_298] {strides = array<i32>} : memref<128x64xf32, #tpu.memory_space<vmem>>, vector<1x16xf32>,
        %get3A_300 = vector.shape_cast %get3A_299 : vector<1x16xf32> to vector<16xf32>
        %get3A_301 = arith.index_cast %scan3A_271 : i32 to index
        %get3A_302 = arith.constant 16 : index
        %get3A_303 = tpu.vector_load %arg13[%get3A_301, %get3A_302] {strides = array<i32>} : memref<64x128xf32, #tpu.memory_space<vmem>>, vector<1x16xf32>,
        %get3A_304 = vector.shape_cast %get3A_303 : vector<1x16xf32> to vector<16xf32>
        %add3A_305 = arith.addf %get3A_300, %get3A_304 : vector<16xf32>
        %max3A_306 = arith.constant 0.000000e+00 : f32
        %max3A_307 = vector.broadcast %max3A_306 : f32 to vector<16xf32>
        %max3A_308 = arith.maximumf %add3A_305, %max3A_307 : vector<16xf32>
        %swap3A_309 = arith.index_cast %add3A_296 : i32 to index
        %swap3A_310 = arith.constant 16 : index
        %swap3A_311 = tpu.vector_load %arg12[%swap3A_309, %swap3A_310] {strides = array<i32>} : memref<128x64xf32, #tpu.memory_space<vmem>>, vector<1x16xf32>,
        %swap3A_312 = vector.shape_cast %swap3A_311 : vector<1x16xf32> to vector<16xf32>
        %swap3A_313 = vector.shape_cast %max3A_308 : vector<16xf32> to vector<1x16xf32>
        tpu.vector_store %arg12[%swap3A_309, %swap3A_310], %swap3A_313 {strides = array<i32>} : memref<128x64xf32, #tpu.memory_space<vmem>>, vector<1x16xf32>,
        %mul3A_314 = arith.constant 2 : i32
        %mul3A_315 = arith.muli %mul3A_314, %scan3A_271 : i32
        %add3A_316 = arith.constant 0 : i32
        %add3A_317 = arith.addi %mul3A_315, %add3A_316 : i32
        %get3A_318 = arith.index_cast %add3A_317 : i32 to index
        %get3A_319 = arith.constant 32 : index
        %get3A_320 = tpu.vector_load %arg12[%get3A_318, %get3A_319] {strides = array<i32>} : memref<128x64xf32, #tpu.memory_space<vmem>>, vector<1x16xf32>,
        %get3A_321 = vector.shape_cast %get3A_320 : vector<1x16xf32> to vector<16xf32>
        %get3A_322 = arith.index_cast %scan3A_271 : i32 to index
        %get3A_323 = arith.constant 32 : index
        %get3A_324 = tpu.vector_load %arg13[%get3A_322, %get3A_323] {strides = array<i32>} : memref<64x128xf32, #tpu.memory_space<vmem>>, vector<1x16xf32>,
        %get3A_325 = vector.shape_cast %get3A_324 : vector<1x16xf32> to vector<16xf32>
        %add3A_326 = arith.addf %get3A_321, %get3A_325 : vector<16xf32>
        %max3A_327 = arith.constant 0.000000e+00 : f32
        %max3A_328 = vector.broadcast %max3A_327 : f32 to vector<16xf32>
        %max3A_329 = arith.maximumf %add3A_326, %max3A_328 : vector<16xf32>
        %swap3A_330 = arith.index_cast %add3A_317 : i32 to index
        %swap3A_331 = arith.constant 32 : index
        %swap3A_332 = tpu.vector_load %arg12[%swap3A_330, %swap3A_331] {strides = array<i32>} : memref<128x64xf32, #tpu.memory_space<vmem>>, vector<1x16xf32>,
        %swap3A_333 = vector.shape_cast %swap3A_332 : vector<1x16xf32> to vector<16xf32>
        %swap3A_334 = vector.shape_cast %max3A_329 : vector<16xf32> to vector<1x16xf32>
        tpu.vector_store %arg12[%swap3A_330, %swap3A_331], %swap3A_334 {strides = array<i32>} : memref<128x64xf32, #tpu.memory_space<vmem>>, vector<1x16xf32>,
        %mul3A_335 = arith.constant 2 : i32
        %mul3A_336 = arith.muli %mul3A_335, %scan3A_271 : i32
        %add3A_337 = arith.constant 0 : i32
        %add3A_338 = arith.addi %mul3A_336, %add3A_337 : i32
        %get3A_339 = arith.index_cast %add3A_338 : i32 to index
        %get3A_340 = arith.constant 48 : index
        %get3A_341 = tpu.vector_load %arg12[%get3A_339, %get3A_340] {strides = array<i32>} : memref<128x64xf32, #tpu.memory_space<vmem>>, vector<1x16xf32>,
        %get3A_342 = vector.shape_cast %get3A_341 : vector<1x16xf32> to vector<16xf32>
        %get3A_343 = arith.index_cast %scan3A_271 : i32 to index
        %get3A_344 = arith.constant 48 : index
        %get3A_345 = tpu.vector_load %arg13[%get3A_343, %get3A_344] {strides = array<i32>} : memref<64x128xf32, #tpu.memory_space<vmem>>, vector<1x16xf32>,
        %get3A_346 = vector.shape_cast %get3A_345 : vector<1x16xf32> to vector<16xf32>
        %add3A_347 = arith.addf %get3A_342, %get3A_346 : vector<16xf32>
        %max3A_348 = arith.constant 0.000000e+00 : f32
        %max3A_349 = vector.broadcast %max3A_348 : f32 to vector<16xf32>
        %max3A_350 = arith.maximumf %add3A_347, %max3A_349 : vector<16xf32>
        %swap3A_351 = arith.index_cast %add3A_338 : i32 to index
        %swap3A_352 = arith.constant 48 : index
        %swap3A_353 = tpu.vector_load %arg12[%swap3A_351, %swap3A_352] {strides = array<i32>} : memref<128x64xf32, #tpu.memory_space<vmem>>, vector<1x16xf32>,
        %swap3A_354 = vector.shape_cast %swap3A_353 : vector<1x16xf32> to vector<16xf32>
        %swap3A_355 = vector.shape_cast %max3A_350 : vector<16xf32> to vector<1x16xf32>
        tpu.vector_store %arg12[%swap3A_351, %swap3A_352], %swap3A_355 {strides = array<i32>} : memref<128x64xf32, #tpu.memory_space<vmem>>, vector<1x16xf32>,
        %mul3A_356 = arith.constant 2 : i32
        %mul3A_357 = arith.muli %mul3A_356, %scan3A_271 : i32
        %add3A_358 = arith.constant 1 : i32
        %add3A_359 = arith.addi %mul3A_357, %add3A_358 : i32
        %get3A_360 = arith.index_cast %add3A_359 : i32 to index
        %get3A_361 = arith.constant 0 : index
        %get3A_362 = tpu.vector_load %arg12[%get3A_360, %get3A_361] {strides = array<i32>} : memref<128x64xf32, #tpu.memory_space<vmem>>, vector<1x16xf32>,
        %get3A_363 = vector.shape_cast %get3A_362 : vector<1x16xf32> to vector<16xf32>
        %get3A_364 = arith.index_cast %scan3A_271 : i32 to index
        %get3A_365 = arith.constant 64 : index
        %get3A_366 = tpu.vector_load %arg13[%get3A_364, %get3A_365] {strides = array<i32>} : memref<64x128xf32, #tpu.memory_space<vmem>>, vector<1x16xf32>,
        %get3A_367 = vector.shape_cast %get3A_366 : vector<1x16xf32> to vector<16xf32>
        %add3A_368 = arith.addf %get3A_363, %get3A_367 : vector<16xf32>
        %max3A_369 = arith.constant 0.000000e+00 : f32
        %max3A_370 = vector.broadcast %max3A_369 : f32 to vector<16xf32>
        %max3A_371 = arith.maximumf %add3A_368, %max3A_370 : vector<16xf32>
        %swap3A_372 = arith.index_cast %add3A_359 : i32 to index
        %swap3A_373 = arith.constant 0 : index
        %swap3A_374 = tpu.vector_load %arg12[%swap3A_372, %swap3A_373] {strides = array<i32>} : memref<128x64xf32, #tpu.memory_space<vmem>>, vector<1x16xf32>,
        %swap3A_375 = vector.shape_cast %swap3A_374 : vector<1x16xf32> to vector<16xf32>
        %swap3A_376 = vector.shape_cast %max3A_371 : vector<16xf32> to vector<1x16xf32>
        tpu.vector_store %arg12[%swap3A_372, %swap3A_373], %swap3A_376 {strides = array<i32>} : memref<128x64xf32, #tpu.memory_space<vmem>>, vector<1x16xf32>,
        %mul3A_377 = arith.constant 2 : i32
        %mul3A_378 = arith.muli %mul3A_377, %scan3A_271 : i32
        %add3A_379 = arith.constant 1 : i32
        %add3A_380 = arith.addi %mul3A_378, %add3A_379 : i32
        %get3A_381 = arith.index_cast %add3A_380 : i32 to index
        %get3A_382 = arith.constant 16 : index
        %get3A_383 = tpu.vector_load %arg12[%get3A_381, %get3A_382] {strides = array<i32>} : memref<128x64xf32, #tpu.memory_space<vmem>>, vector<1x16xf32>,
        %get3A_384 = vector.shape_cast %get3A_383 : vector<1x16xf32> to vector<16xf32>
        %get3A_385 = arith.index_cast %scan3A_271 : i32 to index
        %get3A_386 = arith.constant 80 : index
        %get3A_387 = tpu.vector_load %arg13[%get3A_385, %get3A_386] {strides = array<i32>} : memref<64x128xf32, #tpu.memory_space<vmem>>, vector<1x16xf32>,
        %get3A_388 = vector.shape_cast %get3A_387 : vector<1x16xf32> to vector<16xf32>
        %add3A_389 = arith.addf %get3A_384, %get3A_388 : vector<16xf32>
        %max3A_390 = arith.constant 0.000000e+00 : f32
        %max3A_391 = vector.broadcast %max3A_390 : f32 to vector<16xf32>
        %max3A_392 = arith.maximumf %add3A_389, %max3A_391 : vector<16xf32>
        %swap3A_393 = arith.index_cast %add3A_380 : i32 to index
        %swap3A_394 = arith.constant 16 : index
        %swap3A_395 = tpu.vector_load %arg12[%swap3A_393, %swap3A_394] {strides = array<i32>} : memref<128x64xf32, #tpu.memory_space<vmem>>, vector<1x16xf32>,
        %swap3A_396 = vector.shape_cast %swap3A_395 : vector<1x16xf32> to vector<16xf32>
        %swap3A_397 = vector.shape_cast %max3A_392 : vector<16xf32> to vector<1x16xf32>
        tpu.vector_store %arg12[%swap3A_393, %swap3A_394], %swap3A_397 {strides = array<i32>} : memref<128x64xf32, #tpu.memory_space<vmem>>, vector<1x16xf32>,
        %mul3A_398 = arith.constant 2 : i32
        %mul3A_399 = arith.muli %mul3A_398, %scan3A_271 : i32
        %add3A_400 = arith.constant 1 : i32
        %add3A_401 = arith.addi %mul3A_399, %add3A_400 : i32
        %get3A_402 = arith.index_cast %add3A_401 : i32 to index
        %get3A_403 = arith.constant 32 : index
        %get3A_404 = tpu.vector_load %arg12[%get3A_402, %get3A_403] {strides = array<i32>} : memref<128x64xf32, #tpu.memory_space<vmem>>, vector<1x16xf32>,
        %get3A_405 = vector.shape_cast %get3A_404 : vector<1x16xf32> to vector<16xf32>
        %get3A_406 = arith.index_cast %scan3A_271 : i32 to index
        %get3A_407 = arith.constant 96 : index
        %get3A_408 = tpu.vector_load %arg13[%get3A_406, %get3A_407] {strides = array<i32>} : memref<64x128xf32, #tpu.memory_space<vmem>>, vector<1x16xf32>,
        %get3A_409 = vector.shape_cast %get3A_408 : vector<1x16xf32> to vector<16xf32>
        %add3A_410 = arith.addf %get3A_405, %get3A_409 : vector<16xf32>
        %max3A_411 = arith.constant 0.000000e+00 : f32
        %max3A_412 = vector.broadcast %max3A_411 : f32 to vector<16xf32>
        %max3A_413 = arith.maximumf %add3A_410, %max3A_412 : vector<16xf32>
        %swap3A_414 = arith.index_cast %add3A_401 : i32 to index
        %swap3A_415 = arith.constant 32 : index
        %swap3A_416 = tpu.vector_load %arg12[%swap3A_414, %swap3A_415] {strides = array<i32>} : memref<128x64xf32, #tpu.memory_space<vmem>>, vector<1x16xf32>,
        %swap3A_417 = vector.shape_cast %swap3A_416 : vector<1x16xf32> to vector<16xf32>
        %swap3A_418 = vector.shape_cast %max3A_413 : vector<16xf32> to vector<1x16xf32>
        tpu.vector_store %arg12[%swap3A_414, %swap3A_415], %swap3A_418 {strides = array<i32>} : memref<128x64xf32, #tpu.memory_space<vmem>>, vector<1x16xf32>,
        %mul3A_419 = arith.constant 2 : i32
        %mul3A_420 = arith.muli %mul3A_419, %scan3A_271 : i32
        %add3A_421 = arith.constant 1 : i32
        %add3A_422 = arith.addi %mul3A_420, %add3A_421 : i32
        %get3A_423 = arith.index_cast %add3A_422 : i32 to index
        %get3A_424 = arith.constant 48 : index
        %get3A_425 = tpu.vector_load %arg12[%get3A_423, %get3A_424] {strides = array<i32>} : memref<128x64xf32, #tpu.memory_space<vmem>>, vector<1x16xf32>,
        %get3A_426 = vector.shape_cast %get3A_425 : vector<1x16xf32> to vector<16xf32>
        %get3A_427 = arith.index_cast %scan3A_271 : i32 to index
        %get3A_428 = arith.constant 112 : index
        %get3A_429 = tpu.vector_load %arg13[%get3A_427, %get3A_428] {strides = array<i32>} : memref<64x128xf32, #tpu.memory_space<vmem>>, vector<1x16xf32>,
        %get3A_430 = vector.shape_cast %get3A_429 : vector<1x16xf32> to vector<16xf32>
        %add3A_431 = arith.addf %get3A_426, %get3A_430 : vector<16xf32>
        %max3A_432 = arith.constant 0.000000e+00 : f32
        %max3A_433 = vector.broadcast %max3A_432 : f32 to vector<16xf32>
        %max3A_434 = arith.maximumf %add3A_431, %max3A_433 : vector<16xf32>
        %swap3A_435 = arith.index_cast %add3A_422 : i32 to index
        %swap3A_436 = arith.constant 48 : index
        %swap3A_437 = tpu.vector_load %arg12[%swap3A_435, %swap3A_436] {strides = array<i32>} : memref<128x64xf32, #tpu.memory_space<vmem>>, vector<1x16xf32>,
        %swap3A_438 = vector.shape_cast %swap3A_437 : vector<1x16xf32> to vector<16xf32>
        %swap3A_439 = vector.shape_cast %max3A_434 : vector<16xf32> to vector<1x16xf32>
        tpu.vector_store %arg12[%swap3A_435, %swap3A_436], %swap3A_439 {strides = array<i32>} : memref<128x64xf32, #tpu.memory_space<vmem>>, vector<1x16xf32>,
      }
      %scan3A_103 = arith.constant 64 : i32
      "tpu.region"() ({
        %run_scoped3A = tpu.sem_alloc : memref<!tpu.dma_semaphore, #tpu.memory_space<semaphore_mem>>
        %dma_start3A_104 = arith.constant 0 : i32
        %dma_start3A_105 = arith.constant 0 : i32
        %dma_start3A_106 = tpu.memref_slice %arg9[%dma_start3A_104, %dma_start3A_105] : memref<10240x64xf32, #tpu.memory_space<vmem_shared>> -> memref<10240x64xf32, #tpu.memory_space<vmem_shared>>
        tpu.enqueue_indirect_dma source(%arg12 : memref<128x64xf32, #tpu.memory_space<vmem>>) target(%dma_start3A_106 : memref<10240x64xf32, #tpu.memory_space<vmem_shared>>) offsets(%arg11 : memref<128xi32, #tpu.memory_space<vmem>>) semaphore(%run_scoped3A : memref<!tpu.dma_semaphore, #tpu.memory_space<semaphore_mem>>) {add = true}
        %dma_wait3A_107 = arith.constant 0 : i32
        %dma_wait3A_108 = arith.constant 0 : i32
        %dma_wait3A_109 = tpu.memref_slice %arg9[%dma_wait3A_107, %dma_wait3A_108] : memref<10240x64xf32, #tpu.memory_space<vmem_shared>> -> memref<10240x64xf32, #tpu.memory_space<vmem_shared>>
        tpu.wait_indirect_dma semaphore(%run_scoped3A : memref<!tpu.dma_semaphore, #tpu.memory_space<semaphore_mem>>) src(%arg12 : memref<128x64xf32, #tpu.memory_space<vmem>>) dst(%dma_wait3A_109 : memref<10240x64xf32, #tpu.memory_space<vmem_shared>>)
        tpu.yield
      }) : () -> ()
    }
    %scan3A_42 = arith.constant 160 : i32
    %barrier3A_43 = arith.constant 0 : index
    tpu.barrier barrier_id(%barrier3A_43)
    %mul3A_44 = arith.constant 640 : i32
    %mul3A_45 = arith.muli %arg1, %mul3A_44 : i32
    %add3A_46 = arith.constant 0 : i32
    %add3A_47 = arith.addi %mul3A_45, %add3A_46 : i32
    "tpu.region"() ({
      %run_scoped3A = tpu.sem_alloc : memref<!tpu.dma_semaphore, #tpu.memory_space<semaphore_mem>>
      %dma_start3A = arith.constant 0 : i32
      %dma_start3A_64 = tpu.memref_slice %arg9[%add3A_47, %dma_start3A] : memref<10240x64xf32, #tpu.memory_space<vmem_shared>> -> memref<128x64xf32, #tpu.memory_space<vmem_shared>>
      %dma_start3A_65 = arith.constant 0 : i32
      %dma_start3A_66 = tpu.memref_slice %arg9[%add3A_47, %dma_start3A_65] : memref<10240x64xf32, #tpu.memory_space<vmem_shared>> -> memref<128x64xf32, #tpu.memory_space<vmem_shared>>
      tpu.enqueue_dma source(%dma_start3A_66 : memref<128x64xf32, #tpu.memory_space<vmem_shared>>) target(%arg14 : memref<128x64xf32, #tpu.memory_space<vmem>>) target_semaphore(%run_scoped3A : memref<!tpu.dma_semaphore, #tpu.memory_space<semaphore_mem>>)
      %dma_wait3A = arith.constant 0 : i32
      %dma_wait3A_67 = tpu.memref_slice %arg9[%add3A_47, %dma_wait3A] : memref<10240x64xf32, #tpu.memory_space<vmem_shared>> -> memref<128x64xf32, #tpu.memory_space<vmem_shared>>
      %dma_wait3A_68 = arith.constant 0 : i32
      %dma_wait3A_69 = tpu.memref_slice %arg9[%add3A_47, %dma_wait3A_68] : memref<10240x64xf32, #tpu.memory_space<vmem_shared>> -> memref<128x64xf32, #tpu.memory_space<vmem_shared>>
      tpu.wait_dma2 semaphore(%run_scoped3A : memref<!tpu.dma_semaphore, #tpu.memory_space<semaphore_mem>>) src(%dma_wait3A_69 : memref<128x64xf32, #tpu.memory_space<vmem_shared>>) dst(%arg14 : memref<128x64xf32, #tpu.memory_space<vmem>>)
      tpu.yield
    }) : () -> ()
    "tpu.region"() ({
      %run_scoped3A = tpu.sem_alloc : memref<!tpu.dma_semaphore, #tpu.memory_space<semaphore_mem>>
      %dma_start3A = arith.constant 0 : i32
      %dma_start3A_64 = tpu.memref_slice %arg7[%arg0, %add3A_47, %dma_start3A] : memref<2x10240x64xf32, #tpu.memory_space<hbm>> -> memref<1x128x64xf32, #tpu.memory_space<hbm>>
      %dma_start3A_65 = tpu.memref_squeeze %dma_start3A_64 : memref<1x128x64xf32, #tpu.memory_space<hbm>> -> memref<128x64xf32, #tpu.memory_space<hbm>>
      %dma_start3A_66 = arith.constant 0 : i32
      %dma_start3A_67 = tpu.memref_slice %arg7[%arg0, %add3A_47, %dma_start3A_66] : memref<2x10240x64xf32, #tpu.memory_space<hbm>> -> memref<1x128x64xf32, #tpu.memory_space<hbm>>
      %dma_start3A_68 = tpu.memref_squeeze %dma_start3A_67 : memref<1x128x64xf32, #tpu.memory_space<hbm>> -> memref<128x64xf32, #tpu.memory_space<hbm>>
      tpu.enqueue_dma source(%arg14 : memref<128x64xf32, #tpu.memory_space<vmem>>) target(%dma_start3A_68 : memref<128x64xf32, #tpu.memory_space<hbm>>) target_semaphore(%run_scoped3A : memref<!tpu.dma_semaphore, #tpu.memory_space<semaphore_mem>>)
      %dma_wait3A = arith.constant 0 : i32
      %dma_wait3A_69 = tpu.memref_slice %arg7[%arg0, %add3A_47, %dma_wait3A] : memref<2x10240x64xf32, #tpu.memory_space<hbm>> -> memref<1x128x64xf32, #tpu.memory_space<hbm>>
      %dma_wait3A_70 = tpu.memref_squeeze %dma_wait3A_69 : memref<1x128x64xf32, #tpu.memory_space<hbm>> -> memref<128x64xf32, #tpu.memory_space<hbm>>
      %dma_wait3A_71 = arith.constant 0 : i32
      %dma_wait3A_72 = tpu.memref_slice %arg7[%arg0, %add3A_47, %dma_wait3A_71] : memref<2x10240x64xf32, #tpu.memory_space<hbm>> -> memref<1x128x64xf32, #tpu.memory_space<hbm>>
      %dma_wait3A_73 = tpu.memref_squeeze %dma_wait3A_72 : memref<1x128x64xf32, #tpu.memory_space<hbm>> -> memref<128x64xf32, #tpu.memory_space<hbm>>
      tpu.wait_dma2 semaphore(%run_scoped3A : memref<!tpu.dma_semaphore, #tpu.memory_space<semaphore_mem>>) src(%arg14 : memref<128x64xf32, #tpu.memory_space<vmem>>) dst(%dma_wait3A_73 : memref<128x64xf32, #tpu.memory_space<hbm>>)
      tpu.yield
    }) : () -> ()
    %mul3A_48 = arith.constant 640 : i32
    %mul3A_49 = arith.muli %arg1, %mul3A_48 : i32
    %add3A_50 = arith.constant 128 : i32
    %add3A_51 = arith.addi %mul3A_49, %add3A_50 : i32
    "tpu.region"() ({
      %run_scoped3A = tpu.sem_alloc : memref<!tpu.dma_semaphore, #tpu.memory_space<semaphore_mem>>
      %dma_start3A = arith.constant 0 : i32
      %dma_start3A_64 = tpu.memref_slice %arg9[%add3A_51, %dma_start3A] : memref<10240x64xf32, #tpu.memory_space<vmem_shared>> -> memref<128x64xf32, #tpu.memory_space<vmem_shared>>
      %dma_start3A_65 = arith.constant 0 : i32
      %dma_start3A_66 = tpu.memref_slice %arg9[%add3A_51, %dma_start3A_65] : memref<10240x64xf32, #tpu.memory_space<vmem_shared>> -> memref<128x64xf32, #tpu.memory_space<vmem_shared>>
      tpu.enqueue_dma source(%dma_start3A_66 : memref<128x64xf32, #tpu.memory_space<vmem_shared>>) target(%arg14 : memref<128x64xf32, #tpu.memory_space<vmem>>) target_semaphore(%run_scoped3A : memref<!tpu.dma_semaphore, #tpu.memory_space<semaphore_mem>>)
      %dma_wait3A = arith.constant 0 : i32
      %dma_wait3A_67 = tpu.memref_slice %arg9[%add3A_51, %dma_wait3A] : memref<10240x64xf32, #tpu.memory_space<vmem_shared>> -> memref<128x64xf32, #tpu.memory_space<vmem_shared>>
      %dma_wait3A_68 = arith.constant 0 : i32
      %dma_wait3A_69 = tpu.memref_slice %arg9[%add3A_51, %dma_wait3A_68] : memref<10240x64xf32, #tpu.memory_space<vmem_shared>> -> memref<128x64xf32, #tpu.memory_space<vmem_shared>>
      tpu.wait_dma2 semaphore(%run_scoped3A : memref<!tpu.dma_semaphore, #tpu.memory_space<semaphore_mem>>) src(%dma_wait3A_69 : memref<128x64xf32, #tpu.memory_space<vmem_shared>>) dst(%arg14 : memref<128x64xf32, #tpu.memory_space<vmem>>)
      tpu.yield
    }) : () -> ()
    "tpu.region"() ({
      %run_scoped3A = tpu.sem_alloc : memref<!tpu.dma_semaphore, #tpu.memory_space<semaphore_mem>>
      %dma_start3A = arith.constant 0 : i32
      %dma_start3A_64 = tpu.memref_slice %arg7[%arg0, %add3A_51, %dma_start3A] : memref<2x10240x64xf32, #tpu.memory_space<hbm>> -> memref<1x128x64xf32, #tpu.memory_space<hbm>>
      %dma_start3A_65 = tpu.memref_squeeze %dma_start3A_64 : memref<1x128x64xf32, #tpu.memory_space<hbm>> -> memref<128x64xf32, #tpu.memory_space<hbm>>
      %dma_start3A_66 = arith.constant 0 : i32
      %dma_start3A_67 = tpu.memref_slice %arg7[%arg0, %add3A_51, %dma_start3A_66] : memref<2x10240x64xf32, #tpu.memory_space<hbm>> -> memref<1x128x64xf32, #tpu.memory_space<hbm>>
      %dma_start3A_68 = tpu.memref_squeeze %dma_start3A_67 : memref<1x128x64xf32, #tpu.memory_space<hbm>> -> memref<128x64xf32, #tpu.memory_space<hbm>>
      tpu.enqueue_dma source(%arg14 : memref<128x64xf32, #tpu.memory_space<vmem>>) target(%dma_start3A_68 : memref<128x64xf32, #tpu.memory_space<hbm>>) target_semaphore(%run_scoped3A : memref<!tpu.dma_semaphore, #tpu.memory_space<semaphore_mem>>)
      %dma_wait3A = arith.constant 0 : i32
      %dma_wait3A_69 = tpu.memref_slice %arg7[%arg0, %add3A_51, %dma_wait3A] : memref<2x10240x64xf32, #tpu.memory_space<hbm>> -> memref<1x128x64xf32, #tpu.memory_space<hbm>>
      %dma_wait3A_70 = tpu.memref_squeeze %dma_wait3A_69 : memref<1x128x64xf32, #tpu.memory_space<hbm>> -> memref<128x64xf32, #tpu.memory_space<hbm>>
      %dma_wait3A_71 = arith.constant 0 : i32
      %dma_wait3A_72 = tpu.memref_slice %arg7[%arg0, %add3A_51, %dma_wait3A_71] : memref<2x10240x64xf32, #tpu.memory_space<hbm>> -> memref<1x128x64xf32, #tpu.memory_space<hbm>>
      %dma_wait3A_73 = tpu.memref_squeeze %dma_wait3A_72 : memref<1x128x64xf32, #tpu.memory_space<hbm>> -> memref<128x64xf32, #tpu.memory_space<hbm>>
      tpu.wait_dma2 semaphore(%run_scoped3A : memref<!tpu.dma_semaphore, #tpu.memory_space<semaphore_mem>>) src(%arg14 : memref<128x64xf32, #tpu.memory_space<vmem>>) dst(%dma_wait3A_73 : memref<128x64xf32, #tpu.memory_space<hbm>>)
      tpu.yield
    }) : () -> ()
    %mul3A_52 = arith.constant 640 : i32
    %mul3A_53 = arith.muli %arg1, %mul3A_52 : i32
    %add3A_54 = arith.constant 256 : i32
    %add3A_55 = arith.addi %mul3A_53, %add3A_54 : i32
    "tpu.region"() ({
      %run_scoped3A = tpu.sem_alloc : memref<!tpu.dma_semaphore, #tpu.memory_space<semaphore_mem>>
      %dma_start3A = arith.constant 0 : i32
      %dma_start3A_64 = tpu.memref_slice %arg9[%add3A_55, %dma_start3A] : memref<10240x64xf32, #tpu.memory_space<vmem_shared>> -> memref<128x64xf32, #tpu.memory_space<vmem_shared>>
      %dma_start3A_65 = arith.constant 0 : i32
      %dma_start3A_66 = tpu.memref_slice %arg9[%add3A_55, %dma_start3A_65] : memref<10240x64xf32, #tpu.memory_space<vmem_shared>> -> memref<128x64xf32, #tpu.memory_space<vmem_shared>>
      tpu.enqueue_dma source(%dma_start3A_66 : memref<128x64xf32, #tpu.memory_space<vmem_shared>>) target(%arg14 : memref<128x64xf32, #tpu.memory_space<vmem>>) target_semaphore(%run_scoped3A : memref<!tpu.dma_semaphore, #tpu.memory_space<semaphore_mem>>)
      %dma_wait3A = arith.constant 0 : i32
      %dma_wait3A_67 = tpu.memref_slice %arg9[%add3A_55, %dma_wait3A] : memref<10240x64xf32, #tpu.memory_space<vmem_shared>> -> memref<128x64xf32, #tpu.memory_space<vmem_shared>>
      %dma_wait3A_68 = arith.constant 0 : i32
      %dma_wait3A_69 = tpu.memref_slice %arg9[%add3A_55, %dma_wait3A_68] : memref<10240x64xf32, #tpu.memory_space<vmem_shared>> -> memref<128x64xf32, #tpu.memory_space<vmem_shared>>
      tpu.wait_dma2 semaphore(%run_scoped3A : memref<!tpu.dma_semaphore, #tpu.memory_space<semaphore_mem>>) src(%dma_wait3A_69 : memref<128x64xf32, #tpu.memory_space<vmem_shared>>) dst(%arg14 : memref<128x64xf32, #tpu.memory_space<vmem>>)
      tpu.yield
    }) : () -> ()
    "tpu.region"() ({
      %run_scoped3A = tpu.sem_alloc : memref<!tpu.dma_semaphore, #tpu.memory_space<semaphore_mem>>
      %dma_start3A = arith.constant 0 : i32
      %dma_start3A_64 = tpu.memref_slice %arg7[%arg0, %add3A_55, %dma_start3A] : memref<2x10240x64xf32, #tpu.memory_space<hbm>> -> memref<1x128x64xf32, #tpu.memory_space<hbm>>
      %dma_start3A_65 = tpu.memref_squeeze %dma_start3A_64 : memref<1x128x64xf32, #tpu.memory_space<hbm>> -> memref<128x64xf32, #tpu.memory_space<hbm>>
      %dma_start3A_66 = arith.constant 0 : i32
      %dma_start3A_67 = tpu.memref_slice %arg7[%arg0, %add3A_55, %dma_start3A_66] : memref<2x10240x64xf32, #tpu.memory_space<hbm>> -> memref<1x128x64xf32, #tpu.memory_space<hbm>>
      %dma_start3A_68 = tpu.memref_squeeze %dma_start3A_67 : memref<1x128x64xf32, #tpu.memory_space<hbm>> -> memref<128x64xf32, #tpu.memory_space<hbm>>
      tpu.enqueue_dma source(%arg14 : memref<128x64xf32, #tpu.memory_space<vmem>>) target(%dma_start3A_68 : memref<128x64xf32, #tpu.memory_space<hbm>>) target_semaphore(%run_scoped3A : memref<!tpu.dma_semaphore, #tpu.memory_space<semaphore_mem>>)
      %dma_wait3A = arith.constant 0 : i32
      %dma_wait3A_69 = tpu.memref_slice %arg7[%arg0, %add3A_55, %dma_wait3A] : memref<2x10240x64xf32, #tpu.memory_space<hbm>> -> memref<1x128x64xf32, #tpu.memory_space<hbm>>
      %dma_wait3A_70 = tpu.memref_squeeze %dma_wait3A_69 : memref<1x128x64xf32, #tpu.memory_space<hbm>> -> memref<128x64xf32, #tpu.memory_space<hbm>>
      %dma_wait3A_71 = arith.constant 0 : i32
      %dma_wait3A_72 = tpu.memref_slice %arg7[%arg0, %add3A_55, %dma_wait3A_71] : memref<2x10240x64xf32, #tpu.memory_space<hbm>> -> memref<1x128x64xf32, #tpu.memory_space<hbm>>
      %dma_wait3A_73 = tpu.memref_squeeze %dma_wait3A_72 : memref<1x128x64xf32, #tpu.memory_space<hbm>> -> memref<128x64xf32, #tpu.memory_space<hbm>>
      tpu.wait_dma2 semaphore(%run_scoped3A : memref<!tpu.dma_semaphore, #tpu.memory_space<semaphore_mem>>) src(%arg14 : memref<128x64xf32, #tpu.memory_space<vmem>>) dst(%dma_wait3A_73 : memref<128x64xf32, #tpu.memory_space<hbm>>)
      tpu.yield
    }) : () -> ()
    %mul3A_56 = arith.constant 640 : i32
    %mul3A_57 = arith.muli %arg1, %mul3A_56 : i32
    %add3A_58 = arith.constant 384 : i32
    %add3A_59 = arith.addi %mul3A_57, %add3A_58 : i32
    "tpu.region"() ({
      %run_scoped3A = tpu.sem_alloc : memref<!tpu.dma_semaphore, #tpu.memory_space<semaphore_mem>>
      %dma_start3A = arith.constant 0 : i32
      %dma_start3A_64 = tpu.memref_slice %arg9[%add3A_59, %dma_start3A] : memref<10240x64xf32, #tpu.memory_space<vmem_shared>> -> memref<128x64xf32, #tpu.memory_space<vmem_shared>>
      %dma_start3A_65 = arith.constant 0 : i32
      %dma_start3A_66 = tpu.memref_slice %arg9[%add3A_59, %dma_start3A_65] : memref<10240x64xf32, #tpu.memory_space<vmem_shared>> -> memref<128x64xf32, #tpu.memory_space<vmem_shared>>
      tpu.enqueue_dma source(%dma_start3A_66 : memref<128x64xf32, #tpu.memory_space<vmem_shared>>) target(%arg14 : memref<128x64xf32, #tpu.memory_space<vmem>>) target_semaphore(%run_scoped3A : memref<!tpu.dma_semaphore, #tpu.memory_space<semaphore_mem>>)
      %dma_wait3A = arith.constant 0 : i32
      %dma_wait3A_67 = tpu.memref_slice %arg9[%add3A_59, %dma_wait3A] : memref<10240x64xf32, #tpu.memory_space<vmem_shared>> -> memref<128x64xf32, #tpu.memory_space<vmem_shared>>
      %dma_wait3A_68 = arith.constant 0 : i32
      %dma_wait3A_69 = tpu.memref_slice %arg9[%add3A_59, %dma_wait3A_68] : memref<10240x64xf32, #tpu.memory_space<vmem_shared>> -> memref<128x64xf32, #tpu.memory_space<vmem_shared>>
      tpu.wait_dma2 semaphore(%run_scoped3A : memref<!tpu.dma_semaphore, #tpu.memory_space<semaphore_mem>>) src(%dma_wait3A_69 : memref<128x64xf32, #tpu.memory_space<vmem_shared>>) dst(%arg14 : memref<128x64xf32, #tpu.memory_space<vmem>>)
      tpu.yield
    }) : () -> ()
    "tpu.region"() ({
      %run_scoped3A = tpu.sem_alloc : memref<!tpu.dma_semaphore, #tpu.memory_space<semaphore_mem>>
      %dma_start3A = arith.constant 0 : i32
      %dma_start3A_64 = tpu.memref_slice %arg7[%arg0, %add3A_59, %dma_start3A] : memref<2x10240x64xf32, #tpu.memory_space<hbm>> -> memref<1x128x64xf32, #tpu.memory_space<hbm>>
      %dma_start3A_65 = tpu.memref_squeeze %dma_start3A_64 : memref<1x128x64xf32, #tpu.memory_space<hbm>> -> memref<128x64xf32, #tpu.memory_space<hbm>>
      %dma_start3A_66 = arith.constant 0 : i32
      %dma_start3A_67 = tpu.memref_slice %arg7[%arg0, %add3A_59, %dma_start3A_66] : memref<2x10240x64xf32, #tpu.memory_space<hbm>> -> memref<1x128x64xf32, #tpu.memory_space<hbm>>
      %dma_start3A_68 = tpu.memref_squeeze %dma_start3A_67 : memref<1x128x64xf32, #tpu.memory_space<hbm>> -> memref<128x64xf32, #tpu.memory_space<hbm>>
      tpu.enqueue_dma source(%arg14 : memref<128x64xf32, #tpu.memory_space<vmem>>) target(%dma_start3A_68 : memref<128x64xf32, #tpu.memory_space<hbm>>) target_semaphore(%run_scoped3A : memref<!tpu.dma_semaphore, #tpu.memory_space<semaphore_mem>>)
      %dma_wait3A = arith.constant 0 : i32
      %dma_wait3A_69 = tpu.memref_slice %arg7[%arg0, %add3A_59, %dma_wait3A] : memref<2x10240x64xf32, #tpu.memory_space<hbm>> -> memref<1x128x64xf32, #tpu.memory_space<hbm>>
      %dma_wait3A_70 = tpu.memref_squeeze %dma_wait3A_69 : memref<1x128x64xf32, #tpu.memory_space<hbm>> -> memref<128x64xf32, #tpu.memory_space<hbm>>
      %dma_wait3A_71 = arith.constant 0 : i32
      %dma_wait3A_72 = tpu.memref_slice %arg7[%arg0, %add3A_59, %dma_wait3A_71] : memref<2x10240x64xf32, #tpu.memory_space<hbm>> -> memref<1x128x64xf32, #tpu.memory_space<hbm>>
      %dma_wait3A_73 = tpu.memref_squeeze %dma_wait3A_72 : memref<1x128x64xf32, #tpu.memory_space<hbm>> -> memref<128x64xf32, #tpu.memory_space<hbm>>
      tpu.wait_dma2 semaphore(%run_scoped3A : memref<!tpu.dma_semaphore, #tpu.memory_space<semaphore_mem>>) src(%arg14 : memref<128x64xf32, #tpu.memory_space<vmem>>) dst(%dma_wait3A_73 : memref<128x64xf32, #tpu.memory_space<hbm>>)
      tpu.yield
    }) : () -> ()
    %mul3A_60 = arith.constant 640 : i32
    %mul3A_61 = arith.muli %arg1, %mul3A_60 : i32
    %add3A_62 = arith.constant 512 : i32
    %add3A_63 = arith.addi %mul3A_61, %add3A_62 : i32
    "tpu.region"() ({
      %run_scoped3A = tpu.sem_alloc : memref<!tpu.dma_semaphore, #tpu.memory_space<semaphore_mem>>
      %dma_start3A = arith.constant 0 : i32
      %dma_start3A_64 = tpu.memref_slice %arg9[%add3A_63, %dma_start3A] : memref<10240x64xf32, #tpu.memory_space<vmem_shared>> -> memref<128x64xf32, #tpu.memory_space<vmem_shared>>
      %dma_start3A_65 = arith.constant 0 : i32
      %dma_start3A_66 = tpu.memref_slice %arg9[%add3A_63, %dma_start3A_65] : memref<10240x64xf32, #tpu.memory_space<vmem_shared>> -> memref<128x64xf32, #tpu.memory_space<vmem_shared>>
      tpu.enqueue_dma source(%dma_start3A_66 : memref<128x64xf32, #tpu.memory_space<vmem_shared>>) target(%arg14 : memref<128x64xf32, #tpu.memory_space<vmem>>) target_semaphore(%run_scoped3A : memref<!tpu.dma_semaphore, #tpu.memory_space<semaphore_mem>>)
      %dma_wait3A = arith.constant 0 : i32
      %dma_wait3A_67 = tpu.memref_slice %arg9[%add3A_63, %dma_wait3A] : memref<10240x64xf32, #tpu.memory_space<vmem_shared>> -> memref<128x64xf32, #tpu.memory_space<vmem_shared>>
      %dma_wait3A_68 = arith.constant 0 : i32
      %dma_wait3A_69 = tpu.memref_slice %arg9[%add3A_63, %dma_wait3A_68] : memref<10240x64xf32, #tpu.memory_space<vmem_shared>> -> memref<128x64xf32, #tpu.memory_space<vmem_shared>>
      tpu.wait_dma2 semaphore(%run_scoped3A : memref<!tpu.dma_semaphore, #tpu.memory_space<semaphore_mem>>) src(%dma_wait3A_69 : memref<128x64xf32, #tpu.memory_space<vmem_shared>>) dst(%arg14 : memref<128x64xf32, #tpu.memory_space<vmem>>)
      tpu.yield
    }) : () -> ()
    "tpu.region"() ({
      %run_scoped3A = tpu.sem_alloc : memref<!tpu.dma_semaphore, #tpu.memory_space<semaphore_mem>>
      %dma_start3A = arith.constant 0 : i32
      %dma_start3A_64 = tpu.memref_slice %arg7[%arg0, %add3A_63, %dma_start3A] : memref<2x10240x64xf32, #tpu.memory_space<hbm>> -> memref<1x128x64xf32, #tpu.memory_space<hbm>>
      %dma_start3A_65 = tpu.memref_squeeze %dma_start3A_64 : memref<1x128x64xf32, #tpu.memory_space<hbm>> -> memref<128x64xf32, #tpu.memory_space<hbm>>
      %dma_start3A_66 = arith.constant 0 : i32
      %dma_start3A_67 = tpu.memref_slice %arg7[%arg0, %add3A_63, %dma_start3A_66] : memref<2x10240x64xf32, #tpu.memory_space<hbm>> -> memref<1x128x64xf32, #tpu.memory_space<hbm>>
      %dma_start3A_68 = tpu.memref_squeeze %dma_start3A_67 : memref<1x128x64xf32, #tpu.memory_space<hbm>> -> memref<128x64xf32, #tpu.memory_space<hbm>>
      tpu.enqueue_dma source(%arg14 : memref<128x64xf32, #tpu.memory_space<vmem>>) target(%dma_start3A_68 : memref<128x64xf32, #tpu.memory_space<hbm>>) target_semaphore(%run_scoped3A : memref<!tpu.dma_semaphore, #tpu.memory_space<semaphore_mem>>)
      %dma_wait3A = arith.constant 0 : i32
      %dma_wait3A_69 = tpu.memref_slice %arg7[%arg0, %add3A_63, %dma_wait3A] : memref<2x10240x64xf32, #tpu.memory_space<hbm>> -> memref<1x128x64xf32, #tpu.memory_space<hbm>>
      %dma_wait3A_70 = tpu.memref_squeeze %dma_wait3A_69 : memref<1x128x64xf32, #tpu.memory_space<hbm>> -> memref<128x64xf32, #tpu.memory_space<hbm>>
      %dma_wait3A_71 = arith.constant 0 : i32
      %dma_wait3A_72 = tpu.memref_slice %arg7[%arg0, %add3A_63, %dma_wait3A_71] : memref<2x10240x64xf32, #tpu.memory_space<hbm>> -> memref<1x128x64xf32, #tpu.memory_space<hbm>>
      %dma_wait3A_73 = tpu.memref_squeeze %dma_wait3A_72 : memref<1x128x64xf32, #tpu.memory_space<hbm>> -> memref<128x64xf32, #tpu.memory_space<hbm>>
      tpu.wait_dma2 semaphore(%run_scoped3A : memref<!tpu.dma_semaphore, #tpu.memory_space<semaphore_mem>>) src(%arg14 : memref<128x64xf32, #tpu.memory_space<vmem>>) dst(%dma_wait3A_73 : memref<128x64xf32, #tpu.memory_space<hbm>>)
      tpu.yield
    }) : () -> ()
    return
  }
}

module attributes {stable_mosaic.version = 14 : i64} {
  func.func @_edge_lin_body(%arg0: i32, %arg1: i32, %arg2: memref<2048x32xf32, #tpu.memory_space<vmem>>, %arg3: memref<1x32x128xf32, #tpu.memory_space<vmem>>, %arg4: memref<1x1x128xf32, #tpu.memory_space<vmem>>, %arg5: memref<1x32x128xf32, #tpu.memory_space<vmem>>, %arg6: memref<1x1x128xf32, #tpu.memory_space<vmem>>, %arg7: memref<1x2048x128xf32, #tpu.memory_space<vmem>>, %arg8: memref<1x2048x128xf32, #tpu.memory_space<vmem>>) attributes {dimension_semantics = [#tpu.dimension_semantics<arbitrary>, #tpu.dimension_semantics<arbitrary>], iteration_bounds = array<i64: 80, 2>, scalar_prefetch = 0 : i64, scratch_operands = 0 : i64, tpu.core_type = #tpu.core_type<tc>, window_params = [{transform_indices = @transform_0, window_bounds = array<i64: 2048, 32>}, {transform_indices = @transform_1, window_bounds = array<i64: 1, 32, 128>}, {transform_indices = @transform_2, window_bounds = array<i64: 1, 1, 128>}, {transform_indices = @transform_3, window_bounds = array<i64: 1, 32, 128>}, {transform_indices = @transform_4, window_bounds = array<i64: 1, 1, 128>}, {transform_indices = @transform_5, window_bounds = array<i64: 1, 2048, 128>}, {transform_indices = @transform_6, window_bounds = array<i64: 1, 2048, 128>}]} {
    %get3A = arith.constant 0 : index
    %get3A_0 = arith.constant 0 : index
    %get3A_1 = vector.load %arg2[%get3A, %get3A_0] : memref<2048x32xf32, #tpu.memory_space<vmem>>, vector<2048x32xf32>
    %get3A_2 = arith.constant 0 : index
    %get3A_3 = arith.constant 0 : index
    %get3A_4 = arith.constant 0 : index
    %get3A_5 = vector.load %arg3[%get3A_2, %get3A_3, %get3A_4] : memref<1x32x128xf32, #tpu.memory_space<vmem>>, vector<1x32x128xf32>
    %get3A_6 = vector.shape_cast %get3A_5 : vector<1x32x128xf32> to vector<32x128xf32>
    %dot_general3A = arith.constant dense<0.000000e+00> : vector<2048x128xf32>
    %dot_general3A_7 = tpu.matmul %get3A_1, %get3A_6, %dot_general3A {dimension_numbers = #tpu.dot_dimension_numbers<[1], [0], [0], [1], [0, 0, 1, 1], [], []>, transpose_lhs_hint = false} : vector<2048x32xf32>, vector<32x128xf32>, vector<2048x128xf32> -> vector<2048x128xf32>
    %get3A_8 = arith.constant 0 : index
    %get3A_9 = arith.constant 0 : index
    %get3A_10 = arith.constant 0 : index
    %get3A_11 = vector.load %arg4[%get3A_8, %get3A_9, %get3A_10] : memref<1x1x128xf32, #tpu.memory_space<vmem>>, vector<1x1x128xf32>
    %get3A_12 = vector.shape_cast %get3A_11 : vector<1x1x128xf32> to vector<1x128xf32>
    %add3A = vector.broadcast %get3A_12 : vector<1x128xf32> to vector<2048x128xf32>
    %add3A_13 = arith.addf %dot_general3A_7, %add3A : vector<2048x128xf32>
    %broadcast_in_dim3A = vector.shape_cast %add3A_13 : vector<2048x128xf32> to vector<1x2048x128xf32>
    %swap3A = arith.constant 0 : index
    %swap3A_14 = arith.constant 0 : index
    %swap3A_15 = arith.constant 0 : index
    %swap3A_16 = vector.load %arg7[%swap3A, %swap3A_14, %swap3A_15] : memref<1x2048x128xf32, #tpu.memory_space<vmem>>, vector<1x2048x128xf32>
    tpu.vector_store %arg7[%swap3A, %swap3A_14, %swap3A_15], %broadcast_in_dim3A {strides = array<i32>} : memref<1x2048x128xf32, #tpu.memory_space<vmem>>, vector<1x2048x128xf32>,
    %get3A_17 = arith.constant 0 : index
    %get3A_18 = arith.constant 0 : index
    %get3A_19 = arith.constant 0 : index
    %get3A_20 = vector.load %arg5[%get3A_17, %get3A_18, %get3A_19] : memref<1x32x128xf32, #tpu.memory_space<vmem>>, vector<1x32x128xf32>
    %get3A_21 = vector.shape_cast %get3A_20 : vector<1x32x128xf32> to vector<32x128xf32>
    %dot_general3A_22 = arith.constant dense<0.000000e+00> : vector<2048x128xf32>
    %dot_general3A_23 = tpu.matmul %get3A_1, %get3A_21, %dot_general3A_22 {dimension_numbers = #tpu.dot_dimension_numbers<[1], [0], [0], [1], [0, 0, 1, 1], [], []>, transpose_lhs_hint = false} : vector<2048x32xf32>, vector<32x128xf32>, vector<2048x128xf32> -> vector<2048x128xf32>
    %get3A_24 = arith.constant 0 : index
    %get3A_25 = arith.constant 0 : index
    %get3A_26 = arith.constant 0 : index
    %get3A_27 = vector.load %arg6[%get3A_24, %get3A_25, %get3A_26] : memref<1x1x128xf32, #tpu.memory_space<vmem>>, vector<1x1x128xf32>
    %get3A_28 = vector.shape_cast %get3A_27 : vector<1x1x128xf32> to vector<1x128xf32>
    %add3A_29 = vector.broadcast %get3A_28 : vector<1x128xf32> to vector<2048x128xf32>
    %add3A_30 = arith.addf %dot_general3A_23, %add3A_29 : vector<2048x128xf32>
    %broadcast_in_dim3A_31 = vector.shape_cast %add3A_30 : vector<2048x128xf32> to vector<1x2048x128xf32>
    %swap3A_32 = arith.constant 0 : index
    %swap3A_33 = arith.constant 0 : index
    %swap3A_34 = arith.constant 0 : index
    %swap3A_35 = vector.load %arg8[%swap3A_32, %swap3A_33, %swap3A_34] : memref<1x2048x128xf32, #tpu.memory_space<vmem>>, vector<1x2048x128xf32>
    tpu.vector_store %arg8[%swap3A_32, %swap3A_33, %swap3A_34], %broadcast_in_dim3A_31 {strides = array<i32>} : memref<1x2048x128xf32, #tpu.memory_space<vmem>>, vector<1x2048x128xf32>,
    return
  }
  func.func @transform_0(%arg0: i32, %arg1: i32) -> (i32, i32) {
    %c0_i32 = arith.constant 0 : i32
    %c0_i32_0 = arith.constant 0 : i32
    return %arg0, %c0_i32 : i32, i32
  }
  func.func @transform_1(%arg0: i32, %arg1: i32) -> (i32, i32, i32) {
    %c0_i32 = arith.constant 0 : i32
    %c0_i32_0 = arith.constant 0 : i32
    %c0_i32_1 = arith.constant 0 : i32
    return %arg1, %c0_i32, %c0_i32_0 : i32, i32, i32
  }
  func.func @transform_2(%arg0: i32, %arg1: i32) -> (i32, i32, i32) {
    %c0_i32 = arith.constant 0 : i32
    %c0_i32_0 = arith.constant 0 : i32
    %c0_i32_1 = arith.constant 0 : i32
    return %arg1, %c0_i32, %c0_i32_0 : i32, i32, i32
  }
  func.func @transform_3(%arg0: i32, %arg1: i32) -> (i32, i32, i32) {
    %c0_i32 = arith.constant 0 : i32
    %c0_i32_0 = arith.constant 0 : i32
    %c0_i32_1 = arith.constant 0 : i32
    return %arg1, %c0_i32, %c0_i32_0 : i32, i32, i32
  }
  func.func @transform_4(%arg0: i32, %arg1: i32) -> (i32, i32, i32) {
    %c0_i32 = arith.constant 0 : i32
    %c0_i32_0 = arith.constant 0 : i32
    %c0_i32_1 = arith.constant 0 : i32
    return %arg1, %c0_i32, %c0_i32_0 : i32, i32, i32
  }
  func.func @transform_5(%arg0: i32, %arg1: i32) -> (i32, i32, i32) {
    %c0_i32 = arith.constant 0 : i32
    %c0_i32_0 = arith.constant 0 : i32
    return %arg1, %arg0, %c0_i32 : i32, i32, i32
  }
  func.func @transform_6(%arg0: i32, %arg1: i32) -> (i32, i32, i32) {
    %c0_i32 = arith.constant 0 : i32
    %c0_i32_0 = arith.constant 0 : i32
    return %arg1, %arg0, %c0_i32 : i32, i32, i32
  }
}

module attributes {stable_mosaic.version = 14 : i64} {
  func.func @_node_mlp_body(%arg0: i32, %arg1: memref<2x1024x64xf32, #tpu.memory_space<vmem>>, %arg2: memref<2x1024x64xf32, #tpu.memory_space<vmem>>, %arg3: memref<128x128xf32, #tpu.memory_space<vmem>>, %arg4: memref<1x128xf32, #tpu.memory_space<vmem>>, %arg5: memref<128x128xf32, #tpu.memory_space<vmem>>, %arg6: memref<1x128xf32, #tpu.memory_space<vmem>>, %arg7: memref<2x1024x64xf32, #tpu.memory_space<vmem>>) attributes {dimension_semantics = [#tpu.dimension_semantics<arbitrary>], iteration_bounds = array<i64: 10>, scalar_prefetch = 0 : i64, scratch_operands = 0 : i64, tpu.core_type = #tpu.core_type<tc>, window_params = [{transform_indices = @transform_0, window_bounds = array<i64: 2, 1024, 64>}, {transform_indices = @transform_1, window_bounds = array<i64: 2, 1024, 64>}, {pipeline_mode = #tpu.pipeline_mode<synchronous>, transform_indices = @transform_2, window_bounds = array<i64: 128, 128>}, {pipeline_mode = #tpu.pipeline_mode<synchronous>, transform_indices = @transform_3, window_bounds = array<i64: 1, 128>}, {pipeline_mode = #tpu.pipeline_mode<synchronous>, transform_indices = @transform_4, window_bounds = array<i64: 128, 128>}, {pipeline_mode = #tpu.pipeline_mode<synchronous>, transform_indices = @transform_5, window_bounds = array<i64: 1, 128>}, {transform_indices = @transform_6, window_bounds = array<i64: 2, 1024, 64>}]} {
    %get3A = arith.constant 0 : index
    %get3A_0 = arith.constant 0 : index
    %get3A_1 = arith.constant 0 : index
    %get3A_2 = vector.load %arg1[%get3A, %get3A_0, %get3A_1] : memref<2x1024x64xf32, #tpu.memory_space<vmem>>, vector<1x1024x64xf32>
    %get3A_3 = vector.shape_cast %get3A_2 : vector<1x1024x64xf32> to vector<1024x64xf32>
    %get3A_4 = arith.constant 0 : index
    %get3A_5 = arith.constant 0 : index
    %get3A_6 = arith.constant 0 : index
    %get3A_7 = vector.load %arg2[%get3A_4, %get3A_5, %get3A_6] : memref<2x1024x64xf32, #tpu.memory_space<vmem>>, vector<1x1024x64xf32>
    %get3A_8 = vector.shape_cast %get3A_7 : vector<1x1024x64xf32> to vector<1024x64xf32>
    %add3A = arith.addf %get3A_3, %get3A_8 : vector<1024x64xf32>
    %get3A_9 = arith.constant 1 : index
    %get3A_10 = arith.constant 0 : index
    %get3A_11 = arith.constant 0 : index
    %get3A_12 = vector.load %arg1[%get3A_9, %get3A_10, %get3A_11] : memref<2x1024x64xf32, #tpu.memory_space<vmem>>, vector<1x1024x64xf32>
    %get3A_13 = vector.shape_cast %get3A_12 : vector<1x1024x64xf32> to vector<1024x64xf32>
    %get3A_14 = arith.constant 1 : index
    %get3A_15 = arith.constant 0 : index
    %get3A_16 = arith.constant 0 : index
    %get3A_17 = vector.load %arg2[%get3A_14, %get3A_15, %get3A_16] : memref<2x1024x64xf32, #tpu.memory_space<vmem>>, vector<1x1024x64xf32>
    %get3A_18 = vector.shape_cast %get3A_17 : vector<1x1024x64xf32> to vector<1024x64xf32>
    %add3A_19 = arith.addf %get3A_13, %get3A_18 : vector<1024x64xf32>
    %concatenate3A = tpu.concatenate %add3A, %add3A_19 in 1 : vector<1024x64xf32>, vector<1024x64xf32> -> vector<1024x128xf32>
    %get3A_20 = arith.constant 0 : index
    %get3A_21 = arith.constant 0 : index
    %get3A_22 = vector.load %arg3[%get3A_20, %get3A_21] : memref<128x128xf32, #tpu.memory_space<vmem>>, vector<128x128xf32>
    %dot_general3A = arith.constant dense<0.000000e+00> : vector<1024x128xf32>
    %dot_general3A_23 = tpu.matmul %concatenate3A, %get3A_22, %dot_general3A {dimension_numbers = #tpu.dot_dimension_numbers<[1], [0], [0], [1], [0, 0, 1, 1], [], []>, transpose_lhs_hint = false} : vector<1024x128xf32>, vector<128x128xf32>, vector<1024x128xf32> -> vector<1024x128xf32>
    %get3A_24 = arith.constant 0 : index
    %get3A_25 = arith.constant 0 : index
    %get3A_26 = vector.load %arg4[%get3A_24, %get3A_25] : memref<1x128xf32, #tpu.memory_space<vmem>>, vector<1x128xf32>
    %add3A_27 = vector.broadcast %get3A_26 : vector<1x128xf32> to vector<1024x128xf32>
    %add3A_28 = arith.addf %dot_general3A_23, %add3A_27 : vector<1024x128xf32>
    %gt3A = arith.constant 0.000000e+00 : f32
    %gt3A_29 = vector.broadcast %gt3A : f32 to vector<1024x128xf32>
    %gt3A_30 = arith.cmpf ogt, %add3A_28, %gt3A_29 : vector<1024x128xf32>
    %exp3A = math.exp %add3A_28 : vector<1024x128xf32>
    %sub3A = arith.constant 1.000000e+00 : f32
    %sub3A_31 = vector.broadcast %sub3A : f32 to vector<1024x128xf32>
    %sub3A_32 = arith.subf %exp3A, %sub3A_31 : vector<1024x128xf32>
    %select_n3A = arith.select %gt3A_30, %add3A_28, %sub3A_32 : vector<1024x128xi1>, vector<1024x128xf32>
    %get3A_33 = arith.constant 0 : index
    %get3A_34 = arith.constant 0 : index
    %get3A_35 = vector.load %arg5[%get3A_33, %get3A_34] : memref<128x128xf32, #tpu.memory_space<vmem>>, vector<128x128xf32>
    %dot_general3A_36 = arith.constant dense<0.000000e+00> : vector<1024x128xf32>
    %dot_general3A_37 = tpu.matmul %select_n3A, %get3A_35, %dot_general3A_36 {dimension_numbers = #tpu.dot_dimension_numbers<[1], [0], [0], [1], [0, 0, 1, 1], [], []>, transpose_lhs_hint = false} : vector<1024x128xf32>, vector<128x128xf32>, vector<1024x128xf32> -> vector<1024x128xf32>
    %get3A_38 = arith.constant 0 : index
    %get3A_39 = arith.constant 0 : index
    %get3A_40 = vector.load %arg6[%get3A_38, %get3A_39] : memref<1x128xf32, #tpu.memory_space<vmem>>, vector<1x128xf32>
    %add3A_41 = vector.broadcast %get3A_40 : vector<1x128xf32> to vector<1024x128xf32>
    %add3A_42 = arith.addf %dot_general3A_37, %add3A_41 : vector<1024x128xf32>
    %gt3A_43 = arith.constant 0.000000e+00 : f32
    %gt3A_44 = vector.broadcast %gt3A_43 : f32 to vector<1024x128xf32>
    %gt3A_45 = arith.cmpf ogt, %add3A_42, %gt3A_44 : vector<1024x128xf32>
    %exp3A_46 = math.exp %add3A_42 : vector<1024x128xf32>
    %sub3A_47 = arith.constant 1.000000e+00 : f32
    %sub3A_48 = vector.broadcast %sub3A_47 : f32 to vector<1024x128xf32>
    %sub3A_49 = arith.subf %exp3A_46, %sub3A_48 : vector<1024x128xf32>
    %select_n3A_50 = arith.select %gt3A_45, %add3A_42, %sub3A_49 : vector<1024x128xi1>, vector<1024x128xf32>
    %slice3A = vector.extract_strided_slice %select_n3A_50 {offsets = [0, 0], sizes = [1024, 64], strides = [1, 1]} : vector<1024x128xf32> to vector<1024x64xf32>
    %swap3A = arith.constant 0 : index
    %swap3A_51 = arith.constant 0 : index
    %swap3A_52 = arith.constant 0 : index
    %swap3A_53 = vector.load %arg7[%swap3A, %swap3A_51, %swap3A_52] : memref<2x1024x64xf32, #tpu.memory_space<vmem>>, vector<1x1024x64xf32>
    %swap3A_54 = vector.shape_cast %swap3A_53 : vector<1x1024x64xf32> to vector<1024x64xf32>
    %swap3A_55 = vector.shape_cast %slice3A : vector<1024x64xf32> to vector<1x1024x64xf32>
    tpu.vector_store %arg7[%swap3A, %swap3A_51, %swap3A_52], %swap3A_55 {strides = array<i32>} : memref<2x1024x64xf32, #tpu.memory_space<vmem>>, vector<1x1024x64xf32>,
    %slice3A_56 = vector.extract_strided_slice %select_n3A_50 {offsets = [0, 64], sizes = [1024, 64], strides = [1, 1]} : vector<1024x128xf32> to vector<1024x64xf32>
    %swap3A_57 = arith.constant 1 : index
    %swap3A_58 = arith.constant 0 : index
    %swap3A_59 = arith.constant 0 : index
    %swap3A_60 = vector.load %arg7[%swap3A_57, %swap3A_58, %swap3A_59] : memref<2x1024x64xf32, #tpu.memory_space<vmem>>, vector<1x1024x64xf32>
    %swap3A_61 = vector.shape_cast %swap3A_60 : vector<1x1024x64xf32> to vector<1024x64xf32>
    %swap3A_62 = vector.shape_cast %slice3A_56 : vector<1024x64xf32> to vector<1x1024x64xf32>
    tpu.vector_store %arg7[%swap3A_57, %swap3A_58, %swap3A_59], %swap3A_62 {strides = array<i32>} : memref<2x1024x64xf32, #tpu.memory_space<vmem>>, vector<1x1024x64xf32>,
    return
  }
  func.func @transform_0(%arg0: i32) -> (i32, i32, i32) {
    %c0_i32 = arith.constant 0 : i32
    %c0_i32_0 = arith.constant 0 : i32
    %c0_i32_1 = arith.constant 0 : i32
    return %c0_i32, %arg0, %c0_i32_0 : i32, i32, i32
  }
  func.func @transform_1(%arg0: i32) -> (i32, i32, i32) {
    %c0_i32 = arith.constant 0 : i32
    %c0_i32_0 = arith.constant 0 : i32
    %c0_i32_1 = arith.constant 0 : i32
    return %c0_i32, %arg0, %c0_i32_0 : i32, i32, i32
  }
  func.func @transform_2(%arg0: i32) -> (i32, i32) {
    %c0_i32 = arith.constant 0 : i32
    %c0_i32_0 = arith.constant 0 : i32
    %c0_i32_1 = arith.constant 0 : i32
    return %c0_i32, %c0_i32_0 : i32, i32
  }
  func.func @transform_3(%arg0: i32) -> (i32, i32) {
    %c0_i32 = arith.constant 0 : i32
    %c0_i32_0 = arith.constant 0 : i32
    %c0_i32_1 = arith.constant 0 : i32
    return %c0_i32, %c0_i32_0 : i32, i32
  }
  func.func @transform_4(%arg0: i32) -> (i32, i32) {
    %c0_i32 = arith.constant 0 : i32
    %c0_i32_0 = arith.constant 0 : i32
    %c0_i32_1 = arith.constant 0 : i32
    return %c0_i32, %c0_i32_0 : i32, i32
  }
  func.func @transform_5(%arg0: i32) -> (i32, i32) {
    %c0_i32 = arith.constant 0 : i32
    %c0_i32_0 = arith.constant 0 : i32
    %c0_i32_1 = arith.constant 0 : i32
    return %c0_i32, %c0_i32_0 : i32, i32
  }
  func.func @transform_6(%arg0: i32) -> (i32, i32, i32) {
    %c0_i32 = arith.constant 0 : i32
    %c0_i32_0 = arith.constant 0 : i32
    %c0_i32_1 = arith.constant 0 : i32
    return %c0_i32, %arg0, %c0_i32_0 : i32, i32, i32
  }
}

module attributes {stable_mosaic.version = 14 : i64} {
  func.func @_pool_head_body(%arg0: i32, %arg1: memref<2x1024x64xf32, #tpu.memory_space<vmem>>, %arg2: memref<1x1x1024xi32, #tpu.memory_space<vmem>>, %arg3: memref<128x128xf32, #tpu.memory_space<vmem>>, %arg4: memref<1x128xf32, #tpu.memory_space<vmem>>, %arg5: memref<128x1xf32, #tpu.memory_space<vmem>>, %arg6: memref<1x1xf32, #tpu.memory_space<vmem>>, %arg7: memref<64x1xf32, #tpu.memory_space<vmem>>, %arg8: memref<64x128xf32, #tpu.memory_space<vmem>>) attributes {dimension_semantics = [#tpu.dimension_semantics<arbitrary>], iteration_bounds = array<i64: 10>, scalar_prefetch = 0 : i64, scratch_operands = 1 : i64, tpu.core_type = #tpu.core_type<tc>, window_params = [{transform_indices = @transform_0, window_bounds = array<i64: 2, 1024, 64>}, {transform_indices = @transform_1, window_bounds = array<i64: 1, 1, 1024>}, {pipeline_mode = #tpu.pipeline_mode<synchronous>, transform_indices = @transform_2, window_bounds = array<i64: 128, 128>}, {pipeline_mode = #tpu.pipeline_mode<synchronous>, transform_indices = @transform_3, window_bounds = array<i64: 1, 128>}, {pipeline_mode = #tpu.pipeline_mode<synchronous>, transform_indices = @transform_4, window_bounds = array<i64: 128, 1>}, {pipeline_mode = #tpu.pipeline_mode<synchronous>, transform_indices = @transform_5, window_bounds = array<i64: 1, 1>}, {pipeline_mode = #tpu.pipeline_mode<synchronous>, transform_indices = @transform_6, window_bounds = array<i64: 64, 1>}]} {
    %eq3A = arith.constant 0 : i32
    %eq3A_0 = arith.cmpi eq, %arg0, %eq3A : i32
    %convert_element_type3A = arith.extui %eq3A_0 : i1 to i32
    %cond3A = arith.constant 0 : i32
    %cond3A_1 = arith.cmpi ne, %convert_element_type3A, %cond3A : i32
    scf.if %cond3A_1 {
      %broadcast_in_dim3A = arith.constant 0.000000e+00 : f32
      %broadcast_in_dim3A_31 = vector.broadcast %broadcast_in_dim3A : f32 to vector<64x128xf32>
      %swap3A_32 = arith.constant 0 : index
      %swap3A_33 = arith.constant 0 : index
      %swap3A_34 = vector.load %arg8[%swap3A_32, %swap3A_33] : memref<64x128xf32, #tpu.memory_space<vmem>>, vector<64x128xf32>
      tpu.vector_store %arg8[%swap3A_32, %swap3A_33], %broadcast_in_dim3A_31 {strides = array<i32>} : memref<64x128xf32, #tpu.memory_space<vmem>>, vector<64x128xf32>,
    } else {
    }
    %get3A = arith.constant 0 : index
    %get3A_2 = arith.constant 0 : index
    %get3A_3 = arith.constant 0 : index
    %get3A_4 = vector.load %arg1[%get3A, %get3A_2, %get3A_3] : memref<2x1024x64xf32, #tpu.memory_space<vmem>>, vector<1x1024x64xf32>
    %get3A_5 = vector.shape_cast %get3A_4 : vector<1x1024x64xf32> to vector<1024x64xf32>
    %get3A_6 = arith.constant 1 : index
    %get3A_7 = arith.constant 0 : index
    %get3A_8 = arith.constant 0 : index
    %get3A_9 = vector.load %arg1[%get3A_6, %get3A_7, %get3A_8] : memref<2x1024x64xf32, #tpu.memory_space<vmem>>, vector<1x1024x64xf32>
    %get3A_10 = vector.shape_cast %get3A_9 : vector<1x1024x64xf32> to vector<1024x64xf32>
    %concatenate3A = tpu.concatenate %get3A_5, %get3A_10 in 1 : vector<1024x64xf32>, vector<1024x64xf32> -> vector<1024x128xf32>
    %iota3A = tpu.iota {dimensions = array<i32: 0>} : vector<64x1024xi32>
    %get3A_11 = arith.constant 0 : index
    %get3A_12 = arith.constant 0 : index
    %get3A_13 = arith.constant 0 : index
    %get3A_14 = vector.load %arg2[%get3A_11, %get3A_12, %get3A_13] : memref<1x1x1024xi32, #tpu.memory_space<vmem>>, vector<1x1x1024xi32>
    %get3A_15 = vector.shape_cast %get3A_14 : vector<1x1x1024xi32> to vector<1x1024xi32>
    %eq3A_16 = vector.broadcast %get3A_15 : vector<1x1024xi32> to vector<64x1024xi32>
    %eq3A_17 = arith.cmpi eq, %iota3A, %eq3A_16 : vector<64x1024xi32>
    %convert_element_type3A_18 = arith.extui %eq3A_17 : vector<64x1024xi1> to vector<64x1024xi32>
    %convert_element_type3A_19 = arith.sitofp %convert_element_type3A_18 : vector<64x1024xi32> to vector<64x1024xf32>
    %get3A_20 = arith.constant 0 : index
    %get3A_21 = arith.constant 0 : index
    %get3A_22 = vector.load %arg8[%get3A_20, %get3A_21] : memref<64x128xf32, #tpu.memory_space<vmem>>, vector<64x128xf32>
    %dot_general3A = arith.constant dense<0.000000e+00> : vector<64x128xf32>
    %dot_general3A_23 = tpu.matmul %convert_element_type3A_19, %concatenate3A, %dot_general3A {dimension_numbers = #tpu.dot_dimension_numbers<[1], [0], [0], [1], [0, 0, 1, 1], [], []>, transpose_lhs_hint = false} : vector<64x1024xf32>, vector<1024x128xf32>, vector<64x128xf32> -> vector<64x128xf32>
    %add3A = arith.addf %get3A_22, %dot_general3A_23 : vector<64x128xf32>
    %swap3A = arith.constant 0 : index
    %swap3A_24 = arith.constant 0 : index
    %swap3A_25 = vector.load %arg8[%swap3A, %swap3A_24] : memref<64x128xf32, #tpu.memory_space<vmem>>, vector<64x128xf32>
    tpu.vector_store %arg8[%swap3A, %swap3A_24], %add3A {strides = array<i32>} : memref<64x128xf32, #tpu.memory_space<vmem>>, vector<64x128xf32>,
    %eq3A_26 = arith.constant 9 : i32
    %eq3A_27 = arith.cmpi eq, %arg0, %eq3A_26 : i32
    %convert_element_type3A_28 = arith.extui %eq3A_27 : i1 to i32
    %cond3A_29 = arith.constant 0 : i32
    %cond3A_30 = arith.cmpi ne, %convert_element_type3A_28, %cond3A_29 : i32
    scf.if %cond3A_30 {
      %get3A_31 = arith.constant 0 : index
      %get3A_32 = arith.constant 0 : index
      %get3A_33 = vector.load %arg8[%get3A_31, %get3A_32] : memref<64x128xf32, #tpu.memory_space<vmem>>, vector<64x128xf32>
      %get3A_34 = arith.constant 0 : index
      %get3A_35 = arith.constant 0 : index
      %get3A_36 = vector.load %arg3[%get3A_34, %get3A_35] : memref<128x128xf32, #tpu.memory_space<vmem>>, vector<128x128xf32>
      %dot_general3A_37 = arith.constant dense<0.000000e+00> : vector<64x128xf32>
      %dot_general3A_38 = tpu.matmul %get3A_33, %get3A_36, %dot_general3A_37 {dimension_numbers = #tpu.dot_dimension_numbers<[1], [0], [0], [1], [0, 0, 1, 1], [], []>, transpose_lhs_hint = false} : vector<64x128xf32>, vector<128x128xf32>, vector<64x128xf32> -> vector<64x128xf32>
      %get3A_39 = arith.constant 0 : index
      %get3A_40 = arith.constant 0 : index
      %get3A_41 = vector.load %arg4[%get3A_39, %get3A_40] : memref<1x128xf32, #tpu.memory_space<vmem>>, vector<1x128xf32>
      %add3A_42 = vector.broadcast %get3A_41 : vector<1x128xf32> to vector<64x128xf32>
      %add3A_43 = arith.addf %dot_general3A_38, %add3A_42 : vector<64x128xf32>
      %max3A = arith.constant 0.000000e+00 : f32
      %max3A_44 = vector.broadcast %max3A : f32 to vector<64x128xf32>
      %max3A_45 = arith.maximumf %add3A_43, %max3A_44 : vector<64x128xf32>
      %get3A_46 = arith.constant 0 : index
      %get3A_47 = arith.constant 0 : index
      %get3A_48 = vector.load %arg5[%get3A_46, %get3A_47] : memref<128x1xf32, #tpu.memory_space<vmem>>, vector<128x1xf32>
      %dot_general3A_49 = arith.constant dense<0.000000e+00> : vector<64x1xf32>
      %dot_general3A_50 = tpu.matmul %max3A_45, %get3A_48, %dot_general3A_49 {dimension_numbers = #tpu.dot_dimension_numbers<[1], [0], [0], [1], [0, 0, 1, 1], [], []>, transpose_lhs_hint = false} : vector<64x128xf32>, vector<128x1xf32>, vector<64x1xf32> -> vector<64x1xf32>
      %get3A_51 = arith.constant 0 : index
      %get3A_52 = arith.constant 0 : index
      %get3A_53 = vector.load %arg6[%get3A_51, %get3A_52] : memref<1x1xf32, #tpu.memory_space<vmem>>, vector<1x1xf32>
      %add3A_54 = vector.broadcast %get3A_53 : vector<1x1xf32> to vector<64x1xf32>
      %add3A_55 = arith.addf %dot_general3A_50, %add3A_54 : vector<64x1xf32>
      %swap3A_56 = arith.constant 0 : index
      %swap3A_57 = arith.constant 0 : index
      %swap3A_58 = vector.load %arg7[%swap3A_56, %swap3A_57] : memref<64x1xf32, #tpu.memory_space<vmem>>, vector<64x1xf32>
      tpu.vector_store %arg7[%swap3A_56, %swap3A_57], %add3A_55 {strides = array<i32>} : memref<64x1xf32, #tpu.memory_space<vmem>>, vector<64x1xf32>,
    } else {
    }
    return
  }
  func.func @transform_0(%arg0: i32) -> (i32, i32, i32) {
    %c0_i32 = arith.constant 0 : i32
    %c0_i32_0 = arith.constant 0 : i32
    %c0_i32_1 = arith.constant 0 : i32
    return %c0_i32, %arg0, %c0_i32_0 : i32, i32, i32
  }
  func.func @transform_1(%arg0: i32) -> (i32, i32, i32) {
    %c0_i32 = arith.constant 0 : i32
    %c0_i32_0 = arith.constant 0 : i32
    %c0_i32_1 = arith.constant 0 : i32
    return %arg0, %c0_i32, %c0_i32_0 : i32, i32, i32
  }
  func.func @transform_2(%arg0: i32) -> (i32, i32) {
    %c0_i32 = arith.constant 0 : i32
    %c0_i32_0 = arith.constant 0 : i32
    %c0_i32_1 = arith.constant 0 : i32
    return %c0_i32, %c0_i32_0 : i32, i32
  }
  func.func @transform_3(%arg0: i32) -> (i32, i32) {
    %c0_i32 = arith.constant 0 : i32
    %c0_i32_0 = arith.constant 0 : i32
    %c0_i32_1 = arith.constant 0 : i32
    return %c0_i32, %c0_i32_0 : i32, i32
  }
  func.func @transform_4(%arg0: i32) -> (i32, i32) {
    %c0_i32 = arith.constant 0 : i32
    %c0_i32_0 = arith.constant 0 : i32
    %c0_i32_1 = arith.constant 0 : i32
    return %c0_i32, %c0_i32_0 : i32, i32
  }
  func.func @transform_5(%arg0: i32) -> (i32, i32) {
    %c0_i32 = arith.constant 0 : i32
    %c0_i32_0 = arith.constant 0 : i32
    %c0_i32_1 = arith.constant 0 : i32
    return %c0_i32, %c0_i32_0 : i32, i32
  }
  func.func @transform_6(%arg0: i32) -> (i32, i32) {
    %c0_i32 = arith.constant 0 : i32
    %c0_i32_0 = arith.constant 0 : i32
    %c0_i32_1 = arith.constant 0 : i32
    return %c0_i32, %c0_i32_0 : i32, i32
  }
}

</mosaic_0001>

<sc_bundles>
// kernel: kernel.11.cloned.1.call-start
scs
__scs_entry_jumppad:
0x0: {  	(pc) =	sbr.rel $0x88, $3  }
0x1: {  	(tag) =	ssettag $0x0;
	lr =	simm.s32 $0x1  }
0x2: {  	[smem:$0x3F8D] =	sst lr;
	_ =	strace $0xD0000000  }
0x3: {  	_ = 	snop  }
0x4: {  	_ = 	snop  }
0x5: {  	_ = 	snop  }
0x6: {  	_ = 	snop  }
0x7: {  	_ = 	snop  }
__scs_overlays_trampoline_lowered:
0x8: {  	[smem:$0x3F9C] =	sst s0  }
0x9: {  	[smem:$0x3F9D] =	sst s1  }
0xa: {  	[smem:$0x3F9E] =	sst s2  }
0xb: {  	[smem:$0x3F9F] =	sst s3  }
0xc: {  	[smem:$0x3FA0] =	sst s4  }
0xd: {  	[smem:$0x3FA1] =	sst s5  }
0xe: {  	[smem:$0x3FA2] =	sst s6  }
0xf: {  	[smem:$0x3FA3] =	sst s7  }
0x10: {  	[smem:$0x3FA4] =	sst s8  }
0x11: {  	[smem:$0x3FA5] =	sst s9;
	s0 =	simm.s32 @!p0 $0x0  }
0x12: {  	s1 =	sld [smem:$0x3F8B];
	s0 =	simm.s32 @p0 $0x1  }
0x13: {  	[smem:$0x3FA6] =	sst s0;
	s0 =	simm.s32 @!p1 $0x0  }
0x14: {  	s2 =	sld [smem:$0x3F8A];
	s0 =	simm.s32 @p1 $0x1  }
0x15: {  	[smem:$0x3FA7] =	sst s0;
	s0 =	simm.s32 @!p2 $0x0  }
0x16: {  	s3 =	sld [smem:$0x3FDB];
	s0 =	simm.s32 @p2 $0x1  }
0x17: {  	s4 =	simm.s32 $0x1BF5;
	[smem:$0x3FA9] =	sst s0  }
0x18: {  	s0 =	sld [smem:$0x3F8C];
	_ =	swait.ge [sflag:s4], $0x0  }
0x19: {  	s7 =	sld [smem:$0x3F8D]  }
0x1a: {  	s8 =	sadd.s32 $0xFFFFE003, lr  }
0x1b: {  	s9 =	sadd.s32 $0xFFFFFEF7, lr;
	s5 =	simm.s32 $0xFFFFFFFF;
	p2 =	slt.u32 s8, $0xFFFFF086  }
0x1c: {  	p1 =	slt.u32 s9, $0xF7A;
	s5 =	simm.s32 @!p2 $0x0  }
0x1d: {  	s5 =	simm.s32 @p1 $0x1;
	p0 =	seq.s32 s7, s2  }
0x1e: {  	s7 =	smul.u32 @!p0 $0xF7A, s2;
	p2 =	seq.s32 @!p0 s5, $0x0  }
0x1f: {  	s9 =	smul.u32 $0xF7A, s1;
	s8 =	simm.s32 @!p0 $0x1BF5;
	p2 =	por !p2, p0  }
0x20: {  	[sflag:s8] =	ssyncset.s32 @!p0 $0xFFFFF086;
	s6 =	sadd.s32 @!p0 s3, s7;
	s7 =	simm.s32 @!p0 $0x108  }
0x21: {  	s3 =	sadd.s32 s3, s9;
	s6 =	sadd.s32 @!p0 $0x88, s6;
	s7 =	simm.s32 @p2 $0x1082  }
0x22: {  	[simem:s7], [sflag:s8] =	dma.local @!p0 [hbm:s6], $0xF7A  }
0x23: {  	s9 =	sor.u32 $0xD0000000, s2;
	s6 =	simm.s32 $0x108;
	_ =	swait.ge @!p0 [sflag:s8], $0x0  }
0x24: {  	s3 =	sadd.s32 $0x88, s3;
	s6 =	simm.s32 @!p1 $0x1082;
	[sflag:s4] =	ssyncset.s32 $0xFFFFF086  }
0x25: {  	[simem:s6], [sflag:s4] =	dma.local [hbm:s3], $0xF7A  }
0x26: {  	[smem:$0x3F8D] =	sst s1;
	(tag) =	ssettag s2;
	_ =	strace s9  }
0x27: {  	s1 =	sld [smem:$0x3F9D]  }
0x28: {  	s2 =	sld [smem:$0x3F9E]  }
0x29: {  	s4 =	sld [smem:$0x3FA0]  }
0x2a: {  	p0 =	seq.s32 s5, $0x0;
	s5 =	sld [smem:$0x3FA1]  }
0x2b: {  	s6 =	sld [smem:$0x3FA2]  }
0x2c: {  	s7 =	sld [smem:$0x3FA3]  }
0x2d: {  	s3 =	simm.s32 $0x108;
	s8 =	sld [smem:$0x3FA4]  }
0x2e: {  	s3 =	simm.s32 @!p0 $0x1082;
	s9 =	sld [smem:$0x3FA5]  }
0x2f: {  	lr =	sadd.s32 s0, s3;
	s0 =	sld [smem:$0x3F9C]  }
0x30: {  	s3 =	sld [smem:$0x3F9F]  }
0x31: {  	[smem:$0x3FA8] =	sst s10  }
0x32: {  	s10 =	sld [smem:$0x3FA6];
	_ =	sdelay $0x3  }
0x33: {  	p0 =	seq.s32 s10, $0x1;
	s10 =	sld [smem:$0x3FA8];
	_ =	sdelay $0x3  }
0x34: {  	[smem:$0x3FA8] =	sst s10  }
0x35: {  	s10 =	sld [smem:$0x3FA7];
	_ =	sdelay $0x3  }
0x36: {  	p1 =	seq.s32 s10, $0x1;
	s10 =	sld [smem:$0x3FA8];
	_ =	sdelay $0x3  }
0x37: {  	[smem:$0x3FA8] =	sst s10  }
0x38: {  	s10 =	sld [smem:$0x3FA9]  }
0x39: {  	_ = 	snop;
	(pc) =	sbr.ind lr, $3  }
0x3a: {  	_ = 	snop  }
0x3b: {  	_ = 	snop  }
0x3c: {  	p2 =	seq.s32 s10, $0x1;
	s10 =	sld [smem:$0x3FA8]  }
0x3d: {  	_ =	shalt  }
0x3e: {  	_ =	shalt  }
0x3f: {  	_ =	shalt  }
0x40: {  	_ =	shalt  }
0x41: {  	_ =	shalt  }
0x42: {  	_ =	shalt  }
0x43: {  	_ =	shalt  }
0x44: {  	_ =	shalt  }
0x45: {  	_ =	shalt  }
0x46: {  	_ =	shalt  }
0x47: {  	_ =	shalt  }
0x48: {  	_ =	shalt  }
0x49: {  	_ =	shalt  }
0x4a: {  	_ =	shalt  }
0x4b: {  	_ =	shalt  }
0x4c: {  	_ =	shalt  }
0x4d: {  	_ =	shalt  }
0x4e: {  	_ =	shalt  }
0x4f: {  	_ =	shalt  }
0x50: {  	_ =	shalt  }
0x51: {  	_ =	shalt  }
0x52: {  	_ =	shalt  }
0x53: {  	_ =	shalt  }
0x54: {  	_ =	shalt  }
0x55: {  	_ =	shalt  }
0x56: {  	_ =	shalt  }
0x57: {  	_ =	shalt  }
0x58: {  	_ =	shalt  }
0x59: {  	_ =	shalt  }
0x5a: {  	_ =	shalt  }
0x5b: {  	_ =	shalt  }
0x5c: {  	_ =	shalt  }
0x5d: {  	_ =	shalt  }
0x5e: {  	_ =	shalt  }
0x5f: {  	_ =	shalt  }
0x60: {  	_ =	shalt  }
0x61: {  	_ =	shalt  }
0x62: {  	_ =	shalt  }
0x63: {  	_ =	shalt  }
0x64: {  	_ =	shalt  }
0x65: {  	_ =	shalt  }
0x66: {  	_ =	shalt  }
0x67: {  	_ =	shalt  }
0x68: {  	_ =	shalt  }
0x69: {  	_ =	shalt  }
0x6a: {  	_ =	shalt  }
0x6b: {  	_ =	shalt  }
0x6c: {  	_ =	shalt  }
0x6d: {  	_ =	shalt  }
0x6e: {  	_ =	shalt  }
0x6f: {  	_ =	shalt  }
0x70: {  	_ =	shalt  }
0x71: {  	_ =	shalt  }
0x72: {  	_ =	shalt  }
0x73: {  	_ =	shalt  }
0x74: {  	_ =	shalt  }
0x75: {  	_ =	shalt  }
0x76: {  	_ =	shalt  }
0x77: {  	_ =	shalt  }
0x78: {  	_ =	shalt  }
0x79: {  	_ =	shalt  }
0x7a: {  	_ =	shalt  }
0x7b: {  	_ =	shalt  }
0x7c: {  	_ =	shalt  }
0x7d: {  	_ =	shalt  }
0x7e: {  	_ =	shalt  }
0x7f: {  	_ =	shalt  }
0x80: {  	_ =	shalt  }
0x81: {  	_ =	shalt  }
0x82: {  	_ =	shalt  }
0x83: {  	_ =	shalt  }
0x84: {  	_ =	shalt  }
0x85: {  	_ =	shalt  }
0x86: {  	_ =	shalt  }
0x87: {  	_ =	shalt  }
.Lfunc_end0:
.L_simem_size_0:
called_computation.1_lowered:
.L_overlay_start_0:
0x88: {  	s2 =	sld [smem:$0x3FD9]  }
0x89: {  	s3 =	sld [smem:$0x3FFE];
	_ =	sdelay $0x1  }
0x8a: {  	s1 =	srdreg.scid  }
0x8b: {  	s0 =	sand.u32 $0x1, s1  }
0x8c: {  	s16 =	sshll.u32 s0, $0xA;
	s2 =	sadd.s32 s3, s2  }
0x8d: {  	s2 =	sadd.s32 s2, s16  }
0x8e: {  	[smem:$0x3FB4] =	sst s2  }
0x8f: {  	_ = 	snop  }
0x90: {  	(tm) =	ssettm $0x1  }
0x91: {  	s17 =	sld [smem:$0x3FFB];
	_ =	sdelay $0x3  }
0x92: {  	_ =	strace s17  }
0x93: {  	s2 =	sld [smem:$0x3FFC];
	_ =	sdelay $0x3  }
0x94: {  	_ =	strace s2  }
0x95: {  	s2 =	sld [smem:$0x3FFD];
	_ =	sdelay $0x3  }
0x96: {  	_ =	strace s2  }
0x97: {  	_ =	strace $0x8FFFFFFF  }
0x98: {  	s18 =	sld [smem:$0x3FDB];
	_ =	sdelay $0x1  }
0x99: {  	s19 =	simm.s32 $_scs_section_size  }
0x9a: {  	s4 =	simm.s32 $_size__tile_overlayer_lowered;
	s5 =	simm.s32 $_tile_overlayer_lowered  }
0x9b: {  	s22 =	simm.s32 $0x1BFF;
	s21 =	sshll.u32 s5, $0x1;
	s2 =	sadd.s32 s19, s18  }
0x9c: {  	s6 =	simm.s32 $0x0;
	s20 =	sshll.u32 s4, $0x1;
	s4 =	sadd.s32 s21, s2  }
0x9d: {  	[timem:s6], [sflag:s22] =	dma.local [hbm:s4], s20  }
0x9e: {  	_ =	swait.ge [sflag:s22], s20  }
0x9f: {  	s3 =	ssub.s32 $0x0, s20;
	[sflag:s22] =	ssyncset.done $0x0  }
0xa0: {  	[sflag:s22] =	ssyncadd.s32 s3;
	_ =	sdelay $0x1  }
0xa1: {  	s23 =	simm.s32 $0x1B8B  }
0xa2: {  	_ =	swait.ge [sflag:s23], $0x1  }
0xa3: {  	[sflag:s23] =	ssyncset.done $0x0  }
0xa4: {  	s25 =	simm.s32 $0x1B8E;
	s24 =	sld [smem:$0x3FFE];
	[sflag:s23] =	ssyncadd.s32 $0xFFFFFFFF  }
0xa5: {  	s26 =	simm.s32 $execute0_lowered;
	[smem:$0x3FD2] =	sst s25  }
0xa6: {  	s4 =	sshll.u32 s26, $0x1;
	_ =	strace $0x80000049;
	[dreg:$0x1] =	wrdreg $0xFFFFFFFF  }
0xa7: {  	s28 =	simm.s32 $_size_execute0_lowered;
	s2 =	sadd.s32 s2, s4;
	[dreg:$0x0] =	wrdreg $0x0  }
0xa8: {  	s4 =	sshll.u32 s28, $0x1;
	[dreg:$0x2] =	wrdreg s2  }
0xa9: {  	[dreg:$0x3] =	wrdreg s4  }
0xaa: {  	[dreg:$0x4] =	wrdreg $0xC0  }
0xab: {  	_ =	task [dreg:s6], $0x5FFFF  }
0xac: {  	[dreg:$0x1] =	wrdreg $0xFFFFFFFF  }
0xad: {  	[dreg:$0x0] =	wrdreg $0x60  }
0xae: {  	[dreg:$0x2] =	wrdreg s24  }
0xaf: {  	[dreg:$0x3] =	wrdreg $0x0  }
0xb0: {  	[dreg:$0x4] =	wrdreg $0xA0000  }
0xb1: {  	[dreg:$0x5] =	wrdreg $0x9  }
0xb2: {  	_ =	task.clear_ibuf [dreg:s6], $0x6FFFF;
	_ =	strace $0x90000049  }
0xb3: {  	s29 =	simm.s32 $0x9;
	_ =	strace $0x8000004B  }
0xb4: {  	_ =	swait.ge [sflag:s29], $0x1  }
0xb5: {  	[sflag:s29] =	ssyncadd.s32 $0xFFFFFFFF  }
0xb6: {  	_ =	strace $0x9000004B  }
0xb7: {  	_ =	sfence  }
0xb8: {  	s30 =	sld [smem:$0x0];
	_ =	sdelay $0x2  }
0xb9: {  	s31 =	sshll.u32 s1, $0xD;
	s1 =	sshrl.u32 s1, $0x2  }
0xba: {  	s3 =	sand.u32 $0x4000, s31;
	s1 =	sadd.s32 s1, s30  }
0xbb: {  	s0 =	sor.u32 s3, s0;
	s1 =	sshll.u32 s1, $0x11  }
0xbc: {  	s0 =	sor.u32 s1, s0  }
0xbd: {  	s0 =	sadd.s32 $0x8F2B, s0  }
0xbe: {  	[sflag:s0] =	ssyncadd.remote.s32 $0x1  }
0xbf: {  	_ =	sfence.sel $0xFFFF  }
0xc0: {  	[dreg:$0x0] =	wrdreg $0xFFFFFFFF;
	(pc) =	sbr.abs _section_cstart, $3  }
0xc1: {  	[dreg:$0x1] =	wrdreg $0xFFFFFFFF  }
0xc2: {  	_ =	task.clear_ibuf [dreg:s6], $0x2FFFF;
	_ =	strace $0x9FFFFFFF  }
0xc3: {  	(tm) =	ssettm $0x7FFFFFFF  }
tec
execute0_lowered:
.L_overlay_start_1:
0x0: {  	(tag) =	ssettag $0x1  }
0x1: {  	s0 =	rddreg [dreg:$0x0]  }
0x2: {  	s1 =	rddreg [dreg:$0x1]  }
0x3: {  	s2 =	rddreg [dreg:$0x2];
	s3 =	simm.s32 $0x0;
	s4 =	srdreg.scid  }
0x4: {  	s23 =	stileid.u32;
	[smem:$0x7FF] =	sst s3  }
0x5: {  	s7 =	sadd.s32 $0x4600, s0;
	s4 =	sand.u32 $0x1, s4;
	s5 =	sadd.s32 $0x7E7E00, s0  }
0x6: {  	s9 =	smul.u32 $0x14000, s23;
	s6 =	sadd.s32 $0x2D3E00, s0;
	s12 =	sadd.s32 $0x54600, s0  }
0x7: {  	_ =	strace $0x8000004A;
	s8 =	ssub.s32 $0x2, s4;
	s11 =	smul.u32 $0x140000, s4  }
0x8: {  	s4 =	smul.u32 $0x1400000, s4;
	s10 =	sshrl.u32 s8, $0x1;
	s13 =	sadd.s32 $0x4000, s9  }
0x9: {  	s14 =	sadd.s32 $0x8000, s9;
	s15 =	sadd.s32 $0xC000, s9;
	s16 =	sadd.s32 $0x10000, s9  }
0xa: {  	s8 =	ssub.s32 s8, s10;
	s20 =	sadd.s32 s9, s11;
	s21 =	sadd.s32 s11, s13  }
0xb: {  	s22 =	sadd.s32 s11, s14;
	s25 =	sadd.s32 s11, s15;
	s11 =	sadd.s32 s11, s16  }
0xc: {  	s29 =	sadd.s32 s16, s2;
	s30 =	sadd.s32 s16, s1;
	s16 =	simm.s32 $0x2  }
0xd: {  	s17 =	sshrl.u32 s20, $0x3;
	s24 =	sshrl.u32 s22, $0x3;
	s20 =	smul.u32 $0x140000, s23  }
0xe: {  	s26 =	sshrl.u32 s25, $0x3;
	s11 =	sshrl.u32 s11, $0x3;
	s25 =	sadd.s32 s13, s1  }
0xf: {  	s31 =	smax.u32 s8, $0x1;
	s18 =	sadd.s32 s7, s17;
	[dreg:$0x10] =	wrdreg s25  }
0x10: {  	s8 =	simm.s32 $0x18100;
	s28 =	sadd.s32 s7, s26;
	[dreg:$0x4] =	wrdreg s18  }
0x11: {  	s17 =	sadd.s32 s12, s17;
	s22 =	sadd.s32 s12, s11;
	[dreg:$0x7] =	wrdreg s28  }
0x12: {  	s18 =	sshrl.u32 s21, $0x3;
	s21 =	sadd.s32 s7, s24;
	[dreg:$0x9] =	wrdreg s17  }
0x13: {  	s10 =	sadd.s32 s20, s4;
	s20 =	sadd.s32 s12, s24;
	[dreg:$0xd] =	wrdreg s22  }
0x14: {  	s24 =	sadd.s32 s9, s1;
	s22 =	sadd.s32 s13, s2;
	s28 =	sadd.s32 s15, s1  }
0x15: {  	s4 =	simm.s32 $0x1A100;
	s13 =	simm.s32 $0x80;
	[dreg:$0x6] =	wrdreg s21  }
0x16: {  	s17 =	simm.s32 $0x0;
	s19 =	sadd.s32 s7, s18;
	[dreg:$0xb] =	wrdreg s20  }
0x17: {  	s7 =	sadd.s32 s7, s11;
	s18 =	sadd.s32 s12, s18;
	[dreg:$0xf] =	wrdreg s24  }
0x18: {  	s21 =	sadd.s32 s12, s26;
	s20 =	sadd.s32 s9, s2;
	[dreg:$0x12] =	wrdreg s28  }
0x19: {  	s24 =	sadd.s32 s14, s2;
	s26 =	sadd.s32 s14, s1;
	[dreg:$0x5] =	wrdreg s19  }
0x1a: {  	s9 =	simm.s32 $0x14000;
	s11 =	simm.s32 $0x14080;
	[dreg:$0x8] =	wrdreg s7  }
0x1b: {  	s12 =	simm.s32 $0x3;
	s14 =	simm.s32 $0x14100;
	[dreg:$0xa] =	wrdreg s18  }
0x1c: {  	[dreg:$0xc] =	wrdreg s21;
	s18 =	sadd.s32 $0x2DDE00, s0;
	s0 =	sadd.s32 $0x3E00, s0  }
0x1d: {  	[dreg:$0x11] =	wrdreg s26;
	s26 =	sadd.s32 s15, s2;
	s7 =	simm.s32 $0x4  }
0x1e: {  	s15 =	simm.s32 $0x1;
	[dreg:$0xe] =	wrdreg s0;
	s0 =	smul.u32 $0x5000, s23  }
.LBB2_1:
0x1f: {  	s19 =	rddreg [dreg:$0xe]  }
0x20: {  	[tilespmem:s4], [sflag:$0x4] =	stream.linear.gather [hbm4b:s19+s3], $0x4000, $0x38;
	[tilespmem:$0x1E100] =	vst v63  }
0x21: {  	_ =	swait.ge [sflag:s7], $0x4000  }
0x22: {  	[sflag:s7] =	ssyncset.done $0x0  }
0x23: {  	[sflag:s7] =	ssyncadd.s32 $0xFFFFC000  }
0x24: {  	[spmem:s20] =	stream.linear.scatter [tilespmem:s4], [sflag:$0x4], $0x4000, $0x38;
	[tilespmem:$0x1E100] =	vst v63  }
0x25: {  	_ =	swait.ge [sflag:s7], $0x4000  }
0x26: {  	[sflag:s7] =	ssyncset.done $0x0  }
0x27: {  	[sflag:s7] =	ssyncadd.s32 $0xFFFFC000  }
0x28: {  	[spmem:s22] =	stream.linear.scatter [tilespmem:s4], [sflag:$0x4], $0x4000, $0x38;
	[tilespmem:$0x1E100] =	vst v63  }
0x29: {  	_ =	swait.ge [sflag:s7], $0x4000  }
0x2a: {  	[sflag:s7] =	ssyncset.done $0x0  }
0x2b: {  	[sflag:s7] =	ssyncadd.s32 $0xFFFFC000  }
0x2c: {  	[spmem:s24] =	stream.linear.scatter [tilespmem:s4], [sflag:$0x4], $0x4000, $0x38;
	[tilespmem:$0x1E100] =	vst v63  }
0x2d: {  	_ =	swait.ge [sflag:s7], $0x4000  }
0x2e: {  	[sflag:s7] =	ssyncset.done $0x0  }
0x2f: {  	[sflag:s7] =	ssyncadd.s32 $0xFFFFC000  }
0x30: {  	[spmem:s26] =	stream.linear.scatter [tilespmem:s4], [sflag:$0x4], $0x4000, $0x38;
	[tilespmem:$0x1E100] =	vst v63  }
0x31: {  	_ =	swait.ge [sflag:s7], $0x4000  }
0x32: {  	[sflag:s7] =	ssyncset.done $0x0  }
0x33: {  	[sflag:s7] =	ssyncadd.s32 $0xFFFFC000  }
0x34: {  	[spmem:s29] =	stream.linear.scatter [tilespmem:s4], [sflag:$0x4], $0x4000, $0x38;
	[tilespmem:$0x1E100] =	vst v63  }
0x35: {  	_ =	swait.ge [sflag:s7], $0x4000  }
0x36: {  	[sflag:s7] =	ssyncset.done $0x0  }
0x37: {  	s28 =	rddreg [dreg:$0x4];
	[sflag:s7] =	ssyncadd.s32 $0xFFFFC000  }
0x38: {  	[tilespmem:s4], [sflag:$0x4] =	stream.linear.gather [hbm4b:s28+s3], $0x4000, $0x38;
	[tilespmem:$0x1E100] =	vst v63  }
0x39: {  	_ =	swait.ge [sflag:s7], $0x4000  }
0x3a: {  	[sflag:s7] =	ssyncset.done $0x0  }
0x3b: {  	s21 =	rddreg [dreg:$0xf];
	[sflag:s7] =	ssyncadd.s32 $0xFFFFC000  }
0x3c: {  	[spmem:s21] =	stream.linear.scatter [tilespmem:s4], [sflag:$0x4], $0x4000, $0x38;
	[tilespmem:$0x1E100] =	vst v63  }
0x3d: {  	_ =	swait.ge [sflag:s7], $0x4000  }
0x3e: {  	[sflag:s7] =	ssyncset.done $0x0  }
0x3f: {  	s23 =	rddreg [dreg:$0x5];
	[sflag:s7] =	ssyncadd.s32 $0xFFFFC000  }
0x40: {  	[tilespmem:s4], [sflag:$0x4] =	stream.linear.gather [hbm4b:s23+s3], $0x4000, $0x38;
	[tilespmem:$0x1E100] =	vst v63  }
0x41: {  	_ =	swait.ge [sflag:s7], $0x4000  }
0x42: {  	[sflag:s7] =	ssyncset.done $0x0  }
0x43: {  	s25 =	rddreg [dreg:$0x10];
	[sflag:s7] =	ssyncadd.s32 $0xFFFFC000  }
0x44: {  	[spmem:s25] =	stream.linear.scatter [tilespmem:s4], [sflag:$0x4], $0x4000, $0x38;
	[tilespmem:$0x1E100] =	vst v63  }
0x45: {  	_ =	swait.ge [sflag:s7], $0x4000  }
0x46: {  	[sflag:s7] =	ssyncset.done $0x0  }
0x47: {  	s28 =	rddreg [dreg:$0x6];
	[sflag:s7] =	ssyncadd.s32 $0xFFFFC000  }
0x48: {  	[tilespmem:s4], [sflag:$0x4] =	stream.linear.gather [hbm4b:s28+s3], $0x4000, $0x38;
	[tilespmem:$0x1E100] =	vst v63  }
0x49: {  	_ =	swait.ge [sflag:s7], $0x4000  }
0x4a: {  	[sflag:s7] =	ssyncset.done $0x0  }
0x4b: {  	s21 =	rddreg [dreg:$0x11];
	[sflag:s7] =	ssyncadd.s32 $0xFFFFC000  }
0x4c: {  	[spmem:s21] =	stream.linear.scatter [tilespmem:s4], [sflag:$0x4], $0x4000, $0x38;
	[tilespmem:$0x1E100] =	vst v63  }
0x4d: {  	_ =	swait.ge [sflag:s7], $0x4000  }
0x4e: {  	[sflag:s7] =	ssyncset.done $0x0  }
0x4f: {  	s23 =	rddreg [dreg:$0x7];
	[sflag:s7] =	ssyncadd.s32 $0xFFFFC000  }
0x50: {  	[tilespmem:s4], [sflag:$0x4] =	stream.linear.gather [hbm4b:s23+s3], $0x4000, $0x38;
	[tilespmem:$0x1E100] =	vst v63  }
0x51: {  	_ =	swait.ge [sflag:s7], $0x4000  }
0x52: {  	[sflag:s7] =	ssyncset.done $0x0  }
0x53: {  	s25 =	rddreg [dreg:$0x12];
	[sflag:s7] =	ssyncadd.s32 $0xFFFFC000  }
0x54: {  	[spmem:s25] =	stream.linear.scatter [tilespmem:s4], [sflag:$0x4], $0x4000, $0x38;
	[tilespmem:$0x1E100] =	vst v63  }
0x55: {  	_ =	swait.ge [sflag:s7], $0x4000  }
0x56: {  	[sflag:s7] =	ssyncset.done $0x0  }
0x57: {  	s28 =	rddreg [dreg:$0x8];
	[sflag:s7] =	ssyncadd.s32 $0xFFFFC000  }
0x58: {  	[tilespmem:s4], [sflag:$0x4] =	stream.linear.gather [hbm4b:s28+s3], $0x4000, $0x38;
	[tilespmem:$0x1E100] =	vst v63  }
0x59: {  	_ =	swait.ge [sflag:s7], $0x4000  }
0x5a: {  	[sflag:s7] =	ssyncset.done $0x0  }
0x5b: {  	[sflag:s7] =	ssyncadd.s32 $0xFFFFC000  }
0x5c: {  	[spmem:s30] =	stream.linear.scatter [tilespmem:s4], [sflag:$0x4], $0x4000, $0x38;
	[tilespmem:$0x1E100] =	vst v63  }
0x5d: {  	_ =	swait.ge [sflag:s7], $0x4000  }
0x5e: {  	[sflag:s7] =	ssyncset.done $0x0  }
0x5f: {  	[sflag:s7] =	ssyncadd.s32 $0xFFFFC000  }
0x60: {  	s19 =	simm.s32 $0x0;
	[bflag:$0x0] =	sbarrier.arrive $0xFFFF  }
.LBB2_2:
0x61: {  	s21 =	sshll.u32 s19, $0xD  }
0x62: {  	s21 =	sadd.s32 s21, s10  }
0x63: {  	s25 =	sshll.u32 s19, $0x7;
	s21 =	sshrl.u32 s21, $0x3  }
0x64: {  	s23 =	sand.u32 $0x7C00, s25;
	s21 =	sadd.s32 s5, s21  }
0x65: {  	[tilespmem:s8], [sflag:$0x1] =	stream.linear.gather [hbm4b:s21+s3], $0x2000, $0x38;
	[tilespmem:$0x1E100] =	vst v63  }
0x66: {  	s23 =	sadd.s32 s0, s23;
	s21 =	sand.u32 $0x380, s25  }
0x67: {  	s21 =	sor.u32 s21, s23  }
0x68: {  	s21 =	sshrl.u32 s21, $0x3  }
0x69: {  	s25 =	sadd.s32 s6, s21  }
0x6a: {  	[tilespmem:s9], [sflag:$0x3] =	stream.linear.gather [hbm4b:s25+s3], $0x80, $0x38;
	[tilespmem:$0x1E100] =	vst v63  }
0x6b: {  	s21 =	sadd.s32 s18, s21  }
0x6c: {  	[tilespmem:s11], [sflag:$0x4] =	stream.linear.gather [hbm4b:s21+s3], $0x80, $0x38;
	[tilespmem:$0x1E100] =	vst v63  }
0x6d: {  	_ =	swait.ge [sflag:s7], $0x80  }
0x6e: {  	[sflag:s7] =	ssyncset.done $0x0  }
0x6f: {  	[sflag:s7] =	ssyncadd.s32 $0xFFFFFF80  }
0x70: {  	_ =	swait.ge [sflag:s12], $0x80  }
0x71: {  	[sflag:s12] =	ssyncset.done $0x0  }
0x72: {  	[sflag:s12] =	ssyncadd.s32 $0xFFFFFF80  }
0x73: {  	[tilespmem:s14], [sflag:$0x2] =	stream.indirect.gather [spmem:s1], $0x40, s9, s13, $0xb8;
	[tilespmem:$0x1E100] =	vst v63  }
0x74: {  	_ =	swait.ge [sflag:s15], $0x2000  }
0x75: {  	[sflag:s15] =	ssyncset.done $0x0  }
0x76: {  	[sflag:s15] =	ssyncadd.s32 $0xFFFFE000  }
0x77: {  	_ =	swait.ge [sflag:s16], $0x2000  }
0x78: {  	[sflag:s16] =	ssyncset.done $0x0  }
0x79: {  	s21 =	simm.s32 $0x14200;
	[sflag:s16] =	ssyncadd.s32 $0xFFFFE000  }
0x7a: {  	s23 =	simm.s32 $0x18180;
	v0 =	vld [tilespmem:s21+$0xFFFFFF00]  }
0x7b: {  	v1 =	vld [tilespmem:s23+$0xFFFFFF80];
	_ =	sdelay $0x4  }
0x7c: {  	v0 =	vadd.f32 v1, v0;
	_ =	sdelay $0x1  }
0x7d: {  	v0 =	vmax.f32 v0, $0.0e+00  }
0x7e: {  	[tilespmem:s21+$0xFFFFFF00] =	vst v0;
	v0 =	vld [tilespmem:s21+$0xFFFFFF10]  }
0x7f: {  	v1 =	vld [tilespmem:s23+$0xFFFFFF90];
	_ =	sdelay $0x4  }
0x80: {  	v0 =	vadd.f32 v1, v0;
	_ =	sdelay $0x1  }
0x81: {  	v0 =	vmax.f32 v0, $0.0e+00  }
0x82: {  	[tilespmem:s21+$0xFFFFFF10] =	vst v0;
	v0 =	vld [tilespmem:s21+$0xFFFFFF20]  }
0x83: {  	v1 =	vld [tilespmem:s23+$0xFFFFFFA0];
	_ =	sdelay $0x4  }
0x84: {  	v0 =	vadd.f32 v1, v0;
	_ =	sdelay $0x1  }
0x85: {  	v0 =	vmax.f32 v0, $0.0e+00  }
0x86: {  	[tilespmem:s21+$0xFFFFFF20] =	vst v0;
	v0 =	vld [tilespmem:s21+$0xFFFFFF30]  }
0x87: {  	v1 =	vld [tilespmem:s23+$0xFFFFFFB0];
	_ =	sdelay $0x4  }
0x88: {  	v0 =	vadd.f32 v1, v0;
	_ =	sdelay $0x1  }
0x89: {  	v0 =	vmax.f32 v0, $0.0e+00  }
0x8a: {  	[tilespmem:s21+$0xFFFFFF30] =	vst v0;
	v0 =	vld [tilespmem:s21+$0xFFFFFF80]  }
0x8b: {  	v1 =	vld [tilespmem:s23+$0xFFFFFFC0];
	_ =	sdelay $0x4  }
0x8c: {  	v0 =	vadd.f32 v1, v0;
	_ =	sdelay $0x1  }
0x8d: {  	v0 =	vmax.f32 v0, $0.0e+00  }
0x8e: {  	[tilespmem:s21+$0xFFFFFF80] =	vst v0;
	v0 =	vld [tilespmem:s21+$0xFFFFFF90]  }
0x8f: {  	v1 =	vld [tilespmem:s23+$0xFFFFFFD0];
	_ =	sdelay $0x4  }
0x90: {  	v0 =	vadd.f32 v1, v0;
	_ =	sdelay $0x1  }
0x91: {  	v0 =	vmax.f32 v0, $0.0e+00  }
0x92: {  	[tilespmem:s21+$0xFFFFFF90] =	vst v0;
	v0 =	vld [tilespmem:s21+$0xFFFFFFA0]  }
0x93: {  	v1 =	vld [tilespmem:s23+$0xFFFFFFE0];
	_ =	sdelay $0x4  }
0x94: {  	v0 =	vadd.f32 v1, v0;
	_ =	sdelay $0x1  }
0x95: {  	v0 =	vmax.f32 v0, $0.0e+00  }
0x96: {  	[tilespmem:s21+$0xFFFFFFA0] =	vst v0;
	v0 =	vld [tilespmem:s21+$0xFFFFFFB0]  }
0x97: {  	v1 =	vld [tilespmem:s23+$0xFFFFFFF0];
	_ =	sdelay $0x4  }
0x98: {  	v0 =	vadd.f32 v1, v0;
	_ =	sdelay $0x1  }
0x99: {  	v0 =	vmax.f32 v0, $0.0e+00  }
0x9a: {  	[tilespmem:s21+$0xFFFFFFB0] =	vst v0;
	v0 =	vld [tilespmem:s21+$0x0]  }
0x9b: {  	v1 =	vld [tilespmem:s23+$0x0];
	_ =	sdelay $0x4  }
0x9c: {  	v0 =	vadd.f32 v1, v0;
	_ =	sdelay $0x1  }
0x9d: {  	v0 =	vmax.f32 v0, $0.0e+00  }
0x9e: {  	[tilespmem:s21+$0x0] =	vst v0;
	v0 =	vld [tilespmem:s21+$0x10]  }
0x9f: {  	v1 =	vld [tilespmem:s23+$0x10];
	_ =	sdelay $0x4  }
0xa0: {  	v0 =	vadd.f32 v1, v0;
	_ =	sdelay $0x1  }
0xa1: {  	v0 =	vmax.f32 v0, $0.0e+00  }
0xa2: {  	[tilespmem:s21+$0x10] =	vst v0;
	v0 =	vld [tilespmem:s21+$0x20]  }
0xa3: {  	v1 =	vld [tilespmem:s23+$0x20];
	_ =	sdelay $0x4  }
0xa4: {  	v0 =	vadd.f32 v1, v0;
	_ =	sdelay $0x1  }
0xa5: {  	v0 =	vmax.f32 v0, $0.0e+00  }
0xa6: {  	[tilespmem:s21+$0x20] =	vst v0;
	v0 =	vld [tilespmem:s21+$0x30]  }
0xa7: {  	v1 =	vld [tilespmem:s23+$0x30];
	_ =	sdelay $0x4  }
0xa8: {  	v0 =	vadd.f32 v1, v0;
	_ =	sdelay $0x1  }
0xa9: {  	v0 =	vmax.f32 v0, $0.0e+00  }
0xaa: {  	[tilespmem:s21+$0x30] =	vst v0;
	v0 =	vld [tilespmem:s21+$0x80]  }
0xab: {  	v1 =	vld [tilespmem:s23+$0x40];
	_ =	sdelay $0x4  }
0xac: {  	v0 =	vadd.f32 v1, v0;
	_ =	sdelay $0x1  }
0xad: {  	v0 =	vmax.f32 v0, $0.0e+00  }
0xae: {  	[tilespmem:s21+$0x80] =	vst v0;
	v0 =	vld [tilespmem:s21+$0x90]  }
0xaf: {  	v1 =	vld [tilespmem:s23+$0x50];
	_ =	sdelay $0x4  }
0xb0: {  	v0 =	vadd.f32 v1, v0;
	_ =	sdelay $0x1  }
0xb1: {  	v0 =	vmax.f32 v0, $0.0e+00  }
0xb2: {  	[tilespmem:s21+$0x90] =	vst v0;
	v0 =	vld [tilespmem:s21+$0xA0]  }
0xb3: {  	v1 =	vld [tilespmem:s23+$0x60];
	_ =	sdelay $0x4  }
0xb4: {  	v0 =	vadd.f32 v1, v0;
	_ =	sdelay $0x1  }
0xb5: {  	v0 =	vmax.f32 v0, $0.0e+00  }
0xb6: {  	[tilespmem:s21+$0xA0] =	vst v0;
	v0 =	vld [tilespmem:s21+$0xB0]  }
0xb7: {  	v1 =	vld [tilespmem:s23+$0x70];
	_ =	sdelay $0x4  }
0xb8: {  	v0 =	vadd.f32 v1, v0;
	_ =	sdelay $0x1  }
0xb9: {  	s28 =	simm.s32 $0x14400;
	s25 =	simm.s32 $0x0;
	v0 =	vmax.f32 v0, $0.0e+00  }
.LBB2_3:
0xba: {  	v1 =	vld [tilespmem:s28+$0xFFFFFF00];
	[tilespmem:s21+$0xB0] =	vst v0;
	s23 =	sadd.s32 $0x100, s23;
	s21 =	smov.u32 s28  }
0xbb: {  	s25 =	sadd.s32 $0x2, s25;
	v0 =	vld [tilespmem:s23+$0xFFFFFF80]  }
0xbc: {  	p0 =	slt.u32 s25, $0x3E;
	_ =	sdelay $0x3  }
0xbd: {  	v0 =	vadd.f32 v0, v1;
	_ =	sdelay $0x1  }
0xbe: {  	v0 =	vmax.f32 v0, $0.0e+00  }
0xbf: {  	[tilespmem:s28+$0xFFFFFF00] =	vst v0;
	v0 =	vld [tilespmem:s28+$0xFFFFFF10]  }
0xc0: {  	v1 =	vld [tilespmem:s23+$0xFFFFFF90];
	_ =	sdelay $0x4  }
0xc1: {  	v0 =	vadd.f32 v1, v0;
	_ =	sdelay $0x1  }
0xc2: {  	v0 =	vmax.f32 v0, $0.0e+00  }
0xc3: {  	[tilespmem:s28+$0xFFFFFF10] =	vst v0;
	v0 =	vld [tilespmem:s28+$0xFFFFFF20]  }
0xc4: {  	v1 =	vld [tilespmem:s23+$0xFFFFFFA0];
	_ =	sdelay $0x4  }
0xc5: {  	v0 =	vadd.f32 v1, v0;
	_ =	sdelay $0x1  }
0xc6: {  	v0 =	vmax.f32 v0, $0.0e+00  }
0xc7: {  	[tilespmem:s28+$0xFFFFFF20] =	vst v0;
	v0 =	vld [tilespmem:s28+$0xFFFFFF30]  }
0xc8: {  	v1 =	vld [tilespmem:s23+$0xFFFFFFB0];
	_ =	sdelay $0x4  }
0xc9: {  	v0 =	vadd.f32 v1, v0;
	_ =	sdelay $0x1  }
0xca: {  	v0 =	vmax.f32 v0, $0.0e+00  }
0xcb: {  	[tilespmem:s28+$0xFFFFFF30] =	vst v0;
	v0 =	vld [tilespmem:s28+$0xFFFFFF80]  }
0xcc: {  	v1 =	vld [tilespmem:s23+$0xFFFFFFC0];
	_ =	sdelay $0x4  }
0xcd: {  	v0 =	vadd.f32 v1, v0;
	_ =	sdelay $0x1  }
0xce: {  	v0 =	vmax.f32 v0, $0.0e+00  }
0xcf: {  	[tilespmem:s28+$0xFFFFFF80] =	vst v0;
	v0 =	vld [tilespmem:s28+$0xFFFFFF90]  }
0xd0: {  	v1 =	vld [tilespmem:s23+$0xFFFFFFD0];
	_ =	sdelay $0x4  }
0xd1: {  	v0 =	vadd.f32 v1, v0;
	_ =	sdelay $0x1  }
0xd2: {  	v0 =	vmax.f32 v0, $0.0e+00  }
0xd3: {  	[tilespmem:s28+$0xFFFFFF90] =	vst v0;
	v0 =	vld [tilespmem:s28+$0xFFFFFFA0]  }
0xd4: {  	v1 =	vld [tilespmem:s23+$0xFFFFFFE0];
	_ =	sdelay $0x4  }
0xd5: {  	v0 =	vadd.f32 v1, v0;
	_ =	sdelay $0x1  }
0xd6: {  	v0 =	vmax.f32 v0, $0.0e+00  }
0xd7: {  	[tilespmem:s28+$0xFFFFFFA0] =	vst v0;
	v0 =	vld [tilespmem:s28+$0xFFFFFFB0]  }
0xd8: {  	v1 =	vld [tilespmem:s23+$0xFFFFFFF0];
	_ =	sdelay $0x4  }
0xd9: {  	v0 =	vadd.f32 v1, v0;
	_ =	sdelay $0x1  }
0xda: {  	v0 =	vmax.f32 v0, $0.0e+00  }
0xdb: {  	[tilespmem:s28+$0xFFFFFFB0] =	vst v0;
	v0 =	vld [tilespmem:s28+$0x0]  }
0xdc: {  	v1 =	vld [tilespmem:s23+$0x0];
	_ =	sdelay $0x4  }
0xdd: {  	v0 =	vadd.f32 v1, v0;
	_ =	sdelay $0x1  }
0xde: {  	v0 =	vmax.f32 v0, $0.0e+00  }
0xdf: {  	[tilespmem:s28+$0x0] =	vst v0;
	v0 =	vld [tilespmem:s28+$0x10]  }
0xe0: {  	v1 =	vld [tilespmem:s23+$0x10];
	_ =	sdelay $0x4  }
0xe1: {  	v0 =	vadd.f32 v1, v0;
	_ =	sdelay $0x1  }
0xe2: {  	v0 =	vmax.f32 v0, $0.0e+00  }
0xe3: {  	[tilespmem:s28+$0x10] =	vst v0;
	v0 =	vld [tilespmem:s28+$0x20]  }
0xe4: {  	v1 =	vld [tilespmem:s23+$0x20];
	_ =	sdelay $0x4  }
0xe5: {  	v0 =	vadd.f32 v1, v0;
	_ =	sdelay $0x1  }
0xe6: {  	v0 =	vmax.f32 v0, $0.0e+00  }
0xe7: {  	[tilespmem:s28+$0x20] =	vst v0;
	v0 =	vld [tilespmem:s28+$0x30]  }
0xe8: {  	v1 =	vld [tilespmem:s23+$0x30];
	_ =	sdelay $0x4  }
0xe9: {  	v0 =	vadd.f32 v1, v0;
	_ =	sdelay $0x1  }
0xea: {  	v0 =	vmax.f32 v0, $0.0e+00  }
0xeb: {  	[tilespmem:s28+$0x30] =	vst v0;
	v0 =	vld [tilespmem:s28+$0x80]  }
0xec: {  	v1 =	vld [tilespmem:s23+$0x40];
	_ =	sdelay $0x4  }
0xed: {  	v0 =	vadd.f32 v1, v0;
	_ =	sdelay $0x1  }
0xee: {  	v0 =	vmax.f32 v0, $0.0e+00  }
0xef: {  	[tilespmem:s28+$0x80] =	vst v0;
	v0 =	vld [tilespmem:s28+$0x90]  }
0xf0: {  	v1 =	vld [tilespmem:s23+$0x50];
	_ =	sdelay $0x4  }
0xf1: {  	v0 =	vadd.f32 v1, v0;
	_ =	sdelay $0x1  }
0xf2: {  	v0 =	vmax.f32 v0, $0.0e+00  }
0xf3: {  	[tilespmem:s28+$0x90] =	vst v0;
	v0 =	vld [tilespmem:s28+$0xA0]  }
0xf4: {  	v1 =	vld [tilespmem:s23+$0x60];
	_ =	sdelay $0x4  }
0xf5: {  	v0 =	vadd.f32 v1, v0;
	_ =	sdelay $0x1  }
0xf6: {  	v0 =	vmax.f32 v0, $0.0e+00  }
0xf7: {  	[tilespmem:s28+$0xA0] =	vst v0;
	v0 =	vld [tilespmem:s28+$0xB0]  }
0xf8: {  	v1 =	vld [tilespmem:s23+$0x70];
	_ =	sdelay $0x2  }
.Ltmp0:
0xf9: {  	(pc) =	sbr.rel @p0 .LBB2_3-.Ltmp0, $3  }
0xfa: {  	_ = 	snop  }
0xfb: {  	v0 =	vadd.f32 v1, v0;
	_ =	sdelay $0x1  }
0xfc: {  	s28 =	sadd.s32 $0x200, s28;
	v0 =	vmax.f32 v0, $0.0e+00  }
0xfd: {  	s19 =	sadd.s32 $0x1, s19  }
0xfe: {  	p0 =	sne.s32 s19, $0xA0  }
.Ltmp1:
0xff: {  	[tilespmem:s21+$0xB0] =	vst v0;
	(pc) =	sbr.rel @p0 .LBB2_2-.Ltmp1, $4  }
0x100: {  	[spmem:s2] =	stream.indirect.scatter.add.f32 [tilespmem:s14], [sflag:$0x4], $0x40, s11, s13, $0xb8;
	[tilespmem:$0x1E100] =	vst v63  }
0x101: {  	_ =	swait.ge [sflag:s7], $0x2000  }
0x102: {  	[sflag:s7] =	ssyncset.done $0x0  }
0x103: {  	[sflag:s7] =	ssyncadd.s32 $0xFFFFE000  }
0x104: {  	[bflag:$0x0] =	sbarrier.arrive $0xFFFF  }
0x105: {  	[tilespmem:s4], [sflag:$0x4] =	stream.linear.gather [spmem:s20], $0x4000, $0x38;
	[tilespmem:$0x1E100] =	vst v63  }
0x106: {  	_ =	swait.ge [sflag:s7], $0x4000  }
0x107: {  	[sflag:s7] =	ssyncset.done $0x0  }
0x108: {  	s19 =	rddreg [dreg:$0x9];
	[sflag:s7] =	ssyncadd.s32 $0xFFFFC000  }
0x109: {  	[hbm4b:s19+s3] =	stream.linear.scatter [tilespmem:s4], [sflag:$0x4], $0x4000, $0x38;
	[tilespmem:$0x1E100] =	vst v63  }
0x10a: {  	_ =	swait.ge [sflag:s7], $0x4000  }
0x10b: {  	[sflag:s7] =	ssyncset.done $0x0  }
0x10c: {  	[sflag:s7] =	ssyncadd.s32 $0xFFFFC000  }
0x10d: {  	[tilespmem:s4], [sflag:$0x4] =	stream.linear.gather [spmem:s22], $0x4000, $0x38;
	[tilespmem:$0x1E100] =	vst v63  }
0x10e: {  	_ =	swait.ge [sflag:s7], $0x4000  }
0x10f: {  	[sflag:s7] =	ssyncset.done $0x0  }
0x110: {  	s21 =	rddreg [dreg:$0xa];
	[sflag:s7] =	ssyncadd.s32 $0xFFFFC000  }
0x111: {  	[hbm4b:s21+s3] =	stream.linear.scatter [tilespmem:s4], [sflag:$0x4], $0x4000, $0x38;
	[tilespmem:$0x1E100] =	vst v63  }
0x112: {  	_ =	swait.ge [sflag:s7], $0x4000  }
0x113: {  	[sflag:s7] =	ssyncset.done $0x0  }
0x114: {  	[sflag:s7] =	ssyncadd.s32 $0xFFFFC000  }
0x115: {  	[tilespmem:s4], [sflag:$0x4] =	stream.linear.gather [spmem:s24], $0x4000, $0x38;
	[tilespmem:$0x1E100] =	vst v63  }
0x116: {  	_ =	swait.ge [sflag:s7], $0x4000  }
0x117: {  	[sflag:s7] =	ssyncset.done $0x0  }
0x118: {  	s23 =	rddreg [dreg:$0xb];
	[sflag:s7] =	ssyncadd.s32 $0xFFFFC000  }
0x119: {  	[hbm4b:s23+s3] =	stream.linear.scatter [tilespmem:s4], [sflag:$0x4], $0x4000, $0x38;
	[tilespmem:$0x1E100] =	vst v63  }
0x11a: {  	_ =	swait.ge [sflag:s7], $0x4000  }
0x11b: {  	[sflag:s7] =	ssyncset.done $0x0  }
0x11c: {  	[sflag:s7] =	ssyncadd.s32 $0xFFFFC000  }
0x11d: {  	[tilespmem:s4], [sflag:$0x4] =	stream.linear.gather [spmem:s26], $0x4000, $0x38;
	[tilespmem:$0x1E100] =	vst v63  }
0x11e: {  	_ =	swait.ge [sflag:s7], $0x4000  }
0x11f: {  	[sflag:s7] =	ssyncset.done $0x0  }
0x120: {  	s25 =	rddreg [dreg:$0xc];
	[sflag:s7] =	ssyncadd.s32 $0xFFFFC000  }
0x121: {  	[hbm4b:s25+s3] =	stream.linear.scatter [tilespmem:s4], [sflag:$0x4], $0x4000, $0x38;
	[tilespmem:$0x1E100] =	vst v63  }
0x122: {  	_ =	swait.ge [sflag:s7], $0x4000  }
0x123: {  	[sflag:s7] =	ssyncset.done $0x0  }
0x124: {  	[sflag:s7] =	ssyncadd.s32 $0xFFFFC000  }
0x125: {  	[tilespmem:s4], [sflag:$0x4] =	stream.linear.gather [spmem:s29], $0x4000, $0x38;
	[tilespmem:$0x1E100] =	vst v63  }
0x126: {  	s17 =	sadd.s32 $0x1, s17;
	_ =	swait.ge [sflag:s7], $0x4000  }
0x127: {  	p0 =	sne.s32 s17, s31;
	[sflag:s7] =	ssyncset.done $0x0  }
.Ltmp2:
0x128: {  	s28 =	rddreg [dreg:$0xd];
	[sflag:s7] =	ssyncadd.s32 $0xFFFFC000;
	(pc) =	sbr.rel @p0 .LBB2_1-.Ltmp2, $4  }
0x129: {  	[hbm4b:s28+s3] =	stream.linear.scatter [tilespmem:s4], [sflag:$0x4], $0x4000, $0x38;
	[tilespmem:$0x1E100] =	vst v63  }
0x12a: {  	_ =	swait.ge [sflag:s7], $0x4000  }
0x12b: {  	[sflag:s7] =	ssyncset.done $0x0  }
0x12c: {  	[sflag:s7] =	ssyncadd.s32 $0xFFFFC000  }
0x12d: {  	_ =	sfence.sel $0x180000  }
0x12e: {  	[bflag:$0x0] =	sbarrier.arrive $0xFFFF  }
0x12f: {  	_ =	strace $0x9000004A  }
0x130: {  	s0 =	stileid.u32;
	[bflag:$0x2] =	sbarrier.arrive $0xFFFF  }
0x131: {  	p0 =	sne.s32 s0, $0x0;
	s0 =	rddreg [dreg:$0x3]  }
0x132: {  	s0 =	sadd.s32 @!p0 $0x100000, s0  }
0x133: {  	[sflag:s0] =	ssyncadd.tile.s32 @!p0 $0x1;
	_ =	shalt  }
.Lfunc_end2:
_tile_overlayer_lowered:
.L_overlay_start_2:
0x134: {  	(tag) =	ssettag $0x2  }
0x135: {  	s0 =	rddreg [dreg:$0x0];
	s2 =	stileid.u32  }
0x136: {  	s1 =	rddreg [dreg:$0x1];
	p0 =	sne.s32 s2, $0x0  }
0x137: {  	s3 =	rddreg [dreg:$0x2];
	[bflag:$0x3] =	sbarrier.arrive $0xFFFF;
	s2 =	simm.s32 @!p0 $0x1C04  }
0x138: {  	[timem:s3], [sflag:s2] =	dma.local @!p0 [hbm:s0], s1  }
0x139: {  	s0 =	simm.s32 @!p0 $0x4  }
0x13a: {  	_ =	swait.ge @!p0 [sflag:s0], s1  }
0x13b: {  	s1 =	ssub.s32 @!p0 $0x0, s1;
	[sflag:s0] =	ssyncset.done @!p0 $0x0  }
0x13c: {  	[sflag:s0] =	ssyncadd.s32 @!p0 s1  }
0x13d: {  	[bflag:$0x3] =	sbarrier.arrive $0xFFFF  }
0x13e: {  	_ =	shalt  }

// kernel: kernel.8.cloned.1.call-start
scs
__scs_entry_jumppad:
0x0: {  	(pc) =	sbr.rel $0x88, $3  }
0x1: {  	(tag) =	ssettag $0x0;
	lr =	simm.s32 $0x1  }
0x2: {  	[smem:$0x3F8D] =	sst lr;
	_ =	strace $0xD0000000  }
0x3: {  	_ = 	snop  }
0x4: {  	_ = 	snop  }
0x5: {  	_ = 	snop  }
0x6: {  	_ = 	snop  }
0x7: {  	_ = 	snop  }
__scs_overlays_trampoline_lowered:
0x8: {  	[smem:$0x3F9C] =	sst s0  }
0x9: {  	[smem:$0x3F9D] =	sst s1  }
0xa: {  	[smem:$0x3F9E] =	sst s2  }
0xb: {  	[smem:$0x3F9F] =	sst s3  }
0xc: {  	[smem:$0x3FA0] =	sst s4  }
0xd: {  	[smem:$0x3FA1] =	sst s5  }
0xe: {  	[smem:$0x3FA2] =	sst s6  }
0xf: {  	[smem:$0x3FA3] =	sst s7  }
0x10: {  	[smem:$0x3FA4] =	sst s8  }
0x11: {  	[smem:$0x3FA5] =	sst s9;
	s0 =	simm.s32 @!p0 $0x0  }
0x12: {  	s1 =	sld [smem:$0x3F8B];
	s0 =	simm.s32 @p0 $0x1  }
0x13: {  	[smem:$0x3FA6] =	sst s0;
	s0 =	simm.s32 @!p1 $0x0  }
0x14: {  	s2 =	sld [smem:$0x3F8A];
	s0 =	simm.s32 @p1 $0x1  }
0x15: {  	[smem:$0x3FA7] =	sst s0;
	s0 =	simm.s32 @!p2 $0x0  }
0x16: {  	s3 =	sld [smem:$0x3FDB];
	s0 =	simm.s32 @p2 $0x1  }
0x17: {  	s4 =	simm.s32 $0x1BF5;
	[smem:$0x3FA9] =	sst s0  }
0x18: {  	s0 =	sld [smem:$0x3F8C];
	_ =	swait.ge [sflag:s4], $0x0  }
0x19: {  	s7 =	sld [smem:$0x3F8D]  }
0x1a: {  	s8 =	sadd.s32 $0xFFFFE003, lr  }
0x1b: {  	s9 =	sadd.s32 $0xFFFFFEF7, lr;
	s5 =	simm.s32 $0xFFFFFFFF;
	p2 =	slt.u32 s8, $0xFFFFF086  }
0x1c: {  	p1 =	slt.u32 s9, $0xF7A;
	s5 =	simm.s32 @!p2 $0x0  }
0x1d: {  	s5 =	simm.s32 @p1 $0x1;
	p0 =	seq.s32 s7, s2  }
0x1e: {  	s7 =	smul.u32 @!p0 $0xF7A, s2;
	p2 =	seq.s32 @!p0 s5, $0x0  }
0x1f: {  	s9 =	smul.u32 $0xF7A, s1;
	s8 =	simm.s32 @!p0 $0x1BF5;
	p2 =	por !p2, p0  }
0x20: {  	[sflag:s8] =	ssyncset.s32 @!p0 $0xFFFFF086;
	s6 =	sadd.s32 @!p0 s3, s7;
	s7 =	simm.s32 @!p0 $0x108  }
0x21: {  	s3 =	sadd.s32 s3, s9;
	s6 =	sadd.s32 @!p0 $0x88, s6;
	s7 =	simm.s32 @p2 $0x1082  }
0x22: {  	[simem:s7], [sflag:s8] =	dma.local @!p0 [hbm:s6], $0xF7A  }
0x23: {  	s9 =	sor.u32 $0xD0000000, s2;
	s6 =	simm.s32 $0x108;
	_ =	swait.ge @!p0 [sflag:s8], $0x0  }
0x24: {  	s3 =	sadd.s32 $0x88, s3;
	s6 =	simm.s32 @!p1 $0x1082;
	[sflag:s4] =	ssyncset.s32 $0xFFFFF086  }
0x25: {  	[simem:s6], [sflag:s4] =	dma.local [hbm:s3], $0xF7A  }
0x26: {  	[smem:$0x3F8D] =	sst s1;
	(tag) =	ssettag s2;
	_ =	strace s9  }
0x27: {  	s1 =	sld [smem:$0x3F9D]  }
0x28: {  	s2 =	sld [smem:$0x3F9E]  }
0x29: {  	s4 =	sld [smem:$0x3FA0]  }
0x2a: {  	p0 =	seq.s32 s5, $0x0;
	s5 =	sld [smem:$0x3FA1]  }
0x2b: {  	s6 =	sld [smem:$0x3FA2]  }
0x2c: {  	s7 =	sld [smem:$0x3FA3]  }
0x2d: {  	s3 =	simm.s32 $0x108;
	s8 =	sld [smem:$0x3FA4]  }
0x2e: {  	s3 =	simm.s32 @!p0 $0x1082;
	s9 =	sld [smem:$0x3FA5]  }
0x2f: {  	lr =	sadd.s32 s0, s3;
	s0 =	sld [smem:$0x3F9C]  }
0x30: {  	s3 =	sld [smem:$0x3F9F]  }
0x31: {  	[smem:$0x3FA8] =	sst s10  }
0x32: {  	s10 =	sld [smem:$0x3FA6];
	_ =	sdelay $0x3  }
0x33: {  	p0 =	seq.s32 s10, $0x1;
	s10 =	sld [smem:$0x3FA8];
	_ =	sdelay $0x3  }
0x34: {  	[smem:$0x3FA8] =	sst s10  }
0x35: {  	s10 =	sld [smem:$0x3FA7];
	_ =	sdelay $0x3  }
0x36: {  	p1 =	seq.s32 s10, $0x1;
	s10 =	sld [smem:$0x3FA8];
	_ =	sdelay $0x3  }
0x37: {  	[smem:$0x3FA8] =	sst s10  }
0x38: {  	s10 =	sld [smem:$0x3FA9]  }
0x39: {  	_ = 	snop;
	(pc) =	sbr.ind lr, $3  }
0x3a: {  	_ = 	snop  }
0x3b: {  	_ = 	snop  }
0x3c: {  	p2 =	seq.s32 s10, $0x1;
	s10 =	sld [smem:$0x3FA8]  }
0x3d: {  	_ =	shalt  }
0x3e: {  	_ =	shalt  }
0x3f: {  	_ =	shalt  }
0x40: {  	_ =	shalt  }
0x41: {  	_ =	shalt  }
0x42: {  	_ =	shalt  }
0x43: {  	_ =	shalt  }
0x44: {  	_ =	shalt  }
0x45: {  	_ =	shalt  }
0x46: {  	_ =	shalt  }
0x47: {  	_ =	shalt  }
0x48: {  	_ =	shalt  }
0x49: {  	_ =	shalt  }
0x4a: {  	_ =	shalt  }
0x4b: {  	_ =	shalt  }
0x4c: {  	_ =	shalt  }
0x4d: {  	_ =	shalt  }
0x4e: {  	_ =	shalt  }
0x4f: {  	_ =	shalt  }
0x50: {  	_ =	shalt  }
0x51: {  	_ =	shalt  }
0x52: {  	_ =	shalt  }
0x53: {  	_ =	shalt  }
0x54: {  	_ =	shalt  }
0x55: {  	_ =	shalt  }
0x56: {  	_ =	shalt  }
0x57: {  	_ =	shalt  }
0x58: {  	_ =	shalt  }
0x59: {  	_ =	shalt  }
0x5a: {  	_ =	shalt  }
0x5b: {  	_ =	shalt  }
0x5c: {  	_ =	shalt  }
0x5d: {  	_ =	shalt  }
0x5e: {  	_ =	shalt  }
0x5f: {  	_ =	shalt  }
0x60: {  	_ =	shalt  }
0x61: {  	_ =	shalt  }
0x62: {  	_ =	shalt  }
0x63: {  	_ =	shalt  }
0x64: {  	_ =	shalt  }
0x65: {  	_ =	shalt  }
0x66: {  	_ =	shalt  }
0x67: {  	_ =	shalt  }
0x68: {  	_ =	shalt  }
0x69: {  	_ =	shalt  }
0x6a: {  	_ =	shalt  }
0x6b: {  	_ =	shalt  }
0x6c: {  	_ =	shalt  }
0x6d: {  	_ =	shalt  }
0x6e: {  	_ =	shalt  }
0x6f: {  	_ =	shalt  }
0x70: {  	_ =	shalt  }
0x71: {  	_ =	shalt  }
0x72: {  	_ =	shalt  }
0x73: {  	_ =	shalt  }
0x74: {  	_ =	shalt  }
0x75: {  	_ =	shalt  }
0x76: {  	_ =	shalt  }
0x77: {  	_ =	shalt  }
0x78: {  	_ =	shalt  }
0x79: {  	_ =	shalt  }
0x7a: {  	_ =	shalt  }
0x7b: {  	_ =	shalt  }
0x7c: {  	_ =	shalt  }
0x7d: {  	_ =	shalt  }
0x7e: {  	_ =	shalt  }
0x7f: {  	_ =	shalt  }
0x80: {  	_ =	shalt  }
0x81: {  	_ =	shalt  }
0x82: {  	_ =	shalt  }
0x83: {  	_ =	shalt  }
0x84: {  	_ =	shalt  }
0x85: {  	_ =	shalt  }
0x86: {  	_ =	shalt  }
0x87: {  	_ =	shalt  }
.Lfunc_end0:
.L_simem_size_0:
called_computation_lowered:
.L_overlay_start_0:
0x88: {  	s2 =	sld [smem:$0x3FD9]  }
0x89: {  	s3 =	sld [smem:$0x3FFE];
	_ =	sdelay $0x1  }
0x8a: {  	s1 =	srdreg.scid  }
0x8b: {  	s0 =	sand.u32 $0x1, s1  }
0x8c: {  	s16 =	sshll.u32 s0, $0xA;
	s2 =	sadd.s32 s3, s2  }
0x8d: {  	s2 =	sadd.s32 s2, s16  }
0x8e: {  	[smem:$0x3FB4] =	sst s2  }
0x8f: {  	_ = 	snop  }
0x90: {  	(tm) =	ssettm $0x1  }
0x91: {  	s17 =	sld [smem:$0x3FFB];
	_ =	sdelay $0x3  }
0x92: {  	_ =	strace s17  }
0x93: {  	s2 =	sld [smem:$0x3FFC];
	_ =	sdelay $0x3  }
0x94: {  	_ =	strace s2  }
0x95: {  	s2 =	sld [smem:$0x3FFD];
	_ =	sdelay $0x3  }
0x96: {  	_ =	strace s2  }
0x97: {  	_ =	strace $0x8FFFFFFF  }
0x98: {  	s18 =	sld [smem:$0x3FDB];
	_ =	sdelay $0x1  }
0x99: {  	s19 =	simm.s32 $_scs_section_size  }
0x9a: {  	s4 =	simm.s32 $_size__tile_overlayer_lowered;
	s5 =	simm.s32 $_tile_overlayer_lowered  }
0x9b: {  	s22 =	simm.s32 $0x1BFF;
	s21 =	sshll.u32 s5, $0x1;
	s2 =	sadd.s32 s19, s18  }
0x9c: {  	s6 =	simm.s32 $0x0;
	s20 =	sshll.u32 s4, $0x1;
	s4 =	sadd.s32 s21, s2  }
0x9d: {  	[timem:s6], [sflag:s22] =	dma.local [hbm:s4], s20  }
0x9e: {  	_ =	swait.ge [sflag:s22], s20  }
0x9f: {  	s3 =	ssub.s32 $0x0, s20;
	[sflag:s22] =	ssyncset.done $0x0  }
0xa0: {  	[sflag:s22] =	ssyncadd.s32 s3;
	_ =	sdelay $0x1  }
0xa1: {  	s23 =	simm.s32 $0x1B8B  }
0xa2: {  	_ =	swait.ge [sflag:s23], $0x1  }
0xa3: {  	[sflag:s23] =	ssyncset.done $0x0  }
0xa4: {  	s25 =	simm.s32 $0x1B8E;
	s24 =	sld [smem:$0x3FFE];
	[sflag:s23] =	ssyncadd.s32 $0xFFFFFFFF  }
0xa5: {  	s26 =	simm.s32 $execute0_lowered;
	[smem:$0x3FD2] =	sst s25  }
0xa6: {  	s4 =	sshll.u32 s26, $0x1;
	_ =	strace $0x80000046;
	[dreg:$0x1] =	wrdreg $0xFFFFFFFF  }
0xa7: {  	s28 =	simm.s32 $_size_execute0_lowered;
	s2 =	sadd.s32 s2, s4;
	[dreg:$0x0] =	wrdreg $0x0  }
0xa8: {  	s4 =	sshll.u32 s28, $0x1;
	[dreg:$0x2] =	wrdreg s2  }
0xa9: {  	[dreg:$0x3] =	wrdreg s4  }
0xaa: {  	[dreg:$0x4] =	wrdreg $0xC0  }
0xab: {  	_ =	task [dreg:s6], $0x5FFFF  }
0xac: {  	[dreg:$0x1] =	wrdreg $0xFFFFFFFF  }
0xad: {  	[dreg:$0x0] =	wrdreg $0x60  }
0xae: {  	[dreg:$0x2] =	wrdreg s24  }
0xaf: {  	[dreg:$0x3] =	wrdreg $0x0  }
0xb0: {  	[dreg:$0x4] =	wrdreg $0xA0000  }
0xb1: {  	[dreg:$0x5] =	wrdreg $0x9  }
0xb2: {  	_ =	task.clear_ibuf [dreg:s6], $0x6FFFF;
	_ =	strace $0x90000046  }
0xb3: {  	s29 =	simm.s32 $0x9;
	_ =	strace $0x80000048  }
0xb4: {  	_ =	swait.ge [sflag:s29], $0x1  }
0xb5: {  	[sflag:s29] =	ssyncadd.s32 $0xFFFFFFFF  }
0xb6: {  	_ =	strace $0x90000048  }
0xb7: {  	_ =	sfence  }
0xb8: {  	s30 =	sld [smem:$0x0];
	_ =	sdelay $0x2  }
0xb9: {  	s31 =	sshll.u32 s1, $0xD;
	s1 =	sshrl.u32 s1, $0x2  }
0xba: {  	s3 =	sand.u32 $0x4000, s31;
	s1 =	sadd.s32 s1, s30  }
0xbb: {  	s0 =	sor.u32 s3, s0;
	s1 =	sshll.u32 s1, $0x11  }
0xbc: {  	s0 =	sor.u32 s1, s0  }
0xbd: {  	s0 =	sadd.s32 $0x8F2B, s0  }
0xbe: {  	[sflag:s0] =	ssyncadd.remote.s32 $0x1  }
0xbf: {  	_ =	sfence.sel $0xFFFF  }
0xc0: {  	[dreg:$0x0] =	wrdreg $0xFFFFFFFF;
	(pc) =	sbr.abs _section_cstart, $3  }
0xc1: {  	[dreg:$0x1] =	wrdreg $0xFFFFFFFF  }
0xc2: {  	_ =	task.clear_ibuf [dreg:s6], $0x2FFFF;
	_ =	strace $0x9FFFFFFF  }
0xc3: {  	(tm) =	ssettm $0x7FFFFFFF  }
tec
execute0_lowered:
.L_overlay_start_1:
0x0: {  	(tag) =	ssettag $0x1  }
0x1: {  	s0 =	rddreg [dreg:$0x0]  }
0x2: {  	s1 =	rddreg [dreg:$0x1]  }
0x3: {  	s2 =	rddreg [dreg:$0x2];
	s3 =	simm.s32 $0x0;
	s4 =	srdreg.scid  }
0x4: {  	s23 =	stileid.u32;
	[smem:$0x7FF] =	sst s3  }
0x5: {  	s7 =	sadd.s32 $0x283E00, s0;
	s4 =	sand.u32 $0x1, s4;
	s5 =	sadd.s32 $0x2E7E00, s0  }
0x6: {  	s9 =	smul.u32 $0x14000, s23;
	s6 =	sadd.s32 $0x2D3E00, s0;
	s12 =	sadd.s32 $0x4600, s0  }
0x7: {  	_ =	strace $0x80000047;
	s8 =	ssub.s32 $0x2, s4;
	s11 =	smul.u32 $0x140000, s4  }
0x8: {  	s4 =	smul.u32 $0x1400000, s4;
	s10 =	sshrl.u32 s8, $0x1;
	s13 =	sadd.s32 $0x4000, s9  }
0x9: {  	s14 =	sadd.s32 $0x8000, s9;
	s15 =	sadd.s32 $0xC000, s9;
	s16 =	sadd.s32 $0x10000, s9  }
0xa: {  	s8 =	ssub.s32 s8, s10;
	s20 =	sadd.s32 s9, s11;
	s21 =	sadd.s32 s11, s13  }
0xb: {  	s22 =	sadd.s32 s11, s14;
	s25 =	sadd.s32 s11, s15;
	s11 =	sadd.s32 s11, s16  }
0xc: {  	s29 =	sadd.s32 s16, s2;
	s30 =	sadd.s32 s16, s1;
	s16 =	simm.s32 $0x2  }
0xd: {  	s17 =	sshrl.u32 s20, $0x3;
	s24 =	sshrl.u32 s22, $0x3;
	s20 =	smul.u32 $0x140000, s23  }
0xe: {  	s26 =	sshrl.u32 s25, $0x3;
	s11 =	sshrl.u32 s11, $0x3;
	s25 =	sadd.s32 s13, s1  }
0xf: {  	s31 =	smax.u32 s8, $0x1;
	s18 =	sadd.s32 s7, s17;
	[dreg:$0x10] =	wrdreg s25  }
0x10: {  	s8 =	simm.s32 $0x18100;
	s28 =	sadd.s32 s7, s26;
	[dreg:$0x4] =	wrdreg s18  }
0x11: {  	s17 =	sadd.s32 s12, s17;
	s22 =	sadd.s32 s12, s11;
	[dreg:$0x7] =	wrdreg s28  }
0x12: {  	s18 =	sshrl.u32 s21, $0x3;
	s21 =	sadd.s32 s7, s24;
	[dreg:$0x9] =	wrdreg s17  }
0x13: {  	s10 =	sadd.s32 s20, s4;
	s20 =	sadd.s32 s12, s24;
	[dreg:$0xd] =	wrdreg s22  }
0x14: {  	s24 =	sadd.s32 s9, s1;
	s22 =	sadd.s32 s13, s2;
	s28 =	sadd.s32 s15, s1  }
0x15: {  	s4 =	simm.s32 $0x1A100;
	s13 =	simm.s32 $0x80;
	[dreg:$0x6] =	wrdreg s21  }
0x16: {  	s17 =	simm.s32 $0x0;
	s19 =	sadd.s32 s7, s18;
	[dreg:$0xb] =	wrdreg s20  }
0x17: {  	s7 =	sadd.s32 s7, s11;
	s18 =	sadd.s32 s12, s18;
	[dreg:$0xf] =	wrdreg s24  }
0x18: {  	s21 =	sadd.s32 s12, s26;
	s20 =	sadd.s32 s9, s2;
	[dreg:$0x12] =	wrdreg s28  }
0x19: {  	s24 =	sadd.s32 s14, s2;
	s26 =	sadd.s32 s14, s1;
	[dreg:$0x5] =	wrdreg s19  }
0x1a: {  	s9 =	simm.s32 $0x14000;
	s11 =	simm.s32 $0x14080;
	[dreg:$0x8] =	wrdreg s7  }
0x1b: {  	s12 =	simm.s32 $0x3;
	s14 =	simm.s32 $0x14100;
	[dreg:$0xa] =	wrdreg s18  }
0x1c: {  	[dreg:$0xc] =	wrdreg s21;
	s18 =	sadd.s32 $0x2DDE00, s0;
	s0 =	sadd.s32 $0x3E00, s0  }
0x1d: {  	[dreg:$0x11] =	wrdreg s26;
	s26 =	sadd.s32 s15, s2;
	s7 =	simm.s32 $0x4  }
0x1e: {  	s15 =	simm.s32 $0x1;
	[dreg:$0xe] =	wrdreg s0;
	s0 =	smul.u32 $0x5000, s23  }
.LBB2_1:
0x1f: {  	s19 =	rddreg [dreg:$0xe]  }
0x20: {  	[tilespmem:s4], [sflag:$0x4] =	stream.linear.gather [hbm4b:s19+s3], $0x4000, $0x38;
	[tilespmem:$0x1E100] =	vst v63  }
0x21: {  	_ =	swait.ge [sflag:s7], $0x4000  }
0x22: {  	[sflag:s7] =	ssyncset.done $0x0  }
0x23: {  	[sflag:s7] =	ssyncadd.s32 $0xFFFFC000  }
0x24: {  	[spmem:s20] =	stream.linear.scatter [tilespmem:s4], [sflag:$0x4], $0x4000, $0x38;
	[tilespmem:$0x1E100] =	vst v63  }
0x25: {  	_ =	swait.ge [sflag:s7], $0x4000  }
0x26: {  	[sflag:s7] =	ssyncset.done $0x0  }
0x27: {  	[sflag:s7] =	ssyncadd.s32 $0xFFFFC000  }
0x28: {  	[spmem:s22] =	stream.linear.scatter [tilespmem:s4], [sflag:$0x4], $0x4000, $0x38;
	[tilespmem:$0x1E100] =	vst v63  }
0x29: {  	_ =	swait.ge [sflag:s7], $0x4000  }
0x2a: {  	[sflag:s7] =	ssyncset.done $0x0  }
0x2b: {  	[sflag:s7] =	ssyncadd.s32 $0xFFFFC000  }
0x2c: {  	[spmem:s24] =	stream.linear.scatter [tilespmem:s4], [sflag:$0x4], $0x4000, $0x38;
	[tilespmem:$0x1E100] =	vst v63  }
0x2d: {  	_ =	swait.ge [sflag:s7], $0x4000  }
0x2e: {  	[sflag:s7] =	ssyncset.done $0x0  }
0x2f: {  	[sflag:s7] =	ssyncadd.s32 $0xFFFFC000  }
0x30: {  	[spmem:s26] =	stream.linear.scatter [tilespmem:s4], [sflag:$0x4], $0x4000, $0x38;
	[tilespmem:$0x1E100] =	vst v63  }
0x31: {  	_ =	swait.ge [sflag:s7], $0x4000  }
0x32: {  	[sflag:s7] =	ssyncset.done $0x0  }
0x33: {  	[sflag:s7] =	ssyncadd.s32 $0xFFFFC000  }
0x34: {  	[spmem:s29] =	stream.linear.scatter [tilespmem:s4], [sflag:$0x4], $0x4000, $0x38;
	[tilespmem:$0x1E100] =	vst v63  }
0x35: {  	_ =	swait.ge [sflag:s7], $0x4000  }
0x36: {  	[sflag:s7] =	ssyncset.done $0x0  }
0x37: {  	s28 =	rddreg [dreg:$0x4];
	[sflag:s7] =	ssyncadd.s32 $0xFFFFC000  }
0x38: {  	[tilespmem:s4], [sflag:$0x4] =	stream.linear.gather [hbm4b:s28+s3], $0x4000, $0x38;
	[tilespmem:$0x1E100] =	vst v63  }
0x39: {  	_ =	swait.ge [sflag:s7], $0x4000  }
0x3a: {  	[sflag:s7] =	ssyncset.done $0x0  }
0x3b: {  	s21 =	rddreg [dreg:$0xf];
	[sflag:s7] =	ssyncadd.s32 $0xFFFFC000  }
0x3c: {  	[spmem:s21] =	stream.linear.scatter [tilespmem:s4], [sflag:$0x4], $0x4000, $0x38;
	[tilespmem:$0x1E100] =	vst v63  }
0x3d: {  	_ =	swait.ge [sflag:s7], $0x4000  }
0x3e: {  	[sflag:s7] =	ssyncset.done $0x0  }
0x3f: {  	s23 =	rddreg [dreg:$0x5];
	[sflag:s7] =	ssyncadd.s32 $0xFFFFC000  }
0x40: {  	[tilespmem:s4], [sflag:$0x4] =	stream.linear.gather [hbm4b:s23+s3], $0x4000, $0x38;
	[tilespmem:$0x1E100] =	vst v63  }
0x41: {  	_ =	swait.ge [sflag:s7], $0x4000  }
0x42: {  	[sflag:s7] =	ssyncset.done $0x0  }
0x43: {  	s25 =	rddreg [dreg:$0x10];
	[sflag:s7] =	ssyncadd.s32 $0xFFFFC000  }
0x44: {  	[spmem:s25] =	stream.linear.scatter [tilespmem:s4], [sflag:$0x4], $0x4000, $0x38;
	[tilespmem:$0x1E100] =	vst v63  }
0x45: {  	_ =	swait.ge [sflag:s7], $0x4000  }
0x46: {  	[sflag:s7] =	ssyncset.done $0x0  }
0x47: {  	s28 =	rddreg [dreg:$0x6];
	[sflag:s7] =	ssyncadd.s32 $0xFFFFC000  }
0x48: {  	[tilespmem:s4], [sflag:$0x4] =	stream.linear.gather [hbm4b:s28+s3], $0x4000, $0x38;
	[tilespmem:$0x1E100] =	vst v63  }
0x49: {  	_ =	swait.ge [sflag:s7], $0x4000  }
0x4a: {  	[sflag:s7] =	ssyncset.done $0x0  }
0x4b: {  	s21 =	rddreg [dreg:$0x11];
	[sflag:s7] =	ssyncadd.s32 $0xFFFFC000  }
0x4c: {  	[spmem:s21] =	stream.linear.scatter [tilespmem:s4], [sflag:$0x4], $0x4000, $0x38;
	[tilespmem:$0x1E100] =	vst v63  }
0x4d: {  	_ =	swait.ge [sflag:s7], $0x4000  }
0x4e: {  	[sflag:s7] =	ssyncset.done $0x0  }
0x4f: {  	s23 =	rddreg [dreg:$0x7];
	[sflag:s7] =	ssyncadd.s32 $0xFFFFC000  }
0x50: {  	[tilespmem:s4], [sflag:$0x4] =	stream.linear.gather [hbm4b:s23+s3], $0x4000, $0x38;
	[tilespmem:$0x1E100] =	vst v63  }
0x51: {  	_ =	swait.ge [sflag:s7], $0x4000  }
0x52: {  	[sflag:s7] =	ssyncset.done $0x0  }
0x53: {  	s25 =	rddreg [dreg:$0x12];
	[sflag:s7] =	ssyncadd.s32 $0xFFFFC000  }
0x54: {  	[spmem:s25] =	stream.linear.scatter [tilespmem:s4], [sflag:$0x4], $0x4000, $0x38;
	[tilespmem:$0x1E100] =	vst v63  }
0x55: {  	_ =	swait.ge [sflag:s7], $0x4000  }
0x56: {  	[sflag:s7] =	ssyncset.done $0x0  }
0x57: {  	s28 =	rddreg [dreg:$0x8];
	[sflag:s7] =	ssyncadd.s32 $0xFFFFC000  }
0x58: {  	[tilespmem:s4], [sflag:$0x4] =	stream.linear.gather [hbm4b:s28+s3], $0x4000, $0x38;
	[tilespmem:$0x1E100] =	vst v63  }
0x59: {  	_ =	swait.ge [sflag:s7], $0x4000  }
0x5a: {  	[sflag:s7] =	ssyncset.done $0x0  }
0x5b: {  	[sflag:s7] =	ssyncadd.s32 $0xFFFFC000  }
0x5c: {  	[spmem:s30] =	stream.linear.scatter [tilespmem:s4], [sflag:$0x4], $0x4000, $0x38;
	[tilespmem:$0x1E100] =	vst v63  }
0x5d: {  	_ =	swait.ge [sflag:s7], $0x4000  }
0x5e: {  	[sflag:s7] =	ssyncset.done $0x0  }
0x5f: {  	[sflag:s7] =	ssyncadd.s32 $0xFFFFC000  }
0x60: {  	s19 =	simm.s32 $0x0;
	[bflag:$0x0] =	sbarrier.arrive $0xFFFF  }
.LBB2_2:
0x61: {  	s21 =	sshll.u32 s19, $0xD  }
0x62: {  	s21 =	sadd.s32 s21, s10  }
0x63: {  	s25 =	sshll.u32 s19, $0x7;
	s21 =	sshrl.u32 s21, $0x3  }
0x64: {  	s23 =	sand.u32 $0x7C00, s25;
	s21 =	sadd.s32 s5, s21  }
0x65: {  	[tilespmem:s8], [sflag:$0x1] =	stream.linear.gather [hbm4b:s21+s3], $0x2000, $0x38;
	[tilespmem:$0x1E100] =	vst v63  }
0x66: {  	s23 =	sadd.s32 s0, s23;
	s21 =	sand.u32 $0x380, s25  }
0x67: {  	s21 =	sor.u32 s21, s23  }
0x68: {  	s21 =	sshrl.u32 s21, $0x3  }
0x69: {  	s25 =	sadd.s32 s6, s21  }
0x6a: {  	[tilespmem:s9], [sflag:$0x3] =	stream.linear.gather [hbm4b:s25+s3], $0x80, $0x38;
	[tilespmem:$0x1E100] =	vst v63  }
0x6b: {  	s21 =	sadd.s32 s18, s21  }
0x6c: {  	[tilespmem:s11], [sflag:$0x4] =	stream.linear.gather [hbm4b:s21+s3], $0x80, $0x38;
	[tilespmem:$0x1E100] =	vst v63  }
0x6d: {  	_ =	swait.ge [sflag:s7], $0x80  }
0x6e: {  	[sflag:s7] =	ssyncset.done $0x0  }
0x6f: {  	[sflag:s7] =	ssyncadd.s32 $0xFFFFFF80  }
0x70: {  	_ =	swait.ge [sflag:s12], $0x80  }
0x71: {  	[sflag:s12] =	ssyncset.done $0x0  }
0x72: {  	[sflag:s12] =	ssyncadd.s32 $0xFFFFFF80  }
0x73: {  	[tilespmem:s14], [sflag:$0x2] =	stream.indirect.gather [spmem:s1], $0x40, s9, s13, $0xb8;
	[tilespmem:$0x1E100] =	vst v63  }
0x74: {  	_ =	swait.ge [sflag:s15], $0x2000  }
0x75: {  	[sflag:s15] =	ssyncset.done $0x0  }
0x76: {  	[sflag:s15] =	ssyncadd.s32 $0xFFFFE000  }
0x77: {  	_ =	swait.ge [sflag:s16], $0x2000  }
0x78: {  	[sflag:s16] =	ssyncset.done $0x0  }
0x79: {  	s21 =	simm.s32 $0x14200;
	[sflag:s16] =	ssyncadd.s32 $0xFFFFE000  }
0x7a: {  	s23 =	simm.s32 $0x18180;
	v0 =	vld [tilespmem:s21+$0xFFFFFF00]  }
0x7b: {  	v1 =	vld [tilespmem:s23+$0xFFFFFF80];
	_ =	sdelay $0x4  }
0x7c: {  	v0 =	vadd.f32 v1, v0;
	_ =	sdelay $0x1  }
0x7d: {  	v0 =	vmax.f32 v0, $0.0e+00  }
0x7e: {  	[tilespmem:s21+$0xFFFFFF00] =	vst v0;
	v0 =	vld [tilespmem:s21+$0xFFFFFF10]  }
0x7f: {  	v1 =	vld [tilespmem:s23+$0xFFFFFF90];
	_ =	sdelay $0x4  }
0x80: {  	v0 =	vadd.f32 v1, v0;
	_ =	sdelay $0x1  }
0x81: {  	v0 =	vmax.f32 v0, $0.0e+00  }
0x82: {  	[tilespmem:s21+$0xFFFFFF10] =	vst v0;
	v0 =	vld [tilespmem:s21+$0xFFFFFF20]  }
0x83: {  	v1 =	vld [tilespmem:s23+$0xFFFFFFA0];
	_ =	sdelay $0x4  }
0x84: {  	v0 =	vadd.f32 v1, v0;
	_ =	sdelay $0x1  }
0x85: {  	v0 =	vmax.f32 v0, $0.0e+00  }
0x86: {  	[tilespmem:s21+$0xFFFFFF20] =	vst v0;
	v0 =	vld [tilespmem:s21+$0xFFFFFF30]  }
0x87: {  	v1 =	vld [tilespmem:s23+$0xFFFFFFB0];
	_ =	sdelay $0x4  }
0x88: {  	v0 =	vadd.f32 v1, v0;
	_ =	sdelay $0x1  }
0x89: {  	v0 =	vmax.f32 v0, $0.0e+00  }
0x8a: {  	[tilespmem:s21+$0xFFFFFF30] =	vst v0;
	v0 =	vld [tilespmem:s21+$0xFFFFFF80]  }
0x8b: {  	v1 =	vld [tilespmem:s23+$0xFFFFFFC0];
	_ =	sdelay $0x4  }
0x8c: {  	v0 =	vadd.f32 v1, v0;
	_ =	sdelay $0x1  }
0x8d: {  	v0 =	vmax.f32 v0, $0.0e+00  }
0x8e: {  	[tilespmem:s21+$0xFFFFFF80] =	vst v0;
	v0 =	vld [tilespmem:s21+$0xFFFFFF90]  }
0x8f: {  	v1 =	vld [tilespmem:s23+$0xFFFFFFD0];
	_ =	sdelay $0x4  }
0x90: {  	v0 =	vadd.f32 v1, v0;
	_ =	sdelay $0x1  }
0x91: {  	v0 =	vmax.f32 v0, $0.0e+00  }
0x92: {  	[tilespmem:s21+$0xFFFFFF90] =	vst v0;
	v0 =	vld [tilespmem:s21+$0xFFFFFFA0]  }
0x93: {  	v1 =	vld [tilespmem:s23+$0xFFFFFFE0];
	_ =	sdelay $0x4  }
0x94: {  	v0 =	vadd.f32 v1, v0;
	_ =	sdelay $0x1  }
0x95: {  	v0 =	vmax.f32 v0, $0.0e+00  }
0x96: {  	[tilespmem:s21+$0xFFFFFFA0] =	vst v0;
	v0 =	vld [tilespmem:s21+$0xFFFFFFB0]  }
0x97: {  	v1 =	vld [tilespmem:s23+$0xFFFFFFF0];
	_ =	sdelay $0x4  }
0x98: {  	v0 =	vadd.f32 v1, v0;
	_ =	sdelay $0x1  }
0x99: {  	v0 =	vmax.f32 v0, $0.0e+00  }
0x9a: {  	[tilespmem:s21+$0xFFFFFFB0] =	vst v0;
	v0 =	vld [tilespmem:s21+$0x0]  }
0x9b: {  	v1 =	vld [tilespmem:s23+$0x0];
	_ =	sdelay $0x4  }
0x9c: {  	v0 =	vadd.f32 v1, v0;
	_ =	sdelay $0x1  }
0x9d: {  	v0 =	vmax.f32 v0, $0.0e+00  }
0x9e: {  	[tilespmem:s21+$0x0] =	vst v0;
	v0 =	vld [tilespmem:s21+$0x10]  }
0x9f: {  	v1 =	vld [tilespmem:s23+$0x10];
	_ =	sdelay $0x4  }
0xa0: {  	v0 =	vadd.f32 v1, v0;
	_ =	sdelay $0x1  }
0xa1: {  	v0 =	vmax.f32 v0, $0.0e+00  }
0xa2: {  	[tilespmem:s21+$0x10] =	vst v0;
	v0 =	vld [tilespmem:s21+$0x20]  }
0xa3: {  	v1 =	vld [tilespmem:s23+$0x20];
	_ =	sdelay $0x4  }
0xa4: {  	v0 =	vadd.f32 v1, v0;
	_ =	sdelay $0x1  }
0xa5: {  	v0 =	vmax.f32 v0, $0.0e+00  }
0xa6: {  	[tilespmem:s21+$0x20] =	vst v0;
	v0 =	vld [tilespmem:s21+$0x30]  }
0xa7: {  	v1 =	vld [tilespmem:s23+$0x30];
	_ =	sdelay $0x4  }
0xa8: {  	v0 =	vadd.f32 v1, v0;
	_ =	sdelay $0x1  }
0xa9: {  	v0 =	vmax.f32 v0, $0.0e+00  }
0xaa: {  	[tilespmem:s21+$0x30] =	vst v0;
	v0 =	vld [tilespmem:s21+$0x80]  }
0xab: {  	v1 =	vld [tilespmem:s23+$0x40];
	_ =	sdelay $0x4  }
0xac: {  	v0 =	vadd.f32 v1, v0;
	_ =	sdelay $0x1  }
0xad: {  	v0 =	vmax.f32 v0, $0.0e+00  }
0xae: {  	[tilespmem:s21+$0x80] =	vst v0;
	v0 =	vld [tilespmem:s21+$0x90]  }
0xaf: {  	v1 =	vld [tilespmem:s23+$0x50];
	_ =	sdelay $0x4  }
0xb0: {  	v0 =	vadd.f32 v1, v0;
	_ =	sdelay $0x1  }
0xb1: {  	v0 =	vmax.f32 v0, $0.0e+00  }
0xb2: {  	[tilespmem:s21+$0x90] =	vst v0;
	v0 =	vld [tilespmem:s21+$0xA0]  }
0xb3: {  	v1 =	vld [tilespmem:s23+$0x60];
	_ =	sdelay $0x4  }
0xb4: {  	v0 =	vadd.f32 v1, v0;
	_ =	sdelay $0x1  }
0xb5: {  	v0 =	vmax.f32 v0, $0.0e+00  }
0xb6: {  	[tilespmem:s21+$0xA0] =	vst v0;
	v0 =	vld [tilespmem:s21+$0xB0]  }
0xb7: {  	v1 =	vld [tilespmem:s23+$0x70];
	_ =	sdelay $0x4  }
0xb8: {  	v0 =	vadd.f32 v1, v0;
	_ =	sdelay $0x1  }
0xb9: {  	s28 =	simm.s32 $0x14400;
	s25 =	simm.s32 $0x0;
	v0 =	vmax.f32 v0, $0.0e+00  }
.LBB2_3:
0xba: {  	v1 =	vld [tilespmem:s28+$0xFFFFFF00];
	[tilespmem:s21+$0xB0] =	vst v0;
	s23 =	sadd.s32 $0x100, s23;
	s21 =	smov.u32 s28  }
0xbb: {  	s25 =	sadd.s32 $0x2, s25;
	v0 =	vld [tilespmem:s23+$0xFFFFFF80]  }
0xbc: {  	p0 =	slt.u32 s25, $0x3E;
	_ =	sdelay $0x3  }
0xbd: {  	v0 =	vadd.f32 v0, v1;
	_ =	sdelay $0x1  }
0xbe: {  	v0 =	vmax.f32 v0, $0.0e+00  }
0xbf: {  	[tilespmem:s28+$0xFFFFFF00] =	vst v0;
	v0 =	vld [tilespmem:s28+$0xFFFFFF10]  }
0xc0: {  	v1 =	vld [tilespmem:s23+$0xFFFFFF90];
	_ =	sdelay $0x4  }
0xc1: {  	v0 =	vadd.f32 v1, v0;
	_ =	sdelay $0x1  }
0xc2: {  	v0 =	vmax.f32 v0, $0.0e+00  }
0xc3: {  	[tilespmem:s28+$0xFFFFFF10] =	vst v0;
	v0 =	vld [tilespmem:s28+$0xFFFFFF20]  }
0xc4: {  	v1 =	vld [tilespmem:s23+$0xFFFFFFA0];
	_ =	sdelay $0x4  }
0xc5: {  	v0 =	vadd.f32 v1, v0;
	_ =	sdelay $0x1  }
0xc6: {  	v0 =	vmax.f32 v0, $0.0e+00  }
0xc7: {  	[tilespmem:s28+$0xFFFFFF20] =	vst v0;
	v0 =	vld [tilespmem:s28+$0xFFFFFF30]  }
0xc8: {  	v1 =	vld [tilespmem:s23+$0xFFFFFFB0];
	_ =	sdelay $0x4  }
0xc9: {  	v0 =	vadd.f32 v1, v0;
	_ =	sdelay $0x1  }
0xca: {  	v0 =	vmax.f32 v0, $0.0e+00  }
0xcb: {  	[tilespmem:s28+$0xFFFFFF30] =	vst v0;
	v0 =	vld [tilespmem:s28+$0xFFFFFF80]  }
0xcc: {  	v1 =	vld [tilespmem:s23+$0xFFFFFFC0];
	_ =	sdelay $0x4  }
0xcd: {  	v0 =	vadd.f32 v1, v0;
	_ =	sdelay $0x1  }
0xce: {  	v0 =	vmax.f32 v0, $0.0e+00  }
0xcf: {  	[tilespmem:s28+$0xFFFFFF80] =	vst v0;
	v0 =	vld [tilespmem:s28+$0xFFFFFF90]  }
0xd0: {  	v1 =	vld [tilespmem:s23+$0xFFFFFFD0];
	_ =	sdelay $0x4  }
0xd1: {  	v0 =	vadd.f32 v1, v0;
	_ =	sdelay $0x1  }
0xd2: {  	v0 =	vmax.f32 v0, $0.0e+00  }
0xd3: {  	[tilespmem:s28+$0xFFFFFF90] =	vst v0;
	v0 =	vld [tilespmem:s28+$0xFFFFFFA0]  }
0xd4: {  	v1 =	vld [tilespmem:s23+$0xFFFFFFE0];
	_ =	sdelay $0x4  }
0xd5: {  	v0 =	vadd.f32 v1, v0;
	_ =	sdelay $0x1  }
0xd6: {  	v0 =	vmax.f32 v0, $0.0e+00  }
0xd7: {  	[tilespmem:s28+$0xFFFFFFA0] =	vst v0;
	v0 =	vld [tilespmem:s28+$0xFFFFFFB0]  }
0xd8: {  	v1 =	vld [tilespmem:s23+$0xFFFFFFF0];
	_ =	sdelay $0x4  }
0xd9: {  	v0 =	vadd.f32 v1, v0;
	_ =	sdelay $0x1  }
0xda: {  	v0 =	vmax.f32 v0, $0.0e+00  }
0xdb: {  	[tilespmem:s28+$0xFFFFFFB0] =	vst v0;
	v0 =	vld [tilespmem:s28+$0x0]  }
0xdc: {  	v1 =	vld [tilespmem:s23+$0x0];
	_ =	sdelay $0x4  }
0xdd: {  	v0 =	vadd.f32 v1, v0;
	_ =	sdelay $0x1  }
0xde: {  	v0 =	vmax.f32 v0, $0.0e+00  }
0xdf: {  	[tilespmem:s28+$0x0] =	vst v0;
	v0 =	vld [tilespmem:s28+$0x10]  }
0xe0: {  	v1 =	vld [tilespmem:s23+$0x10];
	_ =	sdelay $0x4  }
0xe1: {  	v0 =	vadd.f32 v1, v0;
	_ =	sdelay $0x1  }
0xe2: {  	v0 =	vmax.f32 v0, $0.0e+00  }
0xe3: {  	[tilespmem:s28+$0x10] =	vst v0;
	v0 =	vld [tilespmem:s28+$0x20]  }
0xe4: {  	v1 =	vld [tilespmem:s23+$0x20];
	_ =	sdelay $0x4  }
0xe5: {  	v0 =	vadd.f32 v1, v0;
	_ =	sdelay $0x1  }
0xe6: {  	v0 =	vmax.f32 v0, $0.0e+00  }
0xe7: {  	[tilespmem:s28+$0x20] =	vst v0;
	v0 =	vld [tilespmem:s28+$0x30]  }
0xe8: {  	v1 =	vld [tilespmem:s23+$0x30];
	_ =	sdelay $0x4  }
0xe9: {  	v0 =	vadd.f32 v1, v0;
	_ =	sdelay $0x1  }
0xea: {  	v0 =	vmax.f32 v0, $0.0e+00  }
0xeb: {  	[tilespmem:s28+$0x30] =	vst v0;
	v0 =	vld [tilespmem:s28+$0x80]  }
0xec: {  	v1 =	vld [tilespmem:s23+$0x40];
	_ =	sdelay $0x4  }
0xed: {  	v0 =	vadd.f32 v1, v0;
	_ =	sdelay $0x1  }
0xee: {  	v0 =	vmax.f32 v0, $0.0e+00  }
0xef: {  	[tilespmem:s28+$0x80] =	vst v0;
	v0 =	vld [tilespmem:s28+$0x90]  }
0xf0: {  	v1 =	vld [tilespmem:s23+$0x50];
	_ =	sdelay $0x4  }
0xf1: {  	v0 =	vadd.f32 v1, v0;
	_ =	sdelay $0x1  }
0xf2: {  	v0 =	vmax.f32 v0, $0.0e+00  }
0xf3: {  	[tilespmem:s28+$0x90] =	vst v0;
	v0 =	vld [tilespmem:s28+$0xA0]  }
0xf4: {  	v1 =	vld [tilespmem:s23+$0x60];
	_ =	sdelay $0x4  }
0xf5: {  	v0 =	vadd.f32 v1, v0;
	_ =	sdelay $0x1  }
0xf6: {  	v0 =	vmax.f32 v0, $0.0e+00  }
0xf7: {  	[tilespmem:s28+$0xA0] =	vst v0;
	v0 =	vld [tilespmem:s28+$0xB0]  }
0xf8: {  	v1 =	vld [tilespmem:s23+$0x70];
	_ =	sdelay $0x2  }
.Ltmp0:
0xf9: {  	(pc) =	sbr.rel @p0 .LBB2_3-.Ltmp0, $3  }
0xfa: {  	_ = 	snop  }
0xfb: {  	v0 =	vadd.f32 v1, v0;
	_ =	sdelay $0x1  }
0xfc: {  	s28 =	sadd.s32 $0x200, s28;
	v0 =	vmax.f32 v0, $0.0e+00  }
0xfd: {  	s19 =	sadd.s32 $0x1, s19  }
0xfe: {  	p0 =	sne.s32 s19, $0xA0  }
.Ltmp1:
0xff: {  	[tilespmem:s21+$0xB0] =	vst v0;
	(pc) =	sbr.rel @p0 .LBB2_2-.Ltmp1, $4  }
0x100: {  	[spmem:s2] =	stream.indirect.scatter.add.f32 [tilespmem:s14], [sflag:$0x4], $0x40, s11, s13, $0xb8;
	[tilespmem:$0x1E100] =	vst v63  }
0x101: {  	_ =	swait.ge [sflag:s7], $0x2000  }
0x102: {  	[sflag:s7] =	ssyncset.done $0x0  }
0x103: {  	[sflag:s7] =	ssyncadd.s32 $0xFFFFE000  }
0x104: {  	[bflag:$0x0] =	sbarrier.arrive $0xFFFF  }
0x105: {  	[tilespmem:s4], [sflag:$0x4] =	stream.linear.gather [spmem:s20], $0x4000, $0x38;
	[tilespmem:$0x1E100] =	vst v63  }
0x106: {  	_ =	swait.ge [sflag:s7], $0x4000  }
0x107: {  	[sflag:s7] =	ssyncset.done $0x0  }
0x108: {  	s19 =	rddreg [dreg:$0x9];
	[sflag:s7] =	ssyncadd.s32 $0xFFFFC000  }
0x109: {  	[hbm4b:s19+s3] =	stream.linear.scatter [tilespmem:s4], [sflag:$0x4], $0x4000, $0x38;
	[tilespmem:$0x1E100] =	vst v63  }
0x10a: {  	_ =	swait.ge [sflag:s7], $0x4000  }
0x10b: {  	[sflag:s7] =	ssyncset.done $0x0  }
0x10c: {  	[sflag:s7] =	ssyncadd.s32 $0xFFFFC000  }
0x10d: {  	[tilespmem:s4], [sflag:$0x4] =	stream.linear.gather [spmem:s22], $0x4000, $0x38;
	[tilespmem:$0x1E100] =	vst v63  }
0x10e: {  	_ =	swait.ge [sflag:s7], $0x4000  }
0x10f: {  	[sflag:s7] =	ssyncset.done $0x0  }
0x110: {  	s21 =	rddreg [dreg:$0xa];
	[sflag:s7] =	ssyncadd.s32 $0xFFFFC000  }
0x111: {  	[hbm4b:s21+s3] =	stream.linear.scatter [tilespmem:s4], [sflag:$0x4], $0x4000, $0x38;
	[tilespmem:$0x1E100] =	vst v63  }
0x112: {  	_ =	swait.ge [sflag:s7], $0x4000  }
0x113: {  	[sflag:s7] =	ssyncset.done $0x0  }
0x114: {  	[sflag:s7] =	ssyncadd.s32 $0xFFFFC000  }
0x115: {  	[tilespmem:s4], [sflag:$0x4] =	stream.linear.gather [spmem:s24], $0x4000, $0x38;
	[tilespmem:$0x1E100] =	vst v63  }
0x116: {  	_ =	swait.ge [sflag:s7], $0x4000  }
0x117: {  	[sflag:s7] =	ssyncset.done $0x0  }
0x118: {  	s23 =	rddreg [dreg:$0xb];
	[sflag:s7] =	ssyncadd.s32 $0xFFFFC000  }
0x119: {  	[hbm4b:s23+s3] =	stream.linear.scatter [tilespmem:s4], [sflag:$0x4], $0x4000, $0x38;
	[tilespmem:$0x1E100] =	vst v63  }
0x11a: {  	_ =	swait.ge [sflag:s7], $0x4000  }
0x11b: {  	[sflag:s7] =	ssyncset.done $0x0  }
0x11c: {  	[sflag:s7] =	ssyncadd.s32 $0xFFFFC000  }
0x11d: {  	[tilespmem:s4], [sflag:$0x4] =	stream.linear.gather [spmem:s26], $0x4000, $0x38;
	[tilespmem:$0x1E100] =	vst v63  }
0x11e: {  	_ =	swait.ge [sflag:s7], $0x4000  }
0x11f: {  	[sflag:s7] =	ssyncset.done $0x0  }
0x120: {  	s25 =	rddreg [dreg:$0xc];
	[sflag:s7] =	ssyncadd.s32 $0xFFFFC000  }
0x121: {  	[hbm4b:s25+s3] =	stream.linear.scatter [tilespmem:s4], [sflag:$0x4], $0x4000, $0x38;
	[tilespmem:$0x1E100] =	vst v63  }
0x122: {  	_ =	swait.ge [sflag:s7], $0x4000  }
0x123: {  	[sflag:s7] =	ssyncset.done $0x0  }
0x124: {  	[sflag:s7] =	ssyncadd.s32 $0xFFFFC000  }
0x125: {  	[tilespmem:s4], [sflag:$0x4] =	stream.linear.gather [spmem:s29], $0x4000, $0x38;
	[tilespmem:$0x1E100] =	vst v63  }
0x126: {  	s17 =	sadd.s32 $0x1, s17;
	_ =	swait.ge [sflag:s7], $0x4000  }
0x127: {  	p0 =	sne.s32 s17, s31;
	[sflag:s7] =	ssyncset.done $0x0  }
.Ltmp2:
0x128: {  	s28 =	rddreg [dreg:$0xd];
	[sflag:s7] =	ssyncadd.s32 $0xFFFFC000;
	(pc) =	sbr.rel @p0 .LBB2_1-.Ltmp2, $4  }
0x129: {  	[hbm4b:s28+s3] =	stream.linear.scatter [tilespmem:s4], [sflag:$0x4], $0x4000, $0x38;
	[tilespmem:$0x1E100] =	vst v63  }
0x12a: {  	_ =	swait.ge [sflag:s7], $0x4000  }
0x12b: {  	[sflag:s7] =	ssyncset.done $0x0  }
0x12c: {  	[sflag:s7] =	ssyncadd.s32 $0xFFFFC000  }
0x12d: {  	_ =	sfence.sel $0x180000  }
0x12e: {  	[bflag:$0x0] =	sbarrier.arrive $0xFFFF  }
0x12f: {  	_ =	strace $0x90000047  }
0x130: {  	s0 =	stileid.u32;
	[bflag:$0x2] =	sbarrier.arrive $0xFFFF  }
0x131: {  	p0 =	sne.s32 s0, $0x0;
	s0 =	rddreg [dreg:$0x3]  }
0x132: {  	s0 =	sadd.s32 @!p0 $0x100000, s0  }
0x133: {  	[sflag:s0] =	ssyncadd.tile.s32 @!p0 $0x1;
	_ =	shalt  }
.Lfunc_end2:
_tile_overlayer_lowered:
.L_overlay_start_2:
0x134: {  	(tag) =	ssettag $0x2  }
0x135: {  	s0 =	rddreg [dreg:$0x0];
	s2 =	stileid.u32  }
0x136: {  	s1 =	rddreg [dreg:$0x1];
	p0 =	sne.s32 s2, $0x0  }
0x137: {  	s3 =	rddreg [dreg:$0x2];
	[bflag:$0x3] =	sbarrier.arrive $0xFFFF;
	s2 =	simm.s32 @!p0 $0x1C04  }
0x138: {  	[timem:s3], [sflag:s2] =	dma.local @!p0 [hbm:s0], s1  }
0x139: {  	s0 =	simm.s32 @!p0 $0x4  }
0x13a: {  	_ =	swait.ge @!p0 [sflag:s0], s1  }
0x13b: {  	s1 =	ssub.s32 @!p0 $0x0, s1;
	[sflag:s0] =	ssyncset.done @!p0 $0x0  }
0x13c: {  	[sflag:s0] =	ssyncadd.s32 @!p0 s1  }
0x13d: {  	[bflag:$0x3] =	sbarrier.arrive $0xFFFF  }
0x13e: {  	_ =	shalt  }

</sc_bundles>
